<compile_context>
chip_gen: v7x
topology: tpu7x:2x2x1
jax: 0.10.2.dev20260603
libtpu: 0.0.44.dev20260713+nightly
codegen_flags: <defaults>
</compile_context>

<pallas_src>
import jax
import jax.numpy as jnp
from jax import lax
from jax.experimental import pallas as pl
from jax.experimental.pallas import tpu as pltpu
from jax.experimental.pallas import tpu_sc as plsc

B = 16384
D = 32
NC = 2
NS = 16
NW = NC * NS
BPW = B // NW
GROUPS = BPW // 16
BLK = 128


def _mf_body(uids_hbm, iids_hbm, uT_hbm, iT_hbm, ubp_hbm, ibp_hbm,
             out_hbm,
             uid_v, iid_v, ub_v, ib_v, out_v,
             ublks, iblks,
             sem_u, sem_i, sem_b):
    wid = lax.axis_index("s") * NC + lax.axis_index("c")
    base = wid * BPW

    pltpu.sync_copy(uids_hbm.at[pl.ds(base, BPW)], uid_v)
    pltpu.sync_copy(iids_hbm.at[pl.ds(base, BPW)], iid_v)
    cp_ub = pltpu.async_copy(ubp_hbm.at[uid_v], ub_v, sem_b)
    cp_ib = pltpu.async_copy(ibp_hbm.at[iid_v], ib_v, sem_b)

    lanes = lax.iota(jnp.int32, 16)
    zero16 = jnp.zeros((16,), jnp.int32)

    def extract(j):
        off = pl.multiple_of((j >> 4) * 16, 16)
        m = lanes == (j & 15)
        uvec = uid_v[pl.ds(off, 16)]
        ivec = iid_v[pl.ds(off, 16)]
        us = lax.reduce_sum_p.bind(jnp.where(m, uvec, zero16), axes=(0,))
        vs = lax.reduce_sum_p.bind(jnp.where(m, ivec, zero16), axes=(0,))
        return us, vs

    def fetch(us, vs, ublk, iblk):
        ub = pl.multiple_of((us >> 7) * BLK, BLK)
        ib = pl.multiple_of((vs >> 7) * BLK, BLK)
        pltpu.async_copy(uT_hbm.at[:, pl.ds(ub, BLK)], ublk, sem_u)
        pltpu.async_copy(iT_hbm.at[:, pl.ds(ib, BLK)], iblk, sem_i)

    def consume(us, vs, ublk, iblk):
        pltpu.make_async_copy(uT_hbm.at[:, pl.ds(0, BLK)], ublk, sem_u).wait()
        pltpu.make_async_copy(iT_hbm.at[:, pl.ds(0, BLK)], iblk, sem_i).wait()
        cu = jnp.broadcast_to(us & (BLK - 1), (16,)).astype(jnp.int32)
        ci = jnp.broadcast_to(vs & (BLK - 1), (16,)).astype(jnp.int32)
        u0 = plsc.load_gather(ublk, [lanes, cu])
        u1 = plsc.load_gather(ublk, [lanes + 16, cu])
        i0 = plsc.load_gather(iblk, [lanes, ci])
        i1 = plsc.load_gather(iblk, [lanes + 16, ci])
        return lax.reduce_sum_p.bind(u0 * i0 + u1 * i1, axes=(0,))

    bufs = list(zip(ublks, iblks))
    DEPTH = 8
    pend = []
    for j in range(DEPTH - 1):
        e = extract(j)
        fetch(e[0], e[1], *bufs[j])
        pend.append(e)
    cp_ub.wait()
    cp_ib.wait()

    def group(g, carry):
        pend = list(zip(carry[0::2], carry[1::2]))
        j0 = g * 16
        sl = pl.ds(j0, 16)
        acc = ub_v[sl] + ib_v[sl]
        for k in range(16):
            j = j0 + k
            jn = jnp.minimum(j + DEPTH - 1, BPW - 1)
            en = extract(jn)

            @pl.when(j + DEPTH - 1 < BPW)
            def _():
                fetch(en[0], en[1], *bufs[(k + DEPTH - 1) % DEPTH])

            us, vs = pend[0]
            s = consume(us, vs, *bufs[k % DEPTH])
            acc = jnp.where(lanes == k, jnp.broadcast_to(s, (16,)), acc)
            pend = pend[1:] + [en]
        out_v[sl] = acc
        return tuple(x for e in pend for x in e)

    init = tuple(x for e in pend for x in e)
    lax.fori_loop(0, GROUPS, group, init)
    pltpu.sync_copy(out_v, out_hbm.at[pl.ds(base, BPW)])


def kernel(users_ids, items_ids, user_bias, item_bias, user_emb_table,
           item_emb_table, global_bias, user_bias_param, item_bias_param):
    mesh = plsc.VectorSubcoreMesh(core_axis_name="c", subcore_axis_name="s",
                                  num_cores=NC, num_subcores=NS)
    run = pl.kernel(
        _mf_body,
        out_type=jax.ShapeDtypeStruct((B,), jnp.float32),
        mesh=mesh,
        compiler_params=pltpu.CompilerParams(needs_layout_passes=False,
                                             use_tc_tiling_on_sc=True),
        scratch_types=[
            pltpu.VMEM((BPW,), jnp.int32),
            pltpu.VMEM((BPW,), jnp.int32),
            pltpu.VMEM((BPW,), jnp.float32),
            pltpu.VMEM((BPW,), jnp.float32),
            pltpu.VMEM((BPW,), jnp.float32),
            [pltpu.VMEM((D, BLK), jnp.float32) for _ in range(8)],
            [pltpu.VMEM((D, BLK), jnp.float32) for _ in range(8)],
            pltpu.SemaphoreType.DMA,
            pltpu.SemaphoreType.DMA,
            pltpu.SemaphoreType.DMA,
        ],
    )
    pred = run(users_ids.astype(jnp.int32), items_ids.astype(jnp.int32),
               user_emb_table.T, item_emb_table.T,
               user_bias_param, item_bias_param)
    return pred + global_bias

# --- scband reference (transcript-rebuilt; emitter-appended) ---
"""Pipeline reference for scband-matrix-factorization-14439680049285 (READ-ONLY COPY).

The authoritative reference and input builder live on the scoring server;
editing this copy changes nothing except your own understanding.
"""

import jax, jax.numpy as jnp
import numpy as np

B = 16384
NUM_USERS = 1000000
N_ITEMS = 1000000
D = 32


def setup_inputs(seed: int = 0) -> dict:
    key = jax.random.key(seed)
    ks = jax.random.split(key, 6)
    return {
        "users_ids": jax.random.randint(ks[0], (B,), 0, NUM_USERS, dtype=jnp.int64 if jax.config.jax_enable_x64 else jnp.int32),
        "items_ids": jax.random.randint(ks[1], (B,), 0, N_ITEMS, dtype=jnp.int64 if jax.config.jax_enable_x64 else jnp.int32),
        "user_bias": jax.random.normal(ks[2], (B,), dtype=jnp.float32),
        "item_bias": jax.random.normal(ks[3], (B,), dtype=jnp.float32),
        "user_emb_table": jax.random.normal(ks[4], (NUM_USERS, D), dtype=jnp.float32) * 0.01,
        "item_emb_table": jax.random.normal(ks[5], (N_ITEMS, D), dtype=jnp.float32) * 0.01,
        "global_bias": jnp.zeros((1,), dtype=jnp.float32),
        "user_bias_param": jnp.zeros((NUM_USERS,), dtype=jnp.float32),
        "item_bias_param": jnp.zeros((N_ITEMS,), dtype=jnp.float32),
    }


def reference(users_ids, items_ids, user_bias, item_bias, user_emb_table, item_emb_table, global_bias, user_bias_param, item_bias_param):
    # Note: the torch module overwrites the passed-in user_bias/item_bias args
    # with lookups from its own parameters; we replicate that behavior.
    user_embeds = jnp.take(user_emb_table, users_ids, axis=0)
    item_embeds = jnp.take(item_emb_table, items_ids, axis=0)
    ub = jnp.take(user_bias_param, users_ids, axis=0)
    ib = jnp.take(item_bias_param, items_ids, axis=0)
    prediction = global_bias + ub + ib + jnp.sum(user_embeds * item_embeds, axis=1)
    return prediction

if __name__ == "__main__":
    import jax
    _d = setup_inputs()
    print(jax.jit(kernel)(*tuple(_d.values())))

</pallas_src>

<mosaic_0001>
#map = affine_map<(d0, d1) -> (0)>
#map1 = affine_map<(d0, d1) -> (0, 0)>
module attributes {stable_mosaic.version = 14 : i64} {
  func.func @_mf_body(%arg0: i32, %arg1: i32, %arg2: memref<16384xi32, #tpu.memory_space<hbm>>, %arg3: memref<16384xi32, #tpu.memory_space<hbm>>, %arg4: memref<32x1000000xf32, #tpu.memory_space<hbm>>, %arg5: memref<32x1000000xf32, #tpu.memory_space<hbm>>, %arg6: memref<1000000xf32, #tpu.memory_space<hbm>>, %arg7: memref<1000000xf32, #tpu.memory_space<hbm>>, %arg8: memref<16384xf32, #tpu.memory_space<hbm>>, %arg9: memref<512xi32, #tpu.memory_space<vmem>>, %arg10: memref<512xi32, #tpu.memory_space<vmem>>, %arg11: memref<512xf32, #tpu.memory_space<vmem>>, %arg12: memref<512xf32, #tpu.memory_space<vmem>>, %arg13: memref<512xf32, #tpu.memory_space<vmem>>, %arg14: memref<32x128xf32, #tpu.memory_space<vmem>>, %arg15: memref<32x128xf32, #tpu.memory_space<vmem>>, %arg16: memref<32x128xf32, #tpu.memory_space<vmem>>, %arg17: memref<32x128xf32, #tpu.memory_space<vmem>>, %arg18: memref<32x128xf32, #tpu.memory_space<vmem>>, %arg19: memref<32x128xf32, #tpu.memory_space<vmem>>, %arg20: memref<32x128xf32, #tpu.memory_space<vmem>>, %arg21: memref<32x128xf32, #tpu.memory_space<vmem>>, %arg22: memref<32x128xf32, #tpu.memory_space<vmem>>, %arg23: memref<32x128xf32, #tpu.memory_space<vmem>>, %arg24: memref<32x128xf32, #tpu.memory_space<vmem>>, %arg25: memref<32x128xf32, #tpu.memory_space<vmem>>, %arg26: memref<32x128xf32, #tpu.memory_space<vmem>>, %arg27: memref<32x128xf32, #tpu.memory_space<vmem>>, %arg28: memref<32x128xf32, #tpu.memory_space<vmem>>, %arg29: memref<32x128xf32, #tpu.memory_space<vmem>>, %arg30: memref<!tpu.dma_semaphore, #tpu.memory_space<semaphore_mem>>, %arg31: memref<!tpu.dma_semaphore, #tpu.memory_space<semaphore_mem>>, %arg32: memref<!tpu.dma_semaphore, #tpu.memory_space<semaphore_mem>>) attributes {dimension_semantics = [#tpu.dimension_semantics<core_parallel>, #tpu.dimension_semantics<subcore_parallel>], iteration_bounds = array<i64: 2, 16>, scalar_prefetch = 0 : i64, scratch_operands = 24 : i64, tpu.core_type = #tpu.core_type<sc_vector_subcore>, window_params = [{transform_indices = #map}, {transform_indices = #map}, {transform_indices = #map1}, {transform_indices = #map1}, {transform_indices = #map}, {transform_indices = #map}, {transform_indices = #map}]} {
    %mul3A = arith.constant 2 : i32
    %mul3A_0 = arith.muli %arg1, %mul3A : i32
    %add3A = arith.addi %mul3A_0, %arg0 : i32
    %mul3A_1 = arith.constant 512 : i32
    %mul3A_2 = arith.muli %add3A, %mul3A_1 : i32
    "tpu.region"() ({
      %run_scoped3A = tpu.sem_alloc : memref<!tpu.dma_semaphore, #tpu.memory_space<semaphore_mem>>
      %dma_start3A_268 = tpu.memref_slice %arg2[%mul3A_2] : memref<16384xi32, #tpu.memory_space<hbm>> -> memref<512xi32, #tpu.memory_space<hbm>>
      %dma_start3A_269 = tpu.memref_slice %arg2[%mul3A_2] : memref<16384xi32, #tpu.memory_space<hbm>> -> memref<512xi32, #tpu.memory_space<hbm>>
      tpu.enqueue_dma source(%dma_start3A_269 : memref<512xi32, #tpu.memory_space<hbm>>) target(%arg9 : memref<512xi32, #tpu.memory_space<vmem>>) target_semaphore(%run_scoped3A : memref<!tpu.dma_semaphore, #tpu.memory_space<semaphore_mem>>)
      %dma_wait3A_270 = tpu.memref_slice %arg2[%mul3A_2] : memref<16384xi32, #tpu.memory_space<hbm>> -> memref<512xi32, #tpu.memory_space<hbm>>
      %dma_wait3A_271 = tpu.memref_slice %arg2[%mul3A_2] : memref<16384xi32, #tpu.memory_space<hbm>> -> memref<512xi32, #tpu.memory_space<hbm>>
      tpu.wait_dma2 semaphore(%run_scoped3A : memref<!tpu.dma_semaphore, #tpu.memory_space<semaphore_mem>>) src(%dma_wait3A_271 : memref<512xi32, #tpu.memory_space<hbm>>) dst(%arg9 : memref<512xi32, #tpu.memory_space<vmem>>)
      tpu.yield
    }) : () -> ()
    "tpu.region"() ({
      %run_scoped3A = tpu.sem_alloc : memref<!tpu.dma_semaphore, #tpu.memory_space<semaphore_mem>>
      %dma_start3A_268 = tpu.memref_slice %arg3[%mul3A_2] : memref<16384xi32, #tpu.memory_space<hbm>> -> memref<512xi32, #tpu.memory_space<hbm>>
      %dma_start3A_269 = tpu.memref_slice %arg3[%mul3A_2] : memref<16384xi32, #tpu.memory_space<hbm>> -> memref<512xi32, #tpu.memory_space<hbm>>
      tpu.enqueue_dma source(%dma_start3A_269 : memref<512xi32, #tpu.memory_space<hbm>>) target(%arg10 : memref<512xi32, #tpu.memory_space<vmem>>) target_semaphore(%run_scoped3A : memref<!tpu.dma_semaphore, #tpu.memory_space<semaphore_mem>>)
      %dma_wait3A_270 = tpu.memref_slice %arg3[%mul3A_2] : memref<16384xi32, #tpu.memory_space<hbm>> -> memref<512xi32, #tpu.memory_space<hbm>>
      %dma_wait3A_271 = tpu.memref_slice %arg3[%mul3A_2] : memref<16384xi32, #tpu.memory_space<hbm>> -> memref<512xi32, #tpu.memory_space<hbm>>
      tpu.wait_dma2 semaphore(%run_scoped3A : memref<!tpu.dma_semaphore, #tpu.memory_space<semaphore_mem>>) src(%dma_wait3A_271 : memref<512xi32, #tpu.memory_space<hbm>>) dst(%arg10 : memref<512xi32, #tpu.memory_space<vmem>>)
      tpu.yield
    }) : () -> ()
    %dma_start3A = arith.constant 0 : i32
    %dma_start3A_3 = tpu.memref_slice %arg6[%dma_start3A] : memref<1000000xf32, #tpu.memory_space<hbm>> -> memref<1000000xf32, #tpu.memory_space<hbm>>
    tpu.enqueue_indirect_dma source(%dma_start3A_3 : memref<1000000xf32, #tpu.memory_space<hbm>>) target(%arg11 : memref<512xf32, #tpu.memory_space<vmem>>) offsets(%arg9 : memref<512xi32, #tpu.memory_space<vmem>>) semaphore(%arg32 : memref<!tpu.dma_semaphore, #tpu.memory_space<semaphore_mem>>)
    %dma_start3A_4 = arith.constant 0 : i32
    %dma_start3A_5 = tpu.memref_slice %arg7[%dma_start3A_4] : memref<1000000xf32, #tpu.memory_space<hbm>> -> memref<1000000xf32, #tpu.memory_space<hbm>>
    tpu.enqueue_indirect_dma source(%dma_start3A_5 : memref<1000000xf32, #tpu.memory_space<hbm>>) target(%arg12 : memref<512xf32, #tpu.memory_space<vmem>>) offsets(%arg10 : memref<512xi32, #tpu.memory_space<vmem>>) semaphore(%arg32 : memref<!tpu.dma_semaphore, #tpu.memory_space<semaphore_mem>>)
    %iota3A = tpu.iota {dimensions = array<i32: 0>} : vector<16xi32>
    %broadcast_in_dim3A = arith.constant 0 : i32
    %broadcast_in_dim3A_6 = vector.broadcast %broadcast_in_dim3A : i32 to vector<16xi32>
    %multiple_of3A = arith.constant 0 : i32
    %multiple_of3A_7 = tpu.assume_multiple %multiple_of3A, 16 : i32
    %eq3A = arith.constant 0 : i32
    %eq3A_8 = vector.broadcast %eq3A : i32 to vector<16xi32>
    %eq3A_9 = arith.cmpi eq, %iota3A, %eq3A_8 : vector<16xi32>
    %get3A = arith.index_cast %multiple_of3A_7 : i32 to index
    %get3A_10 = tpu.vector_load %arg9[%get3A] {strides = array<i32>} : memref<512xi32, #tpu.memory_space<vmem>>, vector<16xi32>,
    %get3A_11 = arith.index_cast %multiple_of3A_7 : i32 to index
    %get3A_12 = tpu.vector_load %arg10[%get3A_11] {strides = array<i32>} : memref<512xi32, #tpu.memory_space<vmem>>, vector<16xi32>,
    %select_n3A = arith.select %eq3A_9, %get3A_10, %broadcast_in_dim3A_6 : vector<16xi1>, vector<16xi32>
    %reduce_sum3A = arith.constant true
    %reduce_sum3A_13 = vector.broadcast %reduce_sum3A : i1 to vector<16xi1>
    %reduce_sum3A_14 = tpu.scan <sum>, %select_n3A masked %reduce_sum3A_13 : vector<16xi32>, vector<16xi1> -> vector<16xi32>
    %reduce_sum3A_15 = vector.extract %reduce_sum3A_14[15] : i32 from vector<16xi32>
    %select_n3A_16 = arith.select %eq3A_9, %get3A_12, %broadcast_in_dim3A_6 : vector<16xi1>, vector<16xi32>
    %reduce_sum3A_17 = arith.constant true
    %reduce_sum3A_18 = vector.broadcast %reduce_sum3A_17 : i1 to vector<16xi1>
    %reduce_sum3A_19 = tpu.scan <sum>, %select_n3A_16 masked %reduce_sum3A_18 : vector<16xi32>, vector<16xi1> -> vector<16xi32>
    %reduce_sum3A_20 = vector.extract %reduce_sum3A_19[15] : i32 from vector<16xi32>
    %shift_right_arithmetic3A = arith.constant 7 : i32
    %shift_right_arithmetic3A_21 = arith.shrsi %reduce_sum3A_15, %shift_right_arithmetic3A : i32
    %mul3A_22 = arith.constant 128 : i32
    %mul3A_23 = arith.muli %shift_right_arithmetic3A_21, %mul3A_22 : i32
    %multiple_of3A_24 = tpu.assume_multiple %mul3A_23, 128 : i32
    %shift_right_arithmetic3A_25 = arith.constant 7 : i32
    %shift_right_arithmetic3A_26 = arith.shrsi %reduce_sum3A_20, %shift_right_arithmetic3A_25 : i32
    %mul3A_27 = arith.constant 128 : i32
    %mul3A_28 = arith.muli %shift_right_arithmetic3A_26, %mul3A_27 : i32
    %multiple_of3A_29 = tpu.assume_multiple %mul3A_28, 128 : i32
    %dma_start3A_30 = arith.constant 0 : i32
    %dma_start3A_31 = tpu.memref_slice %arg4[%dma_start3A_30, %multiple_of3A_24] : memref<32x1000000xf32, #tpu.memory_space<hbm>> -> memref<32x128xf32, #tpu.memory_space<hbm>>
    %dma_start3A_32 = arith.constant 0 : i32
    %dma_start3A_33 = tpu.memref_slice %arg4[%dma_start3A_32, %multiple_of3A_24] : memref<32x1000000xf32, #tpu.memory_space<hbm>> -> memref<32x128xf32, #tpu.memory_space<hbm>>
    tpu.enqueue_dma source(%dma_start3A_33 : memref<32x128xf32, #tpu.memory_space<hbm>>) target(%arg14 : memref<32x128xf32, #tpu.memory_space<vmem>>) target_semaphore(%arg30 : memref<!tpu.dma_semaphore, #tpu.memory_space<semaphore_mem>>)
    %dma_start3A_34 = arith.constant 0 : i32
    %dma_start3A_35 = tpu.memref_slice %arg5[%dma_start3A_34, %multiple_of3A_29] : memref<32x1000000xf32, #tpu.memory_space<hbm>> -> memref<32x128xf32, #tpu.memory_space<hbm>>
    %dma_start3A_36 = arith.constant 0 : i32
    %dma_start3A_37 = tpu.memref_slice %arg5[%dma_start3A_36, %multiple_of3A_29] : memref<32x1000000xf32, #tpu.memory_space<hbm>> -> memref<32x128xf32, #tpu.memory_space<hbm>>
    tpu.enqueue_dma source(%dma_start3A_37 : memref<32x128xf32, #tpu.memory_space<hbm>>) target(%arg22 : memref<32x128xf32, #tpu.memory_space<vmem>>) target_semaphore(%arg31 : memref<!tpu.dma_semaphore, #tpu.memory_space<semaphore_mem>>)
    %multiple_of3A_38 = arith.constant 0 : i32
    %multiple_of3A_39 = tpu.assume_multiple %multiple_of3A_38, 16 : i32
    %eq3A_40 = arith.constant 1 : i32
    %eq3A_41 = vector.broadcast %eq3A_40 : i32 to vector<16xi32>
    %eq3A_42 = arith.cmpi eq, %iota3A, %eq3A_41 : vector<16xi32>
    %get3A_43 = arith.index_cast %multiple_of3A_39 : i32 to index
    %get3A_44 = tpu.vector_load %arg9[%get3A_43] {strides = array<i32>} : memref<512xi32, #tpu.memory_space<vmem>>, vector<16xi32>,
    %get3A_45 = arith.index_cast %multiple_of3A_39 : i32 to index
    %get3A_46 = tpu.vector_load %arg10[%get3A_45] {strides = array<i32>} : memref<512xi32, #tpu.memory_space<vmem>>, vector<16xi32>,
    %select_n3A_47 = arith.select %eq3A_42, %get3A_44, %broadcast_in_dim3A_6 : vector<16xi1>, vector<16xi32>
    %reduce_sum3A_48 = arith.constant true
    %reduce_sum3A_49 = vector.broadcast %reduce_sum3A_48 : i1 to vector<16xi1>
    %reduce_sum3A_50 = tpu.scan <sum>, %select_n3A_47 masked %reduce_sum3A_49 : vector<16xi32>, vector<16xi1> -> vector<16xi32>
    %reduce_sum3A_51 = vector.extract %reduce_sum3A_50[15] : i32 from vector<16xi32>
    %select_n3A_52 = arith.select %eq3A_42, %get3A_46, %broadcast_in_dim3A_6 : vector<16xi1>, vector<16xi32>
    %reduce_sum3A_53 = arith.constant true
    %reduce_sum3A_54 = vector.broadcast %reduce_sum3A_53 : i1 to vector<16xi1>
    %reduce_sum3A_55 = tpu.scan <sum>, %select_n3A_52 masked %reduce_sum3A_54 : vector<16xi32>, vector<16xi1> -> vector<16xi32>
    %reduce_sum3A_56 = vector.extract %reduce_sum3A_55[15] : i32 from vector<16xi32>
    %shift_right_arithmetic3A_57 = arith.constant 7 : i32
    %shift_right_arithmetic3A_58 = arith.shrsi %reduce_sum3A_51, %shift_right_arithmetic3A_57 : i32
    %mul3A_59 = arith.constant 128 : i32
    %mul3A_60 = arith.muli %shift_right_arithmetic3A_58, %mul3A_59 : i32
    %multiple_of3A_61 = tpu.assume_multiple %mul3A_60, 128 : i32
    %shift_right_arithmetic3A_62 = arith.constant 7 : i32
    %shift_right_arithmetic3A_63 = arith.shrsi %reduce_sum3A_56, %shift_right_arithmetic3A_62 : i32
    %mul3A_64 = arith.constant 128 : i32
    %mul3A_65 = arith.muli %shift_right_arithmetic3A_63, %mul3A_64 : i32
    %multiple_of3A_66 = tpu.assume_multiple %mul3A_65, 128 : i32
    %dma_start3A_67 = arith.constant 0 : i32
    %dma_start3A_68 = tpu.memref_slice %arg4[%dma_start3A_67, %multiple_of3A_61] : memref<32x1000000xf32, #tpu.memory_space<hbm>> -> memref<32x128xf32, #tpu.memory_space<hbm>>
    %dma_start3A_69 = arith.constant 0 : i32
    %dma_start3A_70 = tpu.memref_slice %arg4[%dma_start3A_69, %multiple_of3A_61] : memref<32x1000000xf32, #tpu.memory_space<hbm>> -> memref<32x128xf32, #tpu.memory_space<hbm>>
    tpu.enqueue_dma source(%dma_start3A_70 : memref<32x128xf32, #tpu.memory_space<hbm>>) target(%arg15 : memref<32x128xf32, #tpu.memory_space<vmem>>) target_semaphore(%arg30 : memref<!tpu.dma_semaphore, #tpu.memory_space<semaphore_mem>>)
    %dma_start3A_71 = arith.constant 0 : i32
    %dma_start3A_72 = tpu.memref_slice %arg5[%dma_start3A_71, %multiple_of3A_66] : memref<32x1000000xf32, #tpu.memory_space<hbm>> -> memref<32x128xf32, #tpu.memory_space<hbm>>
    %dma_start3A_73 = arith.constant 0 : i32
    %dma_start3A_74 = tpu.memref_slice %arg5[%dma_start3A_73, %multiple_of3A_66] : memref<32x1000000xf32, #tpu.memory_space<hbm>> -> memref<32x128xf32, #tpu.memory_space<hbm>>
    tpu.enqueue_dma source(%dma_start3A_74 : memref<32x128xf32, #tpu.memory_space<hbm>>) target(%arg23 : memref<32x128xf32, #tpu.memory_space<vmem>>) target_semaphore(%arg31 : memref<!tpu.dma_semaphore, #tpu.memory_space<semaphore_mem>>)
    %multiple_of3A_75 = arith.constant 0 : i32
    %multiple_of3A_76 = tpu.assume_multiple %multiple_of3A_75, 16 : i32
    %eq3A_77 = arith.constant 2 : i32
    %eq3A_78 = vector.broadcast %eq3A_77 : i32 to vector<16xi32>
    %eq3A_79 = arith.cmpi eq, %iota3A, %eq3A_78 : vector<16xi32>
    %get3A_80 = arith.index_cast %multiple_of3A_76 : i32 to index
    %get3A_81 = tpu.vector_load %arg9[%get3A_80] {strides = array<i32>} : memref<512xi32, #tpu.memory_space<vmem>>, vector<16xi32>,
    %get3A_82 = arith.index_cast %multiple_of3A_76 : i32 to index
    %get3A_83 = tpu.vector_load %arg10[%get3A_82] {strides = array<i32>} : memref<512xi32, #tpu.memory_space<vmem>>, vector<16xi32>,
    %select_n3A_84 = arith.select %eq3A_79, %get3A_81, %broadcast_in_dim3A_6 : vector<16xi1>, vector<16xi32>
    %reduce_sum3A_85 = arith.constant true
    %reduce_sum3A_86 = vector.broadcast %reduce_sum3A_85 : i1 to vector<16xi1>
    %reduce_sum3A_87 = tpu.scan <sum>, %select_n3A_84 masked %reduce_sum3A_86 : vector<16xi32>, vector<16xi1> -> vector<16xi32>
    %reduce_sum3A_88 = vector.extract %reduce_sum3A_87[15] : i32 from vector<16xi32>
    %select_n3A_89 = arith.select %eq3A_79, %get3A_83, %broadcast_in_dim3A_6 : vector<16xi1>, vector<16xi32>
    %reduce_sum3A_90 = arith.constant true
    %reduce_sum3A_91 = vector.broadcast %reduce_sum3A_90 : i1 to vector<16xi1>
    %reduce_sum3A_92 = tpu.scan <sum>, %select_n3A_89 masked %reduce_sum3A_91 : vector<16xi32>, vector<16xi1> -> vector<16xi32>
    %reduce_sum3A_93 = vector.extract %reduce_sum3A_92[15] : i32 from vector<16xi32>
    %shift_right_arithmetic3A_94 = arith.constant 7 : i32
    %shift_right_arithmetic3A_95 = arith.shrsi %reduce_sum3A_88, %shift_right_arithmetic3A_94 : i32
    %mul3A_96 = arith.constant 128 : i32
    %mul3A_97 = arith.muli %shift_right_arithmetic3A_95, %mul3A_96 : i32
    %multiple_of3A_98 = tpu.assume_multiple %mul3A_97, 128 : i32
    %shift_right_arithmetic3A_99 = arith.constant 7 : i32
    %shift_right_arithmetic3A_100 = arith.shrsi %reduce_sum3A_93, %shift_right_arithmetic3A_99 : i32
    %mul3A_101 = arith.constant 128 : i32
    %mul3A_102 = arith.muli %shift_right_arithmetic3A_100, %mul3A_101 : i32
    %multiple_of3A_103 = tpu.assume_multiple %mul3A_102, 128 : i32
    %dma_start3A_104 = arith.constant 0 : i32
    %dma_start3A_105 = tpu.memref_slice %arg4[%dma_start3A_104, %multiple_of3A_98] : memref<32x1000000xf32, #tpu.memory_space<hbm>> -> memref<32x128xf32, #tpu.memory_space<hbm>>
    %dma_start3A_106 = arith.constant 0 : i32
    %dma_start3A_107 = tpu.memref_slice %arg4[%dma_start3A_106, %multiple_of3A_98] : memref<32x1000000xf32, #tpu.memory_space<hbm>> -> memref<32x128xf32, #tpu.memory_space<hbm>>
    tpu.enqueue_dma source(%dma_start3A_107 : memref<32x128xf32, #tpu.memory_space<hbm>>) target(%arg16 : memref<32x128xf32, #tpu.memory_space<vmem>>) target_semaphore(%arg30 : memref<!tpu.dma_semaphore, #tpu.memory_space<semaphore_mem>>)
    %dma_start3A_108 = arith.constant 0 : i32
    %dma_start3A_109 = tpu.memref_slice %arg5[%dma_start3A_108, %multiple_of3A_103] : memref<32x1000000xf32, #tpu.memory_space<hbm>> -> memref<32x128xf32, #tpu.memory_space<hbm>>
    %dma_start3A_110 = arith.constant 0 : i32
    %dma_start3A_111 = tpu.memref_slice %arg5[%dma_start3A_110, %multiple_of3A_103] : memref<32x1000000xf32, #tpu.memory_space<hbm>> -> memref<32x128xf32, #tpu.memory_space<hbm>>
    tpu.enqueue_dma source(%dma_start3A_111 : memref<32x128xf32, #tpu.memory_space<hbm>>) target(%arg24 : memref<32x128xf32, #tpu.memory_space<vmem>>) target_semaphore(%arg31 : memref<!tpu.dma_semaphore, #tpu.memory_space<semaphore_mem>>)
    %multiple_of3A_112 = arith.constant 0 : i32
    %multiple_of3A_113 = tpu.assume_multiple %multiple_of3A_112, 16 : i32
    %eq3A_114 = arith.constant 3 : i32
    %eq3A_115 = vector.broadcast %eq3A_114 : i32 to vector<16xi32>
    %eq3A_116 = arith.cmpi eq, %iota3A, %eq3A_115 : vector<16xi32>
    %get3A_117 = arith.index_cast %multiple_of3A_113 : i32 to index
    %get3A_118 = tpu.vector_load %arg9[%get3A_117] {strides = array<i32>} : memref<512xi32, #tpu.memory_space<vmem>>, vector<16xi32>,
    %get3A_119 = arith.index_cast %multiple_of3A_113 : i32 to index
    %get3A_120 = tpu.vector_load %arg10[%get3A_119] {strides = array<i32>} : memref<512xi32, #tpu.memory_space<vmem>>, vector<16xi32>,
    %select_n3A_121 = arith.select %eq3A_116, %get3A_118, %broadcast_in_dim3A_6 : vector<16xi1>, vector<16xi32>
    %reduce_sum3A_122 = arith.constant true
    %reduce_sum3A_123 = vector.broadcast %reduce_sum3A_122 : i1 to vector<16xi1>
    %reduce_sum3A_124 = tpu.scan <sum>, %select_n3A_121 masked %reduce_sum3A_123 : vector<16xi32>, vector<16xi1> -> vector<16xi32>
    %reduce_sum3A_125 = vector.extract %reduce_sum3A_124[15] : i32 from vector<16xi32>
    %select_n3A_126 = arith.select %eq3A_116, %get3A_120, %broadcast_in_dim3A_6 : vector<16xi1>, vector<16xi32>
    %reduce_sum3A_127 = arith.constant true
    %reduce_sum3A_128 = vector.broadcast %reduce_sum3A_127 : i1 to vector<16xi1>
    %reduce_sum3A_129 = tpu.scan <sum>, %select_n3A_126 masked %reduce_sum3A_128 : vector<16xi32>, vector<16xi1> -> vector<16xi32>
    %reduce_sum3A_130 = vector.extract %reduce_sum3A_129[15] : i32 from vector<16xi32>
    %shift_right_arithmetic3A_131 = arith.constant 7 : i32
    %shift_right_arithmetic3A_132 = arith.shrsi %reduce_sum3A_125, %shift_right_arithmetic3A_131 : i32
    %mul3A_133 = arith.constant 128 : i32
    %mul3A_134 = arith.muli %shift_right_arithmetic3A_132, %mul3A_133 : i32
    %multiple_of3A_135 = tpu.assume_multiple %mul3A_134, 128 : i32
    %shift_right_arithmetic3A_136 = arith.constant 7 : i32
    %shift_right_arithmetic3A_137 = arith.shrsi %reduce_sum3A_130, %shift_right_arithmetic3A_136 : i32
    %mul3A_138 = arith.constant 128 : i32
    %mul3A_139 = arith.muli %shift_right_arithmetic3A_137, %mul3A_138 : i32
    %multiple_of3A_140 = tpu.assume_multiple %mul3A_139, 128 : i32
    %dma_start3A_141 = arith.constant 0 : i32
    %dma_start3A_142 = tpu.memref_slice %arg4[%dma_start3A_141, %multiple_of3A_135] : memref<32x1000000xf32, #tpu.memory_space<hbm>> -> memref<32x128xf32, #tpu.memory_space<hbm>>
    %dma_start3A_143 = arith.constant 0 : i32
    %dma_start3A_144 = tpu.memref_slice %arg4[%dma_start3A_143, %multiple_of3A_135] : memref<32x1000000xf32, #tpu.memory_space<hbm>> -> memref<32x128xf32, #tpu.memory_space<hbm>>
    tpu.enqueue_dma source(%dma_start3A_144 : memref<32x128xf32, #tpu.memory_space<hbm>>) target(%arg17 : memref<32x128xf32, #tpu.memory_space<vmem>>) target_semaphore(%arg30 : memref<!tpu.dma_semaphore, #tpu.memory_space<semaphore_mem>>)
    %dma_start3A_145 = arith.constant 0 : i32
    %dma_start3A_146 = tpu.memref_slice %arg5[%dma_start3A_145, %multiple_of3A_140] : memref<32x1000000xf32, #tpu.memory_space<hbm>> -> memref<32x128xf32, #tpu.memory_space<hbm>>
    %dma_start3A_147 = arith.constant 0 : i32
    %dma_start3A_148 = tpu.memref_slice %arg5[%dma_start3A_147, %multiple_of3A_140] : memref<32x1000000xf32, #tpu.memory_space<hbm>> -> memref<32x128xf32, #tpu.memory_space<hbm>>
    tpu.enqueue_dma source(%dma_start3A_148 : memref<32x128xf32, #tpu.memory_space<hbm>>) target(%arg25 : memref<32x128xf32, #tpu.memory_space<vmem>>) target_semaphore(%arg31 : memref<!tpu.dma_semaphore, #tpu.memory_space<semaphore_mem>>)
    %multiple_of3A_149 = arith.constant 0 : i32
    %multiple_of3A_150 = tpu.assume_multiple %multiple_of3A_149, 16 : i32
    %eq3A_151 = arith.constant 4 : i32
    %eq3A_152 = vector.broadcast %eq3A_151 : i32 to vector<16xi32>
    %eq3A_153 = arith.cmpi eq, %iota3A, %eq3A_152 : vector<16xi32>
    %get3A_154 = arith.index_cast %multiple_of3A_150 : i32 to index
    %get3A_155 = tpu.vector_load %arg9[%get3A_154] {strides = array<i32>} : memref<512xi32, #tpu.memory_space<vmem>>, vector<16xi32>,
    %get3A_156 = arith.index_cast %multiple_of3A_150 : i32 to index
    %get3A_157 = tpu.vector_load %arg10[%get3A_156] {strides = array<i32>} : memref<512xi32, #tpu.memory_space<vmem>>, vector<16xi32>,
    %select_n3A_158 = arith.select %eq3A_153, %get3A_155, %broadcast_in_dim3A_6 : vector<16xi1>, vector<16xi32>
    %reduce_sum3A_159 = arith.constant true
    %reduce_sum3A_160 = vector.broadcast %reduce_sum3A_159 : i1 to vector<16xi1>
    %reduce_sum3A_161 = tpu.scan <sum>, %select_n3A_158 masked %reduce_sum3A_160 : vector<16xi32>, vector<16xi1> -> vector<16xi32>
    %reduce_sum3A_162 = vector.extract %reduce_sum3A_161[15] : i32 from vector<16xi32>
    %select_n3A_163 = arith.select %eq3A_153, %get3A_157, %broadcast_in_dim3A_6 : vector<16xi1>, vector<16xi32>
    %reduce_sum3A_164 = arith.constant true
    %reduce_sum3A_165 = vector.broadcast %reduce_sum3A_164 : i1 to vector<16xi1>
    %reduce_sum3A_166 = tpu.scan <sum>, %select_n3A_163 masked %reduce_sum3A_165 : vector<16xi32>, vector<16xi1> -> vector<16xi32>
    %reduce_sum3A_167 = vector.extract %reduce_sum3A_166[15] : i32 from vector<16xi32>
    %shift_right_arithmetic3A_168 = arith.constant 7 : i32
    %shift_right_arithmetic3A_169 = arith.shrsi %reduce_sum3A_162, %shift_right_arithmetic3A_168 : i32
    %mul3A_170 = arith.constant 128 : i32
    %mul3A_171 = arith.muli %shift_right_arithmetic3A_169, %mul3A_170 : i32
    %multiple_of3A_172 = tpu.assume_multiple %mul3A_171, 128 : i32
    %shift_right_arithmetic3A_173 = arith.constant 7 : i32
    %shift_right_arithmetic3A_174 = arith.shrsi %reduce_sum3A_167, %shift_right_arithmetic3A_173 : i32
    %mul3A_175 = arith.constant 128 : i32
    %mul3A_176 = arith.muli %shift_right_arithmetic3A_174, %mul3A_175 : i32
    %multiple_of3A_177 = tpu.assume_multiple %mul3A_176, 128 : i32
    %dma_start3A_178 = arith.constant 0 : i32
    %dma_start3A_179 = tpu.memref_slice %arg4[%dma_start3A_178, %multiple_of3A_172] : memref<32x1000000xf32, #tpu.memory_space<hbm>> -> memref<32x128xf32, #tpu.memory_space<hbm>>
    %dma_start3A_180 = arith.constant 0 : i32
    %dma_start3A_181 = tpu.memref_slice %arg4[%dma_start3A_180, %multiple_of3A_172] : memref<32x1000000xf32, #tpu.memory_space<hbm>> -> memref<32x128xf32, #tpu.memory_space<hbm>>
    tpu.enqueue_dma source(%dma_start3A_181 : memref<32x128xf32, #tpu.memory_space<hbm>>) target(%arg18 : memref<32x128xf32, #tpu.memory_space<vmem>>) target_semaphore(%arg30 : memref<!tpu.dma_semaphore, #tpu.memory_space<semaphore_mem>>)
    %dma_start3A_182 = arith.constant 0 : i32
    %dma_start3A_183 = tpu.memref_slice %arg5[%dma_start3A_182, %multiple_of3A_177] : memref<32x1000000xf32, #tpu.memory_space<hbm>> -> memref<32x128xf32, #tpu.memory_space<hbm>>
    %dma_start3A_184 = arith.constant 0 : i32
    %dma_start3A_185 = tpu.memref_slice %arg5[%dma_start3A_184, %multiple_of3A_177] : memref<32x1000000xf32, #tpu.memory_space<hbm>> -> memref<32x128xf32, #tpu.memory_space<hbm>>
    tpu.enqueue_dma source(%dma_start3A_185 : memref<32x128xf32, #tpu.memory_space<hbm>>) target(%arg26 : memref<32x128xf32, #tpu.memory_space<vmem>>) target_semaphore(%arg31 : memref<!tpu.dma_semaphore, #tpu.memory_space<semaphore_mem>>)
    %multiple_of3A_186 = arith.constant 0 : i32
    %multiple_of3A_187 = tpu.assume_multiple %multiple_of3A_186, 16 : i32
    %eq3A_188 = arith.constant 5 : i32
    %eq3A_189 = vector.broadcast %eq3A_188 : i32 to vector<16xi32>
    %eq3A_190 = arith.cmpi eq, %iota3A, %eq3A_189 : vector<16xi32>
    %get3A_191 = arith.index_cast %multiple_of3A_187 : i32 to index
    %get3A_192 = tpu.vector_load %arg9[%get3A_191] {strides = array<i32>} : memref<512xi32, #tpu.memory_space<vmem>>, vector<16xi32>,
    %get3A_193 = arith.index_cast %multiple_of3A_187 : i32 to index
    %get3A_194 = tpu.vector_load %arg10[%get3A_193] {strides = array<i32>} : memref<512xi32, #tpu.memory_space<vmem>>, vector<16xi32>,
    %select_n3A_195 = arith.select %eq3A_190, %get3A_192, %broadcast_in_dim3A_6 : vector<16xi1>, vector<16xi32>
    %reduce_sum3A_196 = arith.constant true
    %reduce_sum3A_197 = vector.broadcast %reduce_sum3A_196 : i1 to vector<16xi1>
    %reduce_sum3A_198 = tpu.scan <sum>, %select_n3A_195 masked %reduce_sum3A_197 : vector<16xi32>, vector<16xi1> -> vector<16xi32>
    %reduce_sum3A_199 = vector.extract %reduce_sum3A_198[15] : i32 from vector<16xi32>
    %select_n3A_200 = arith.select %eq3A_190, %get3A_194, %broadcast_in_dim3A_6 : vector<16xi1>, vector<16xi32>
    %reduce_sum3A_201 = arith.constant true
    %reduce_sum3A_202 = vector.broadcast %reduce_sum3A_201 : i1 to vector<16xi1>
    %reduce_sum3A_203 = tpu.scan <sum>, %select_n3A_200 masked %reduce_sum3A_202 : vector<16xi32>, vector<16xi1> -> vector<16xi32>
    %reduce_sum3A_204 = vector.extract %reduce_sum3A_203[15] : i32 from vector<16xi32>
    %shift_right_arithmetic3A_205 = arith.constant 7 : i32
    %shift_right_arithmetic3A_206 = arith.shrsi %reduce_sum3A_199, %shift_right_arithmetic3A_205 : i32
    %mul3A_207 = arith.constant 128 : i32
    %mul3A_208 = arith.muli %shift_right_arithmetic3A_206, %mul3A_207 : i32
    %multiple_of3A_209 = tpu.assume_multiple %mul3A_208, 128 : i32
    %shift_right_arithmetic3A_210 = arith.constant 7 : i32
    %shift_right_arithmetic3A_211 = arith.shrsi %reduce_sum3A_204, %shift_right_arithmetic3A_210 : i32
    %mul3A_212 = arith.constant 128 : i32
    %mul3A_213 = arith.muli %shift_right_arithmetic3A_211, %mul3A_212 : i32
    %multiple_of3A_214 = tpu.assume_multiple %mul3A_213, 128 : i32
    %dma_start3A_215 = arith.constant 0 : i32
    %dma_start3A_216 = tpu.memref_slice %arg4[%dma_start3A_215, %multiple_of3A_209] : memref<32x1000000xf32, #tpu.memory_space<hbm>> -> memref<32x128xf32, #tpu.memory_space<hbm>>
    %dma_start3A_217 = arith.constant 0 : i32
    %dma_start3A_218 = tpu.memref_slice %arg4[%dma_start3A_217, %multiple_of3A_209] : memref<32x1000000xf32, #tpu.memory_space<hbm>> -> memref<32x128xf32, #tpu.memory_space<hbm>>
    tpu.enqueue_dma source(%dma_start3A_218 : memref<32x128xf32, #tpu.memory_space<hbm>>) target(%arg19 : memref<32x128xf32, #tpu.memory_space<vmem>>) target_semaphore(%arg30 : memref<!tpu.dma_semaphore, #tpu.memory_space<semaphore_mem>>)
    %dma_start3A_219 = arith.constant 0 : i32
    %dma_start3A_220 = tpu.memref_slice %arg5[%dma_start3A_219, %multiple_of3A_214] : memref<32x1000000xf32, #tpu.memory_space<hbm>> -> memref<32x128xf32, #tpu.memory_space<hbm>>
    %dma_start3A_221 = arith.constant 0 : i32
    %dma_start3A_222 = tpu.memref_slice %arg5[%dma_start3A_221, %multiple_of3A_214] : memref<32x1000000xf32, #tpu.memory_space<hbm>> -> memref<32x128xf32, #tpu.memory_space<hbm>>
    tpu.enqueue_dma source(%dma_start3A_222 : memref<32x128xf32, #tpu.memory_space<hbm>>) target(%arg27 : memref<32x128xf32, #tpu.memory_space<vmem>>) target_semaphore(%arg31 : memref<!tpu.dma_semaphore, #tpu.memory_space<semaphore_mem>>)
    %multiple_of3A_223 = arith.constant 0 : i32
    %multiple_of3A_224 = tpu.assume_multiple %multiple_of3A_223, 16 : i32
    %eq3A_225 = arith.constant 6 : i32
    %eq3A_226 = vector.broadcast %eq3A_225 : i32 to vector<16xi32>
    %eq3A_227 = arith.cmpi eq, %iota3A, %eq3A_226 : vector<16xi32>
    %get3A_228 = arith.index_cast %multiple_of3A_224 : i32 to index
    %get3A_229 = tpu.vector_load %arg9[%get3A_228] {strides = array<i32>} : memref<512xi32, #tpu.memory_space<vmem>>, vector<16xi32>,
    %get3A_230 = arith.index_cast %multiple_of3A_224 : i32 to index
    %get3A_231 = tpu.vector_load %arg10[%get3A_230] {strides = array<i32>} : memref<512xi32, #tpu.memory_space<vmem>>, vector<16xi32>,
    %select_n3A_232 = arith.select %eq3A_227, %get3A_229, %broadcast_in_dim3A_6 : vector<16xi1>, vector<16xi32>
    %reduce_sum3A_233 = arith.constant true
    %reduce_sum3A_234 = vector.broadcast %reduce_sum3A_233 : i1 to vector<16xi1>
    %reduce_sum3A_235 = tpu.scan <sum>, %select_n3A_232 masked %reduce_sum3A_234 : vector<16xi32>, vector<16xi1> -> vector<16xi32>
    %reduce_sum3A_236 = vector.extract %reduce_sum3A_235[15] : i32 from vector<16xi32>
    %select_n3A_237 = arith.select %eq3A_227, %get3A_231, %broadcast_in_dim3A_6 : vector<16xi1>, vector<16xi32>
    %reduce_sum3A_238 = arith.constant true
    %reduce_sum3A_239 = vector.broadcast %reduce_sum3A_238 : i1 to vector<16xi1>
    %reduce_sum3A_240 = tpu.scan <sum>, %select_n3A_237 masked %reduce_sum3A_239 : vector<16xi32>, vector<16xi1> -> vector<16xi32>
    %reduce_sum3A_241 = vector.extract %reduce_sum3A_240[15] : i32 from vector<16xi32>
    %shift_right_arithmetic3A_242 = arith.constant 7 : i32
    %shift_right_arithmetic3A_243 = arith.shrsi %reduce_sum3A_236, %shift_right_arithmetic3A_242 : i32
    %mul3A_244 = arith.constant 128 : i32
    %mul3A_245 = arith.muli %shift_right_arithmetic3A_243, %mul3A_244 : i32
    %multiple_of3A_246 = tpu.assume_multiple %mul3A_245, 128 : i32
    %shift_right_arithmetic3A_247 = arith.constant 7 : i32
    %shift_right_arithmetic3A_248 = arith.shrsi %reduce_sum3A_241, %shift_right_arithmetic3A_247 : i32
    %mul3A_249 = arith.constant 128 : i32
    %mul3A_250 = arith.muli %shift_right_arithmetic3A_248, %mul3A_249 : i32
    %multiple_of3A_251 = tpu.assume_multiple %mul3A_250, 128 : i32
    %dma_start3A_252 = arith.constant 0 : i32
    %dma_start3A_253 = tpu.memref_slice %arg4[%dma_start3A_252, %multiple_of3A_246] : memref<32x1000000xf32, #tpu.memory_space<hbm>> -> memref<32x128xf32, #tpu.memory_space<hbm>>
    %dma_start3A_254 = arith.constant 0 : i32
    %dma_start3A_255 = tpu.memref_slice %arg4[%dma_start3A_254, %multiple_of3A_246] : memref<32x1000000xf32, #tpu.memory_space<hbm>> -> memref<32x128xf32, #tpu.memory_space<hbm>>
    tpu.enqueue_dma source(%dma_start3A_255 : memref<32x128xf32, #tpu.memory_space<hbm>>) target(%arg20 : memref<32x128xf32, #tpu.memory_space<vmem>>) target_semaphore(%arg30 : memref<!tpu.dma_semaphore, #tpu.memory_space<semaphore_mem>>)
    %dma_start3A_256 = arith.constant 0 : i32
    %dma_start3A_257 = tpu.memref_slice %arg5[%dma_start3A_256, %multiple_of3A_251] : memref<32x1000000xf32, #tpu.memory_space<hbm>> -> memref<32x128xf32, #tpu.memory_space<hbm>>
    %dma_start3A_258 = arith.constant 0 : i32
    %dma_start3A_259 = tpu.memref_slice %arg5[%dma_start3A_258, %multiple_of3A_251] : memref<32x1000000xf32, #tpu.memory_space<hbm>> -> memref<32x128xf32, #tpu.memory_space<hbm>>
    tpu.enqueue_dma source(%dma_start3A_259 : memref<32x128xf32, #tpu.memory_space<hbm>>) target(%arg28 : memref<32x128xf32, #tpu.memory_space<vmem>>) target_semaphore(%arg31 : memref<!tpu.dma_semaphore, #tpu.memory_space<semaphore_mem>>)
    %dma_wait3A = arith.constant 0 : i32
    %dma_wait3A_260 = tpu.memref_slice %arg6[%dma_wait3A] : memref<1000000xf32, #tpu.memory_space<hbm>> -> memref<1000000xf32, #tpu.memory_space<hbm>>
    tpu.wait_indirect_dma semaphore(%arg32 : memref<!tpu.dma_semaphore, #tpu.memory_space<semaphore_mem>>) src(%dma_wait3A_260 : memref<1000000xf32, #tpu.memory_space<hbm>>) dst(%arg11 : memref<512xf32, #tpu.memory_space<vmem>>)
    %dma_wait3A_261 = arith.constant 0 : i32
    %dma_wait3A_262 = tpu.memref_slice %arg7[%dma_wait3A_261] : memref<1000000xf32, #tpu.memory_space<hbm>> -> memref<1000000xf32, #tpu.memory_space<hbm>>
    tpu.wait_indirect_dma semaphore(%arg32 : memref<!tpu.dma_semaphore, #tpu.memory_space<semaphore_mem>>) src(%dma_wait3A_262 : memref<1000000xf32, #tpu.memory_space<hbm>>) dst(%arg12 : memref<512xf32, #tpu.memory_space<vmem>>)
    %scan3A = arith.constant 0 : i32
    %scan3A_263 = arith.constant 32 : i32
    %scan3A_264 = arith.addi %scan3A, %scan3A_263 : i32
    %scan3A_265 = arith.constant 1 : i32
    %scan3A_266:14 = scf.for %scan3A_268 = %scan3A to %scan3A_264 step %scan3A_265 iter_args(%scan3A_269 = %reduce_sum3A_15, %scan3A_270 = %reduce_sum3A_20, %scan3A_271 = %reduce_sum3A_51, %scan3A_272 = %reduce_sum3A_56, %scan3A_273 = %reduce_sum3A_88, %scan3A_274 = %reduce_sum3A_93, %scan3A_275 = %reduce_sum3A_125, %scan3A_276 = %reduce_sum3A_130, %scan3A_277 = %reduce_sum3A_162, %scan3A_278 = %reduce_sum3A_167, %scan3A_279 = %reduce_sum3A_199, %scan3A_280 = %reduce_sum3A_204, %scan3A_281 = %reduce_sum3A_236, %scan3A_282 = %reduce_sum3A_241) -> (i32, i32, i32, i32, i32, i32, i32, i32, i32, i32, i32, i32, i32, i32)  : i32 {
      %mul3A_283 = arith.constant 16 : i32
      %mul3A_284 = arith.muli %scan3A_268, %mul3A_283 : i32
      %get3A_285 = arith.index_cast %mul3A_284 : i32 to index
      %get3A_286 = tpu.vector_load %arg11[%get3A_285] {strides = array<i32>} : memref<512xf32, #tpu.memory_space<vmem>>, vector<16xf32>,
      %get3A_287 = arith.index_cast %mul3A_284 : i32 to index
      %get3A_288 = tpu.vector_load %arg12[%get3A_287] {strides = array<i32>} : memref<512xf32, #tpu.memory_space<vmem>>, vector<16xf32>,
      %add3A_289 = arith.addf %get3A_286, %get3A_288 : vector<16xf32>
      %add3A_290 = arith.constant 0 : i32
      %add3A_291 = arith.addi %mul3A_284, %add3A_290 : i32
      %add3A_292 = arith.constant 8 : i32
      %add3A_293 = arith.addi %add3A_291, %add3A_292 : i32
      %sub3A = arith.constant 1 : i32
      %sub3A_294 = arith.subi %add3A_293, %sub3A : i32
      %min3A = arith.constant 511 : i32
      %min3A_295 = arith.minsi %sub3A_294, %min3A : i32
      %shift_right_arithmetic3A_296 = arith.constant 4 : i32
      %shift_right_arithmetic3A_297 = arith.shrsi %min3A_295, %shift_right_arithmetic3A_296 : i32
      %mul3A_298 = arith.constant 16 : i32
      %mul3A_299 = arith.muli %shift_right_arithmetic3A_297, %mul3A_298 : i32
      %multiple_of3A_300 = tpu.assume_multiple %mul3A_299, 16 : i32
      %and3A = arith.constant 15 : i32
      %and3A_301 = arith.andi %min3A_295, %and3A : i32
      %eq3A_302 = vector.broadcast %and3A_301 : i32 to vector<16xi32>
      %eq3A_303 = arith.cmpi eq, %iota3A, %eq3A_302 : vector<16xi32>
      %get3A_304 = arith.index_cast %multiple_of3A_300 : i32 to index
      %get3A_305 = tpu.vector_load %arg9[%get3A_304] {strides = array<i32>} : memref<512xi32, #tpu.memory_space<vmem>>, vector<16xi32>,
      %get3A_306 = arith.index_cast %multiple_of3A_300 : i32 to index
      %get3A_307 = tpu.vector_load %arg10[%get3A_306] {strides = array<i32>} : memref<512xi32, #tpu.memory_space<vmem>>, vector<16xi32>,
      %select_n3A_308 = arith.select %eq3A_303, %get3A_305, %broadcast_in_dim3A_6 : vector<16xi1>, vector<16xi32>
      %reduce_sum3A_309 = arith.constant true
      %reduce_sum3A_310 = vector.broadcast %reduce_sum3A_309 : i1 to vector<16xi1>
      %reduce_sum3A_311 = tpu.scan <sum>, %select_n3A_308 masked %reduce_sum3A_310 : vector<16xi32>, vector<16xi1> -> vector<16xi32>
      %reduce_sum3A_312 = vector.extract %reduce_sum3A_311[15] : i32 from vector<16xi32>
      %select_n3A_313 = arith.select %eq3A_303, %get3A_307, %broadcast_in_dim3A_6 : vector<16xi1>, vector<16xi32>
      %reduce_sum3A_314 = arith.constant true
      %reduce_sum3A_315 = vector.broadcast %reduce_sum3A_314 : i1 to vector<16xi1>
      %reduce_sum3A_316 = tpu.scan <sum>, %select_n3A_313 masked %reduce_sum3A_315 : vector<16xi32>, vector<16xi1> -> vector<16xi32>
      %reduce_sum3A_317 = vector.extract %reduce_sum3A_316[15] : i32 from vector<16xi32>
      %add3A_318 = arith.constant 8 : i32
      %add3A_319 = arith.addi %add3A_291, %add3A_318 : i32
      %sub3A_320 = arith.constant 1 : i32
      %sub3A_321 = arith.subi %add3A_319, %sub3A_320 : i32
      %lt3A = arith.constant 512 : i32
      %lt3A_322 = arith.cmpi slt, %sub3A_321, %lt3A : i32
      %convert_element_type3A = arith.extui %lt3A_322 : i1 to i32
      %cond3A = arith.constant 0 : i32
      %cond3A_323 = arith.cmpi ne, %convert_element_type3A, %cond3A : i32
      scf.if %cond3A_323 {
        %shift_right_arithmetic3A_1564 = arith.constant 7 : i32
        %shift_right_arithmetic3A_1565 = arith.shrsi %reduce_sum3A_312, %shift_right_arithmetic3A_1564 : i32
        %mul3A_1566 = arith.constant 128 : i32
        %mul3A_1567 = arith.muli %shift_right_arithmetic3A_1565, %mul3A_1566 : i32
        %multiple_of3A_1568 = tpu.assume_multiple %mul3A_1567, 128 : i32
        %shift_right_arithmetic3A_1569 = arith.constant 7 : i32
        %shift_right_arithmetic3A_1570 = arith.shrsi %reduce_sum3A_317, %shift_right_arithmetic3A_1569 : i32
        %mul3A_1571 = arith.constant 128 : i32
        %mul3A_1572 = arith.muli %shift_right_arithmetic3A_1570, %mul3A_1571 : i32
        %multiple_of3A_1573 = tpu.assume_multiple %mul3A_1572, 128 : i32
        %dma_start3A_1574 = arith.constant 0 : i32
        %dma_start3A_1575 = tpu.memref_slice %arg4[%dma_start3A_1574, %multiple_of3A_1568] : memref<32x1000000xf32, #tpu.memory_space<hbm>> -> memref<32x128xf32, #tpu.memory_space<hbm>>
        %dma_start3A_1576 = arith.constant 0 : i32
        %dma_start3A_1577 = tpu.memref_slice %arg4[%dma_start3A_1576, %multiple_of3A_1568] : memref<32x1000000xf32, #tpu.memory_space<hbm>> -> memref<32x128xf32, #tpu.memory_space<hbm>>
        tpu.enqueue_dma source(%dma_start3A_1577 : memref<32x128xf32, #tpu.memory_space<hbm>>) target(%arg21 : memref<32x128xf32, #tpu.memory_space<vmem>>) target_semaphore(%arg30 : memref<!tpu.dma_semaphore, #tpu.memory_space<semaphore_mem>>)
        %dma_start3A_1578 = arith.constant 0 : i32
        %dma_start3A_1579 = tpu.memref_slice %arg5[%dma_start3A_1578, %multiple_of3A_1573] : memref<32x1000000xf32, #tpu.memory_space<hbm>> -> memref<32x128xf32, #tpu.memory_space<hbm>>
        %dma_start3A_1580 = arith.constant 0 : i32
        %dma_start3A_1581 = tpu.memref_slice %arg5[%dma_start3A_1580, %multiple_of3A_1573] : memref<32x1000000xf32, #tpu.memory_space<hbm>> -> memref<32x128xf32, #tpu.memory_space<hbm>>
        tpu.enqueue_dma source(%dma_start3A_1581 : memref<32x128xf32, #tpu.memory_space<hbm>>) target(%arg29 : memref<32x128xf32, #tpu.memory_space<vmem>>) target_semaphore(%arg31 : memref<!tpu.dma_semaphore, #tpu.memory_space<semaphore_mem>>)
      } else {
      }
      %dma_wait3A_324 = arith.constant 0 : i32
      %dma_wait3A_325 = arith.constant 0 : i32
      %dma_wait3A_326 = tpu.memref_slice %arg4[%dma_wait3A_324, %dma_wait3A_325] : memref<32x1000000xf32, #tpu.memory_space<hbm>> -> memref<32x128xf32, #tpu.memory_space<hbm>>
      %dma_wait3A_327 = arith.constant 0 : i32
      %dma_wait3A_328 = arith.constant 0 : i32
      %dma_wait3A_329 = tpu.memref_slice %arg4[%dma_wait3A_327, %dma_wait3A_328] : memref<32x1000000xf32, #tpu.memory_space<hbm>> -> memref<32x128xf32, #tpu.memory_space<hbm>>
      tpu.wait_dma2 semaphore(%arg30 : memref<!tpu.dma_semaphore, #tpu.memory_space<semaphore_mem>>) src(%dma_wait3A_329 : memref<32x128xf32, #tpu.memory_space<hbm>>) dst(%arg14 : memref<32x128xf32, #tpu.memory_space<vmem>>)
      %dma_wait3A_330 = arith.constant 0 : i32
      %dma_wait3A_331 = arith.constant 0 : i32
      %dma_wait3A_332 = tpu.memref_slice %arg5[%dma_wait3A_330, %dma_wait3A_331] : memref<32x1000000xf32, #tpu.memory_space<hbm>> -> memref<32x128xf32, #tpu.memory_space<hbm>>
      %dma_wait3A_333 = arith.constant 0 : i32
      %dma_wait3A_334 = arith.constant 0 : i32
      %dma_wait3A_335 = tpu.memref_slice %arg5[%dma_wait3A_333, %dma_wait3A_334] : memref<32x1000000xf32, #tpu.memory_space<hbm>> -> memref<32x128xf32, #tpu.memory_space<hbm>>
      tpu.wait_dma2 semaphore(%arg31 : memref<!tpu.dma_semaphore, #tpu.memory_space<semaphore_mem>>) src(%dma_wait3A_335 : memref<32x128xf32, #tpu.memory_space<hbm>>) dst(%arg22 : memref<32x128xf32, #tpu.memory_space<vmem>>)
      %and3A_336 = arith.constant 127 : i32
      %and3A_337 = arith.andi %scan3A_269, %and3A_336 : i32
      %broadcast_in_dim3A_338 = vector.broadcast %and3A_337 : i32 to vector<16xi32>
      %and3A_339 = arith.constant 127 : i32
      %and3A_340 = arith.andi %scan3A_270, %and3A_339 : i32
      %broadcast_in_dim3A_341 = vector.broadcast %and3A_340 : i32 to vector<16xi32>
      %gather3A = tpu.vector_load_idx %arg14[%iota3A, %broadcast_in_dim3A_338] : memref<32x128xf32, #tpu.memory_space<vmem>>[vector<16xi32>, vector<16xi32>], vector<16xf32>,
      %add3A_342 = arith.constant 16 : i32
      %add3A_343 = vector.broadcast %add3A_342 : i32 to vector<16xi32>
      %add3A_344 = arith.addi %iota3A, %add3A_343 : vector<16xi32>
      %gather3A_345 = tpu.vector_load_idx %arg14[%add3A_344, %broadcast_in_dim3A_338] : memref<32x128xf32, #tpu.memory_space<vmem>>[vector<16xi32>, vector<16xi32>], vector<16xf32>,
      %gather3A_346 = tpu.vector_load_idx %arg22[%iota3A, %broadcast_in_dim3A_341] : memref<32x128xf32, #tpu.memory_space<vmem>>[vector<16xi32>, vector<16xi32>], vector<16xf32>,
      %add3A_347 = arith.constant 16 : i32
      %add3A_348 = vector.broadcast %add3A_347 : i32 to vector<16xi32>
      %add3A_349 = arith.addi %iota3A, %add3A_348 : vector<16xi32>
      %gather3A_350 = tpu.vector_load_idx %arg22[%add3A_349, %broadcast_in_dim3A_341] : memref<32x128xf32, #tpu.memory_space<vmem>>[vector<16xi32>, vector<16xi32>], vector<16xf32>,
      %mul3A_351 = arith.mulf %gather3A, %gather3A_346 : vector<16xf32>
      %mul3A_352 = arith.mulf %gather3A_345, %gather3A_350 : vector<16xf32>
      %add3A_353 = arith.addf %mul3A_351, %mul3A_352 : vector<16xf32>
      %reduce_sum3A_354 = arith.constant true
      %reduce_sum3A_355 = vector.broadcast %reduce_sum3A_354 : i1 to vector<16xi1>
      %reduce_sum3A_356 = tpu.scan <sum>, %add3A_353 masked %reduce_sum3A_355 : vector<16xf32>, vector<16xi1> -> vector<16xf32>
      %reduce_sum3A_357 = vector.extract %reduce_sum3A_356[15] : f32 from vector<16xf32>
      %eq3A_358 = arith.constant 0 : i32
      %eq3A_359 = vector.broadcast %eq3A_358 : i32 to vector<16xi32>
      %eq3A_360 = arith.cmpi eq, %iota3A, %eq3A_359 : vector<16xi32>
      %broadcast_in_dim3A_361 = vector.broadcast %reduce_sum3A_357 : f32 to vector<16xf32>
      %select_n3A_362 = arith.select %eq3A_360, %broadcast_in_dim3A_361, %add3A_289 : vector<16xi1>, vector<16xf32>
      %add3A_363 = arith.constant 1 : i32
      %add3A_364 = arith.addi %mul3A_284, %add3A_363 : i32
      %add3A_365 = arith.constant 8 : i32
      %add3A_366 = arith.addi %add3A_364, %add3A_365 : i32
      %sub3A_367 = arith.constant 1 : i32
      %sub3A_368 = arith.subi %add3A_366, %sub3A_367 : i32
      %min3A_369 = arith.constant 511 : i32
      %min3A_370 = arith.minsi %sub3A_368, %min3A_369 : i32
      %shift_right_arithmetic3A_371 = arith.constant 4 : i32
      %shift_right_arithmetic3A_372 = arith.shrsi %min3A_370, %shift_right_arithmetic3A_371 : i32
      %mul3A_373 = arith.constant 16 : i32
      %mul3A_374 = arith.muli %shift_right_arithmetic3A_372, %mul3A_373 : i32
      %multiple_of3A_375 = tpu.assume_multiple %mul3A_374, 16 : i32
      %and3A_376 = arith.constant 15 : i32
      %and3A_377 = arith.andi %min3A_370, %and3A_376 : i32
      %eq3A_378 = vector.broadcast %and3A_377 : i32 to vector<16xi32>
      %eq3A_379 = arith.cmpi eq, %iota3A, %eq3A_378 : vector<16xi32>
      %get3A_380 = arith.index_cast %multiple_of3A_375 : i32 to index
      %get3A_381 = tpu.vector_load %arg9[%get3A_380] {strides = array<i32>} : memref<512xi32, #tpu.memory_space<vmem>>, vector<16xi32>,
      %get3A_382 = arith.index_cast %multiple_of3A_375 : i32 to index
      %get3A_383 = tpu.vector_load %arg10[%get3A_382] {strides = array<i32>} : memref<512xi32, #tpu.memory_space<vmem>>, vector<16xi32>,
      %select_n3A_384 = arith.select %eq3A_379, %get3A_381, %broadcast_in_dim3A_6 : vector<16xi1>, vector<16xi32>
      %reduce_sum3A_385 = arith.constant true
      %reduce_sum3A_386 = vector.broadcast %reduce_sum3A_385 : i1 to vector<16xi1>
      %reduce_sum3A_387 = tpu.scan <sum>, %select_n3A_384 masked %reduce_sum3A_386 : vector<16xi32>, vector<16xi1> -> vector<16xi32>
      %reduce_sum3A_388 = vector.extract %reduce_sum3A_387[15] : i32 from vector<16xi32>
      %select_n3A_389 = arith.select %eq3A_379, %get3A_383, %broadcast_in_dim3A_6 : vector<16xi1>, vector<16xi32>
      %reduce_sum3A_390 = arith.constant true
      %reduce_sum3A_391 = vector.broadcast %reduce_sum3A_390 : i1 to vector<16xi1>
      %reduce_sum3A_392 = tpu.scan <sum>, %select_n3A_389 masked %reduce_sum3A_391 : vector<16xi32>, vector<16xi1> -> vector<16xi32>
      %reduce_sum3A_393 = vector.extract %reduce_sum3A_392[15] : i32 from vector<16xi32>
      %add3A_394 = arith.constant 8 : i32
      %add3A_395 = arith.addi %add3A_364, %add3A_394 : i32
      %sub3A_396 = arith.constant 1 : i32
      %sub3A_397 = arith.subi %add3A_395, %sub3A_396 : i32
      %lt3A_398 = arith.constant 512 : i32
      %lt3A_399 = arith.cmpi slt, %sub3A_397, %lt3A_398 : i32
      %convert_element_type3A_400 = arith.extui %lt3A_399 : i1 to i32
      %cond3A_401 = arith.constant 0 : i32
      %cond3A_402 = arith.cmpi ne, %convert_element_type3A_400, %cond3A_401 : i32
      scf.if %cond3A_402 {
        %shift_right_arithmetic3A_1564 = arith.constant 7 : i32
        %shift_right_arithmetic3A_1565 = arith.shrsi %reduce_sum3A_388, %shift_right_arithmetic3A_1564 : i32
        %mul3A_1566 = arith.constant 128 : i32
        %mul3A_1567 = arith.muli %shift_right_arithmetic3A_1565, %mul3A_1566 : i32
        %multiple_of3A_1568 = tpu.assume_multiple %mul3A_1567, 128 : i32
        %shift_right_arithmetic3A_1569 = arith.constant 7 : i32
        %shift_right_arithmetic3A_1570 = arith.shrsi %reduce_sum3A_393, %shift_right_arithmetic3A_1569 : i32
        %mul3A_1571 = arith.constant 128 : i32
        %mul3A_1572 = arith.muli %shift_right_arithmetic3A_1570, %mul3A_1571 : i32
        %multiple_of3A_1573 = tpu.assume_multiple %mul3A_1572, 128 : i32
        %dma_start3A_1574 = arith.constant 0 : i32
        %dma_start3A_1575 = tpu.memref_slice %arg4[%dma_start3A_1574, %multiple_of3A_1568] : memref<32x1000000xf32, #tpu.memory_space<hbm>> -> memref<32x128xf32, #tpu.memory_space<hbm>>
        %dma_start3A_1576 = arith.constant 0 : i32
        %dma_start3A_1577 = tpu.memref_slice %arg4[%dma_start3A_1576, %multiple_of3A_1568] : memref<32x1000000xf32, #tpu.memory_space<hbm>> -> memref<32x128xf32, #tpu.memory_space<hbm>>
        tpu.enqueue_dma source(%dma_start3A_1577 : memref<32x128xf32, #tpu.memory_space<hbm>>) target(%arg14 : memref<32x128xf32, #tpu.memory_space<vmem>>) target_semaphore(%arg30 : memref<!tpu.dma_semaphore, #tpu.memory_space<semaphore_mem>>)
        %dma_start3A_1578 = arith.constant 0 : i32
        %dma_start3A_1579 = tpu.memref_slice %arg5[%dma_start3A_1578, %multiple_of3A_1573] : memref<32x1000000xf32, #tpu.memory_space<hbm>> -> memref<32x128xf32, #tpu.memory_space<hbm>>
        %dma_start3A_1580 = arith.constant 0 : i32
        %dma_start3A_1581 = tpu.memref_slice %arg5[%dma_start3A_1580, %multiple_of3A_1573] : memref<32x1000000xf32, #tpu.memory_space<hbm>> -> memref<32x128xf32, #tpu.memory_space<hbm>>
        tpu.enqueue_dma source(%dma_start3A_1581 : memref<32x128xf32, #tpu.memory_space<hbm>>) target(%arg22 : memref<32x128xf32, #tpu.memory_space<vmem>>) target_semaphore(%arg31 : memref<!tpu.dma_semaphore, #tpu.memory_space<semaphore_mem>>)
      } else {
      }
      %dma_wait3A_403 = arith.constant 0 : i32
      %dma_wait3A_404 = arith.constant 0 : i32
      %dma_wait3A_405 = tpu.memref_slice %arg4[%dma_wait3A_403, %dma_wait3A_404] : memref<32x1000000xf32, #tpu.memory_space<hbm>> -> memref<32x128xf32, #tpu.memory_space<hbm>>
      %dma_wait3A_406 = arith.constant 0 : i32
      %dma_wait3A_407 = arith.constant 0 : i32
      %dma_wait3A_408 = tpu.memref_slice %arg4[%dma_wait3A_406, %dma_wait3A_407] : memref<32x1000000xf32, #tpu.memory_space<hbm>> -> memref<32x128xf32, #tpu.memory_space<hbm>>
      tpu.wait_dma2 semaphore(%arg30 : memref<!tpu.dma_semaphore, #tpu.memory_space<semaphore_mem>>) src(%dma_wait3A_408 : memref<32x128xf32, #tpu.memory_space<hbm>>) dst(%arg15 : memref<32x128xf32, #tpu.memory_space<vmem>>)
      %dma_wait3A_409 = arith.constant 0 : i32
      %dma_wait3A_410 = arith.constant 0 : i32
      %dma_wait3A_411 = tpu.memref_slice %arg5[%dma_wait3A_409, %dma_wait3A_410] : memref<32x1000000xf32, #tpu.memory_space<hbm>> -> memref<32x128xf32, #tpu.memory_space<hbm>>
      %dma_wait3A_412 = arith.constant 0 : i32
      %dma_wait3A_413 = arith.constant 0 : i32
      %dma_wait3A_414 = tpu.memref_slice %arg5[%dma_wait3A_412, %dma_wait3A_413] : memref<32x1000000xf32, #tpu.memory_space<hbm>> -> memref<32x128xf32, #tpu.memory_space<hbm>>
      tpu.wait_dma2 semaphore(%arg31 : memref<!tpu.dma_semaphore, #tpu.memory_space<semaphore_mem>>) src(%dma_wait3A_414 : memref<32x128xf32, #tpu.memory_space<hbm>>) dst(%arg23 : memref<32x128xf32, #tpu.memory_space<vmem>>)
      %and3A_415 = arith.constant 127 : i32
      %and3A_416 = arith.andi %scan3A_271, %and3A_415 : i32
      %broadcast_in_dim3A_417 = vector.broadcast %and3A_416 : i32 to vector<16xi32>
      %and3A_418 = arith.constant 127 : i32
      %and3A_419 = arith.andi %scan3A_272, %and3A_418 : i32
      %broadcast_in_dim3A_420 = vector.broadcast %and3A_419 : i32 to vector<16xi32>
      %gather3A_421 = tpu.vector_load_idx %arg15[%iota3A, %broadcast_in_dim3A_417] : memref<32x128xf32, #tpu.memory_space<vmem>>[vector<16xi32>, vector<16xi32>], vector<16xf32>,
      %add3A_422 = arith.constant 16 : i32
      %add3A_423 = vector.broadcast %add3A_422 : i32 to vector<16xi32>
      %add3A_424 = arith.addi %iota3A, %add3A_423 : vector<16xi32>
      %gather3A_425 = tpu.vector_load_idx %arg15[%add3A_424, %broadcast_in_dim3A_417] : memref<32x128xf32, #tpu.memory_space<vmem>>[vector<16xi32>, vector<16xi32>], vector<16xf32>,
      %gather3A_426 = tpu.vector_load_idx %arg23[%iota3A, %broadcast_in_dim3A_420] : memref<32x128xf32, #tpu.memory_space<vmem>>[vector<16xi32>, vector<16xi32>], vector<16xf32>,
      %add3A_427 = arith.constant 16 : i32
      %add3A_428 = vector.broadcast %add3A_427 : i32 to vector<16xi32>
      %add3A_429 = arith.addi %iota3A, %add3A_428 : vector<16xi32>
      %gather3A_430 = tpu.vector_load_idx %arg23[%add3A_429, %broadcast_in_dim3A_420] : memref<32x128xf32, #tpu.memory_space<vmem>>[vector<16xi32>, vector<16xi32>], vector<16xf32>,
      %mul3A_431 = arith.mulf %gather3A_421, %gather3A_426 : vector<16xf32>
      %mul3A_432 = arith.mulf %gather3A_425, %gather3A_430 : vector<16xf32>
      %add3A_433 = arith.addf %mul3A_431, %mul3A_432 : vector<16xf32>
      %reduce_sum3A_434 = arith.constant true
      %reduce_sum3A_435 = vector.broadcast %reduce_sum3A_434 : i1 to vector<16xi1>
      %reduce_sum3A_436 = tpu.scan <sum>, %add3A_433 masked %reduce_sum3A_435 : vector<16xf32>, vector<16xi1> -> vector<16xf32>
      %reduce_sum3A_437 = vector.extract %reduce_sum3A_436[15] : f32 from vector<16xf32>
      %eq3A_438 = arith.constant 1 : i32
      %eq3A_439 = vector.broadcast %eq3A_438 : i32 to vector<16xi32>
      %eq3A_440 = arith.cmpi eq, %iota3A, %eq3A_439 : vector<16xi32>
      %broadcast_in_dim3A_441 = vector.broadcast %reduce_sum3A_437 : f32 to vector<16xf32>
      %select_n3A_442 = arith.select %eq3A_440, %broadcast_in_dim3A_441, %select_n3A_362 : vector<16xi1>, vector<16xf32>
      %add3A_443 = arith.constant 2 : i32
      %add3A_444 = arith.addi %mul3A_284, %add3A_443 : i32
      %add3A_445 = arith.constant 8 : i32
      %add3A_446 = arith.addi %add3A_444, %add3A_445 : i32
      %sub3A_447 = arith.constant 1 : i32
      %sub3A_448 = arith.subi %add3A_446, %sub3A_447 : i32
      %min3A_449 = arith.constant 511 : i32
      %min3A_450 = arith.minsi %sub3A_448, %min3A_449 : i32
      %shift_right_arithmetic3A_451 = arith.constant 4 : i32
      %shift_right_arithmetic3A_452 = arith.shrsi %min3A_450, %shift_right_arithmetic3A_451 : i32
      %mul3A_453 = arith.constant 16 : i32
      %mul3A_454 = arith.muli %shift_right_arithmetic3A_452, %mul3A_453 : i32
      %multiple_of3A_455 = tpu.assume_multiple %mul3A_454, 16 : i32
      %and3A_456 = arith.constant 15 : i32
      %and3A_457 = arith.andi %min3A_450, %and3A_456 : i32
      %eq3A_458 = vector.broadcast %and3A_457 : i32 to vector<16xi32>
      %eq3A_459 = arith.cmpi eq, %iota3A, %eq3A_458 : vector<16xi32>
      %get3A_460 = arith.index_cast %multiple_of3A_455 : i32 to index
      %get3A_461 = tpu.vector_load %arg9[%get3A_460] {strides = array<i32>} : memref<512xi32, #tpu.memory_space<vmem>>, vector<16xi32>,
      %get3A_462 = arith.index_cast %multiple_of3A_455 : i32 to index
      %get3A_463 = tpu.vector_load %arg10[%get3A_462] {strides = array<i32>} : memref<512xi32, #tpu.memory_space<vmem>>, vector<16xi32>,
      %select_n3A_464 = arith.select %eq3A_459, %get3A_461, %broadcast_in_dim3A_6 : vector<16xi1>, vector<16xi32>
      %reduce_sum3A_465 = arith.constant true
      %reduce_sum3A_466 = vector.broadcast %reduce_sum3A_465 : i1 to vector<16xi1>
      %reduce_sum3A_467 = tpu.scan <sum>, %select_n3A_464 masked %reduce_sum3A_466 : vector<16xi32>, vector<16xi1> -> vector<16xi32>
      %reduce_sum3A_468 = vector.extract %reduce_sum3A_467[15] : i32 from vector<16xi32>
      %select_n3A_469 = arith.select %eq3A_459, %get3A_463, %broadcast_in_dim3A_6 : vector<16xi1>, vector<16xi32>
      %reduce_sum3A_470 = arith.constant true
      %reduce_sum3A_471 = vector.broadcast %reduce_sum3A_470 : i1 to vector<16xi1>
      %reduce_sum3A_472 = tpu.scan <sum>, %select_n3A_469 masked %reduce_sum3A_471 : vector<16xi32>, vector<16xi1> -> vector<16xi32>
      %reduce_sum3A_473 = vector.extract %reduce_sum3A_472[15] : i32 from vector<16xi32>
      %add3A_474 = arith.constant 8 : i32
      %add3A_475 = arith.addi %add3A_444, %add3A_474 : i32
      %sub3A_476 = arith.constant 1 : i32
      %sub3A_477 = arith.subi %add3A_475, %sub3A_476 : i32
      %lt3A_478 = arith.constant 512 : i32
      %lt3A_479 = arith.cmpi slt, %sub3A_477, %lt3A_478 : i32
      %convert_element_type3A_480 = arith.extui %lt3A_479 : i1 to i32
      %cond3A_481 = arith.constant 0 : i32
      %cond3A_482 = arith.cmpi ne, %convert_element_type3A_480, %cond3A_481 : i32
      scf.if %cond3A_482 {
        %shift_right_arithmetic3A_1564 = arith.constant 7 : i32
        %shift_right_arithmetic3A_1565 = arith.shrsi %reduce_sum3A_468, %shift_right_arithmetic3A_1564 : i32
        %mul3A_1566 = arith.constant 128 : i32
        %mul3A_1567 = arith.muli %shift_right_arithmetic3A_1565, %mul3A_1566 : i32
        %multiple_of3A_1568 = tpu.assume_multiple %mul3A_1567, 128 : i32
        %shift_right_arithmetic3A_1569 = arith.constant 7 : i32
        %shift_right_arithmetic3A_1570 = arith.shrsi %reduce_sum3A_473, %shift_right_arithmetic3A_1569 : i32
        %mul3A_1571 = arith.constant 128 : i32
        %mul3A_1572 = arith.muli %shift_right_arithmetic3A_1570, %mul3A_1571 : i32
        %multiple_of3A_1573 = tpu.assume_multiple %mul3A_1572, 128 : i32
        %dma_start3A_1574 = arith.constant 0 : i32
        %dma_start3A_1575 = tpu.memref_slice %arg4[%dma_start3A_1574, %multiple_of3A_1568] : memref<32x1000000xf32, #tpu.memory_space<hbm>> -> memref<32x128xf32, #tpu.memory_space<hbm>>
        %dma_start3A_1576 = arith.constant 0 : i32
        %dma_start3A_1577 = tpu.memref_slice %arg4[%dma_start3A_1576, %multiple_of3A_1568] : memref<32x1000000xf32, #tpu.memory_space<hbm>> -> memref<32x128xf32, #tpu.memory_space<hbm>>
        tpu.enqueue_dma source(%dma_start3A_1577 : memref<32x128xf32, #tpu.memory_space<hbm>>) target(%arg15 : memref<32x128xf32, #tpu.memory_space<vmem>>) target_semaphore(%arg30 : memref<!tpu.dma_semaphore, #tpu.memory_space<semaphore_mem>>)
        %dma_start3A_1578 = arith.constant 0 : i32
        %dma_start3A_1579 = tpu.memref_slice %arg5[%dma_start3A_1578, %multiple_of3A_1573] : memref<32x1000000xf32, #tpu.memory_space<hbm>> -> memref<32x128xf32, #tpu.memory_space<hbm>>
        %dma_start3A_1580 = arith.constant 0 : i32
        %dma_start3A_1581 = tpu.memref_slice %arg5[%dma_start3A_1580, %multiple_of3A_1573] : memref<32x1000000xf32, #tpu.memory_space<hbm>> -> memref<32x128xf32, #tpu.memory_space<hbm>>
        tpu.enqueue_dma source(%dma_start3A_1581 : memref<32x128xf32, #tpu.memory_space<hbm>>) target(%arg23 : memref<32x128xf32, #tpu.memory_space<vmem>>) target_semaphore(%arg31 : memref<!tpu.dma_semaphore, #tpu.memory_space<semaphore_mem>>)
      } else {
      }
      %dma_wait3A_483 = arith.constant 0 : i32
      %dma_wait3A_484 = arith.constant 0 : i32
      %dma_wait3A_485 = tpu.memref_slice %arg4[%dma_wait3A_483, %dma_wait3A_484] : memref<32x1000000xf32, #tpu.memory_space<hbm>> -> memref<32x128xf32, #tpu.memory_space<hbm>>
      %dma_wait3A_486 = arith.constant 0 : i32
      %dma_wait3A_487 = arith.constant 0 : i32
      %dma_wait3A_488 = tpu.memref_slice %arg4[%dma_wait3A_486, %dma_wait3A_487] : memref<32x1000000xf32, #tpu.memory_space<hbm>> -> memref<32x128xf32, #tpu.memory_space<hbm>>
      tpu.wait_dma2 semaphore(%arg30 : memref<!tpu.dma_semaphore, #tpu.memory_space<semaphore_mem>>) src(%dma_wait3A_488 : memref<32x128xf32, #tpu.memory_space<hbm>>) dst(%arg16 : memref<32x128xf32, #tpu.memory_space<vmem>>)
      %dma_wait3A_489 = arith.constant 0 : i32
      %dma_wait3A_490 = arith.constant 0 : i32
      %dma_wait3A_491 = tpu.memref_slice %arg5[%dma_wait3A_489, %dma_wait3A_490] : memref<32x1000000xf32, #tpu.memory_space<hbm>> -> memref<32x128xf32, #tpu.memory_space<hbm>>
      %dma_wait3A_492 = arith.constant 0 : i32
      %dma_wait3A_493 = arith.constant 0 : i32
      %dma_wait3A_494 = tpu.memref_slice %arg5[%dma_wait3A_492, %dma_wait3A_493] : memref<32x1000000xf32, #tpu.memory_space<hbm>> -> memref<32x128xf32, #tpu.memory_space<hbm>>
      tpu.wait_dma2 semaphore(%arg31 : memref<!tpu.dma_semaphore, #tpu.memory_space<semaphore_mem>>) src(%dma_wait3A_494 : memref<32x128xf32, #tpu.memory_space<hbm>>) dst(%arg24 : memref<32x128xf32, #tpu.memory_space<vmem>>)
      %and3A_495 = arith.constant 127 : i32
      %and3A_496 = arith.andi %scan3A_273, %and3A_495 : i32
      %broadcast_in_dim3A_497 = vector.broadcast %and3A_496 : i32 to vector<16xi32>
      %and3A_498 = arith.constant 127 : i32
      %and3A_499 = arith.andi %scan3A_274, %and3A_498 : i32
      %broadcast_in_dim3A_500 = vector.broadcast %and3A_499 : i32 to vector<16xi32>
      %gather3A_501 = tpu.vector_load_idx %arg16[%iota3A, %broadcast_in_dim3A_497] : memref<32x128xf32, #tpu.memory_space<vmem>>[vector<16xi32>, vector<16xi32>], vector<16xf32>,
      %add3A_502 = arith.constant 16 : i32
      %add3A_503 = vector.broadcast %add3A_502 : i32 to vector<16xi32>
      %add3A_504 = arith.addi %iota3A, %add3A_503 : vector<16xi32>
      %gather3A_505 = tpu.vector_load_idx %arg16[%add3A_504, %broadcast_in_dim3A_497] : memref<32x128xf32, #tpu.memory_space<vmem>>[vector<16xi32>, vector<16xi32>], vector<16xf32>,
      %gather3A_506 = tpu.vector_load_idx %arg24[%iota3A, %broadcast_in_dim3A_500] : memref<32x128xf32, #tpu.memory_space<vmem>>[vector<16xi32>, vector<16xi32>], vector<16xf32>,
      %add3A_507 = arith.constant 16 : i32
      %add3A_508 = vector.broadcast %add3A_507 : i32 to vector<16xi32>
      %add3A_509 = arith.addi %iota3A, %add3A_508 : vector<16xi32>
      %gather3A_510 = tpu.vector_load_idx %arg24[%add3A_509, %broadcast_in_dim3A_500] : memref<32x128xf32, #tpu.memory_space<vmem>>[vector<16xi32>, vector<16xi32>], vector<16xf32>,
      %mul3A_511 = arith.mulf %gather3A_501, %gather3A_506 : vector<16xf32>
      %mul3A_512 = arith.mulf %gather3A_505, %gather3A_510 : vector<16xf32>
      %add3A_513 = arith.addf %mul3A_511, %mul3A_512 : vector<16xf32>
      %reduce_sum3A_514 = arith.constant true
      %reduce_sum3A_515 = vector.broadcast %reduce_sum3A_514 : i1 to vector<16xi1>
      %reduce_sum3A_516 = tpu.scan <sum>, %add3A_513 masked %reduce_sum3A_515 : vector<16xf32>, vector<16xi1> -> vector<16xf32>
      %reduce_sum3A_517 = vector.extract %reduce_sum3A_516[15] : f32 from vector<16xf32>
      %eq3A_518 = arith.constant 2 : i32
      %eq3A_519 = vector.broadcast %eq3A_518 : i32 to vector<16xi32>
      %eq3A_520 = arith.cmpi eq, %iota3A, %eq3A_519 : vector<16xi32>
      %broadcast_in_dim3A_521 = vector.broadcast %reduce_sum3A_517 : f32 to vector<16xf32>
      %select_n3A_522 = arith.select %eq3A_520, %broadcast_in_dim3A_521, %select_n3A_442 : vector<16xi1>, vector<16xf32>
      %add3A_523 = arith.constant 3 : i32
      %add3A_524 = arith.addi %mul3A_284, %add3A_523 : i32
      %add3A_525 = arith.constant 8 : i32
      %add3A_526 = arith.addi %add3A_524, %add3A_525 : i32
      %sub3A_527 = arith.constant 1 : i32
      %sub3A_528 = arith.subi %add3A_526, %sub3A_527 : i32
      %min3A_529 = arith.constant 511 : i32
      %min3A_530 = arith.minsi %sub3A_528, %min3A_529 : i32
      %shift_right_arithmetic3A_531 = arith.constant 4 : i32
      %shift_right_arithmetic3A_532 = arith.shrsi %min3A_530, %shift_right_arithmetic3A_531 : i32
      %mul3A_533 = arith.constant 16 : i32
      %mul3A_534 = arith.muli %shift_right_arithmetic3A_532, %mul3A_533 : i32
      %multiple_of3A_535 = tpu.assume_multiple %mul3A_534, 16 : i32
      %and3A_536 = arith.constant 15 : i32
      %and3A_537 = arith.andi %min3A_530, %and3A_536 : i32
      %eq3A_538 = vector.broadcast %and3A_537 : i32 to vector<16xi32>
      %eq3A_539 = arith.cmpi eq, %iota3A, %eq3A_538 : vector<16xi32>
      %get3A_540 = arith.index_cast %multiple_of3A_535 : i32 to index
      %get3A_541 = tpu.vector_load %arg9[%get3A_540] {strides = array<i32>} : memref<512xi32, #tpu.memory_space<vmem>>, vector<16xi32>,
      %get3A_542 = arith.index_cast %multiple_of3A_535 : i32 to index
      %get3A_543 = tpu.vector_load %arg10[%get3A_542] {strides = array<i32>} : memref<512xi32, #tpu.memory_space<vmem>>, vector<16xi32>,
      %select_n3A_544 = arith.select %eq3A_539, %get3A_541, %broadcast_in_dim3A_6 : vector<16xi1>, vector<16xi32>
      %reduce_sum3A_545 = arith.constant true
      %reduce_sum3A_546 = vector.broadcast %reduce_sum3A_545 : i1 to vector<16xi1>
      %reduce_sum3A_547 = tpu.scan <sum>, %select_n3A_544 masked %reduce_sum3A_546 : vector<16xi32>, vector<16xi1> -> vector<16xi32>
      %reduce_sum3A_548 = vector.extract %reduce_sum3A_547[15] : i32 from vector<16xi32>
      %select_n3A_549 = arith.select %eq3A_539, %get3A_543, %broadcast_in_dim3A_6 : vector<16xi1>, vector<16xi32>
      %reduce_sum3A_550 = arith.constant true
      %reduce_sum3A_551 = vector.broadcast %reduce_sum3A_550 : i1 to vector<16xi1>
      %reduce_sum3A_552 = tpu.scan <sum>, %select_n3A_549 masked %reduce_sum3A_551 : vector<16xi32>, vector<16xi1> -> vector<16xi32>
      %reduce_sum3A_553 = vector.extract %reduce_sum3A_552[15] : i32 from vector<16xi32>
      %add3A_554 = arith.constant 8 : i32
      %add3A_555 = arith.addi %add3A_524, %add3A_554 : i32
      %sub3A_556 = arith.constant 1 : i32
      %sub3A_557 = arith.subi %add3A_555, %sub3A_556 : i32
      %lt3A_558 = arith.constant 512 : i32
      %lt3A_559 = arith.cmpi slt, %sub3A_557, %lt3A_558 : i32
      %convert_element_type3A_560 = arith.extui %lt3A_559 : i1 to i32
      %cond3A_561 = arith.constant 0 : i32
      %cond3A_562 = arith.cmpi ne, %convert_element_type3A_560, %cond3A_561 : i32
      scf.if %cond3A_562 {
        %shift_right_arithmetic3A_1564 = arith.constant 7 : i32
        %shift_right_arithmetic3A_1565 = arith.shrsi %reduce_sum3A_548, %shift_right_arithmetic3A_1564 : i32
        %mul3A_1566 = arith.constant 128 : i32
        %mul3A_1567 = arith.muli %shift_right_arithmetic3A_1565, %mul3A_1566 : i32
        %multiple_of3A_1568 = tpu.assume_multiple %mul3A_1567, 128 : i32
        %shift_right_arithmetic3A_1569 = arith.constant 7 : i32
        %shift_right_arithmetic3A_1570 = arith.shrsi %reduce_sum3A_553, %shift_right_arithmetic3A_1569 : i32
        %mul3A_1571 = arith.constant 128 : i32
        %mul3A_1572 = arith.muli %shift_right_arithmetic3A_1570, %mul3A_1571 : i32
        %multiple_of3A_1573 = tpu.assume_multiple %mul3A_1572, 128 : i32
        %dma_start3A_1574 = arith.constant 0 : i32
        %dma_start3A_1575 = tpu.memref_slice %arg4[%dma_start3A_1574, %multiple_of3A_1568] : memref<32x1000000xf32, #tpu.memory_space<hbm>> -> memref<32x128xf32, #tpu.memory_space<hbm>>
        %dma_start3A_1576 = arith.constant 0 : i32
        %dma_start3A_1577 = tpu.memref_slice %arg4[%dma_start3A_1576, %multiple_of3A_1568] : memref<32x1000000xf32, #tpu.memory_space<hbm>> -> memref<32x128xf32, #tpu.memory_space<hbm>>
        tpu.enqueue_dma source(%dma_start3A_1577 : memref<32x128xf32, #tpu.memory_space<hbm>>) target(%arg16 : memref<32x128xf32, #tpu.memory_space<vmem>>) target_semaphore(%arg30 : memref<!tpu.dma_semaphore, #tpu.memory_space<semaphore_mem>>)
        %dma_start3A_1578 = arith.constant 0 : i32
        %dma_start3A_1579 = tpu.memref_slice %arg5[%dma_start3A_1578, %multiple_of3A_1573] : memref<32x1000000xf32, #tpu.memory_space<hbm>> -> memref<32x128xf32, #tpu.memory_space<hbm>>
        %dma_start3A_1580 = arith.constant 0 : i32
        %dma_start3A_1581 = tpu.memref_slice %arg5[%dma_start3A_1580, %multiple_of3A_1573] : memref<32x1000000xf32, #tpu.memory_space<hbm>> -> memref<32x128xf32, #tpu.memory_space<hbm>>
        tpu.enqueue_dma source(%dma_start3A_1581 : memref<32x128xf32, #tpu.memory_space<hbm>>) target(%arg24 : memref<32x128xf32, #tpu.memory_space<vmem>>) target_semaphore(%arg31 : memref<!tpu.dma_semaphore, #tpu.memory_space<semaphore_mem>>)
      } else {
      }
      %dma_wait3A_563 = arith.constant 0 : i32
      %dma_wait3A_564 = arith.constant 0 : i32
      %dma_wait3A_565 = tpu.memref_slice %arg4[%dma_wait3A_563, %dma_wait3A_564] : memref<32x1000000xf32, #tpu.memory_space<hbm>> -> memref<32x128xf32, #tpu.memory_space<hbm>>
      %dma_wait3A_566 = arith.constant 0 : i32
      %dma_wait3A_567 = arith.constant 0 : i32
      %dma_wait3A_568 = tpu.memref_slice %arg4[%dma_wait3A_566, %dma_wait3A_567] : memref<32x1000000xf32, #tpu.memory_space<hbm>> -> memref<32x128xf32, #tpu.memory_space<hbm>>
      tpu.wait_dma2 semaphore(%arg30 : memref<!tpu.dma_semaphore, #tpu.memory_space<semaphore_mem>>) src(%dma_wait3A_568 : memref<32x128xf32, #tpu.memory_space<hbm>>) dst(%arg17 : memref<32x128xf32, #tpu.memory_space<vmem>>)
      %dma_wait3A_569 = arith.constant 0 : i32
      %dma_wait3A_570 = arith.constant 0 : i32
      %dma_wait3A_571 = tpu.memref_slice %arg5[%dma_wait3A_569, %dma_wait3A_570] : memref<32x1000000xf32, #tpu.memory_space<hbm>> -> memref<32x128xf32, #tpu.memory_space<hbm>>
      %dma_wait3A_572 = arith.constant 0 : i32
      %dma_wait3A_573 = arith.constant 0 : i32
      %dma_wait3A_574 = tpu.memref_slice %arg5[%dma_wait3A_572, %dma_wait3A_573] : memref<32x1000000xf32, #tpu.memory_space<hbm>> -> memref<32x128xf32, #tpu.memory_space<hbm>>
      tpu.wait_dma2 semaphore(%arg31 : memref<!tpu.dma_semaphore, #tpu.memory_space<semaphore_mem>>) src(%dma_wait3A_574 : memref<32x128xf32, #tpu.memory_space<hbm>>) dst(%arg25 : memref<32x128xf32, #tpu.memory_space<vmem>>)
      %and3A_575 = arith.constant 127 : i32
      %and3A_576 = arith.andi %scan3A_275, %and3A_575 : i32
      %broadcast_in_dim3A_577 = vector.broadcast %and3A_576 : i32 to vector<16xi32>
      %and3A_578 = arith.constant 127 : i32
      %and3A_579 = arith.andi %scan3A_276, %and3A_578 : i32
      %broadcast_in_dim3A_580 = vector.broadcast %and3A_579 : i32 to vector<16xi32>
      %gather3A_581 = tpu.vector_load_idx %arg17[%iota3A, %broadcast_in_dim3A_577] : memref<32x128xf32, #tpu.memory_space<vmem>>[vector<16xi32>, vector<16xi32>], vector<16xf32>,
      %add3A_582 = arith.constant 16 : i32
      %add3A_583 = vector.broadcast %add3A_582 : i32 to vector<16xi32>
      %add3A_584 = arith.addi %iota3A, %add3A_583 : vector<16xi32>
      %gather3A_585 = tpu.vector_load_idx %arg17[%add3A_584, %broadcast_in_dim3A_577] : memref<32x128xf32, #tpu.memory_space<vmem>>[vector<16xi32>, vector<16xi32>], vector<16xf32>,
      %gather3A_586 = tpu.vector_load_idx %arg25[%iota3A, %broadcast_in_dim3A_580] : memref<32x128xf32, #tpu.memory_space<vmem>>[vector<16xi32>, vector<16xi32>], vector<16xf32>,
      %add3A_587 = arith.constant 16 : i32
      %add3A_588 = vector.broadcast %add3A_587 : i32 to vector<16xi32>
      %add3A_589 = arith.addi %iota3A, %add3A_588 : vector<16xi32>
      %gather3A_590 = tpu.vector_load_idx %arg25[%add3A_589, %broadcast_in_dim3A_580] : memref<32x128xf32, #tpu.memory_space<vmem>>[vector<16xi32>, vector<16xi32>], vector<16xf32>,
      %mul3A_591 = arith.mulf %gather3A_581, %gather3A_586 : vector<16xf32>
      %mul3A_592 = arith.mulf %gather3A_585, %gather3A_590 : vector<16xf32>
      %add3A_593 = arith.addf %mul3A_591, %mul3A_592 : vector<16xf32>
      %reduce_sum3A_594 = arith.constant true
      %reduce_sum3A_595 = vector.broadcast %reduce_sum3A_594 : i1 to vector<16xi1>
      %reduce_sum3A_596 = tpu.scan <sum>, %add3A_593 masked %reduce_sum3A_595 : vector<16xf32>, vector<16xi1> -> vector<16xf32>
      %reduce_sum3A_597 = vector.extract %reduce_sum3A_596[15] : f32 from vector<16xf32>
      %eq3A_598 = arith.constant 3 : i32
      %eq3A_599 = vector.broadcast %eq3A_598 : i32 to vector<16xi32>
      %eq3A_600 = arith.cmpi eq, %iota3A, %eq3A_599 : vector<16xi32>
      %broadcast_in_dim3A_601 = vector.broadcast %reduce_sum3A_597 : f32 to vector<16xf32>
      %select_n3A_602 = arith.select %eq3A_600, %broadcast_in_dim3A_601, %select_n3A_522 : vector<16xi1>, vector<16xf32>
      %add3A_603 = arith.constant 4 : i32
      %add3A_604 = arith.addi %mul3A_284, %add3A_603 : i32
      %add3A_605 = arith.constant 8 : i32
      %add3A_606 = arith.addi %add3A_604, %add3A_605 : i32
      %sub3A_607 = arith.constant 1 : i32
      %sub3A_608 = arith.subi %add3A_606, %sub3A_607 : i32
      %min3A_609 = arith.constant 511 : i32
      %min3A_610 = arith.minsi %sub3A_608, %min3A_609 : i32
      %shift_right_arithmetic3A_611 = arith.constant 4 : i32
      %shift_right_arithmetic3A_612 = arith.shrsi %min3A_610, %shift_right_arithmetic3A_611 : i32
      %mul3A_613 = arith.constant 16 : i32
      %mul3A_614 = arith.muli %shift_right_arithmetic3A_612, %mul3A_613 : i32
      %multiple_of3A_615 = tpu.assume_multiple %mul3A_614, 16 : i32
      %and3A_616 = arith.constant 15 : i32
      %and3A_617 = arith.andi %min3A_610, %and3A_616 : i32
      %eq3A_618 = vector.broadcast %and3A_617 : i32 to vector<16xi32>
      %eq3A_619 = arith.cmpi eq, %iota3A, %eq3A_618 : vector<16xi32>
      %get3A_620 = arith.index_cast %multiple_of3A_615 : i32 to index
      %get3A_621 = tpu.vector_load %arg9[%get3A_620] {strides = array<i32>} : memref<512xi32, #tpu.memory_space<vmem>>, vector<16xi32>,
      %get3A_622 = arith.index_cast %multiple_of3A_615 : i32 to index
      %get3A_623 = tpu.vector_load %arg10[%get3A_622] {strides = array<i32>} : memref<512xi32, #tpu.memory_space<vmem>>, vector<16xi32>,
      %select_n3A_624 = arith.select %eq3A_619, %get3A_621, %broadcast_in_dim3A_6 : vector<16xi1>, vector<16xi32>
      %reduce_sum3A_625 = arith.constant true
      %reduce_sum3A_626 = vector.broadcast %reduce_sum3A_625 : i1 to vector<16xi1>
      %reduce_sum3A_627 = tpu.scan <sum>, %select_n3A_624 masked %reduce_sum3A_626 : vector<16xi32>, vector<16xi1> -> vector<16xi32>
      %reduce_sum3A_628 = vector.extract %reduce_sum3A_627[15] : i32 from vector<16xi32>
      %select_n3A_629 = arith.select %eq3A_619, %get3A_623, %broadcast_in_dim3A_6 : vector<16xi1>, vector<16xi32>
      %reduce_sum3A_630 = arith.constant true
      %reduce_sum3A_631 = vector.broadcast %reduce_sum3A_630 : i1 to vector<16xi1>
      %reduce_sum3A_632 = tpu.scan <sum>, %select_n3A_629 masked %reduce_sum3A_631 : vector<16xi32>, vector<16xi1> -> vector<16xi32>
      %reduce_sum3A_633 = vector.extract %reduce_sum3A_632[15] : i32 from vector<16xi32>
      %add3A_634 = arith.constant 8 : i32
      %add3A_635 = arith.addi %add3A_604, %add3A_634 : i32
      %sub3A_636 = arith.constant 1 : i32
      %sub3A_637 = arith.subi %add3A_635, %sub3A_636 : i32
      %lt3A_638 = arith.constant 512 : i32
      %lt3A_639 = arith.cmpi slt, %sub3A_637, %lt3A_638 : i32
      %convert_element_type3A_640 = arith.extui %lt3A_639 : i1 to i32
      %cond3A_641 = arith.constant 0 : i32
      %cond3A_642 = arith.cmpi ne, %convert_element_type3A_640, %cond3A_641 : i32
      scf.if %cond3A_642 {
        %shift_right_arithmetic3A_1564 = arith.constant 7 : i32
        %shift_right_arithmetic3A_1565 = arith.shrsi %reduce_sum3A_628, %shift_right_arithmetic3A_1564 : i32
        %mul3A_1566 = arith.constant 128 : i32
        %mul3A_1567 = arith.muli %shift_right_arithmetic3A_1565, %mul3A_1566 : i32
        %multiple_of3A_1568 = tpu.assume_multiple %mul3A_1567, 128 : i32
        %shift_right_arithmetic3A_1569 = arith.constant 7 : i32
        %shift_right_arithmetic3A_1570 = arith.shrsi %reduce_sum3A_633, %shift_right_arithmetic3A_1569 : i32
        %mul3A_1571 = arith.constant 128 : i32
        %mul3A_1572 = arith.muli %shift_right_arithmetic3A_1570, %mul3A_1571 : i32
        %multiple_of3A_1573 = tpu.assume_multiple %mul3A_1572, 128 : i32
        %dma_start3A_1574 = arith.constant 0 : i32
        %dma_start3A_1575 = tpu.memref_slice %arg4[%dma_start3A_1574, %multiple_of3A_1568] : memref<32x1000000xf32, #tpu.memory_space<hbm>> -> memref<32x128xf32, #tpu.memory_space<hbm>>
        %dma_start3A_1576 = arith.constant 0 : i32
        %dma_start3A_1577 = tpu.memref_slice %arg4[%dma_start3A_1576, %multiple_of3A_1568] : memref<32x1000000xf32, #tpu.memory_space<hbm>> -> memref<32x128xf32, #tpu.memory_space<hbm>>
        tpu.enqueue_dma source(%dma_start3A_1577 : memref<32x128xf32, #tpu.memory_space<hbm>>) target(%arg17 : memref<32x128xf32, #tpu.memory_space<vmem>>) target_semaphore(%arg30 : memref<!tpu.dma_semaphore, #tpu.memory_space<semaphore_mem>>)
        %dma_start3A_1578 = arith.constant 0 : i32
        %dma_start3A_1579 = tpu.memref_slice %arg5[%dma_start3A_1578, %multiple_of3A_1573] : memref<32x1000000xf32, #tpu.memory_space<hbm>> -> memref<32x128xf32, #tpu.memory_space<hbm>>
        %dma_start3A_1580 = arith.constant 0 : i32
        %dma_start3A_1581 = tpu.memref_slice %arg5[%dma_start3A_1580, %multiple_of3A_1573] : memref<32x1000000xf32, #tpu.memory_space<hbm>> -> memref<32x128xf32, #tpu.memory_space<hbm>>
        tpu.enqueue_dma source(%dma_start3A_1581 : memref<32x128xf32, #tpu.memory_space<hbm>>) target(%arg25 : memref<32x128xf32, #tpu.memory_space<vmem>>) target_semaphore(%arg31 : memref<!tpu.dma_semaphore, #tpu.memory_space<semaphore_mem>>)
      } else {
      }
      %dma_wait3A_643 = arith.constant 0 : i32
      %dma_wait3A_644 = arith.constant 0 : i32
      %dma_wait3A_645 = tpu.memref_slice %arg4[%dma_wait3A_643, %dma_wait3A_644] : memref<32x1000000xf32, #tpu.memory_space<hbm>> -> memref<32x128xf32, #tpu.memory_space<hbm>>
      %dma_wait3A_646 = arith.constant 0 : i32
      %dma_wait3A_647 = arith.constant 0 : i32
      %dma_wait3A_648 = tpu.memref_slice %arg4[%dma_wait3A_646, %dma_wait3A_647] : memref<32x1000000xf32, #tpu.memory_space<hbm>> -> memref<32x128xf32, #tpu.memory_space<hbm>>
      tpu.wait_dma2 semaphore(%arg30 : memref<!tpu.dma_semaphore, #tpu.memory_space<semaphore_mem>>) src(%dma_wait3A_648 : memref<32x128xf32, #tpu.memory_space<hbm>>) dst(%arg18 : memref<32x128xf32, #tpu.memory_space<vmem>>)
      %dma_wait3A_649 = arith.constant 0 : i32
      %dma_wait3A_650 = arith.constant 0 : i32
      %dma_wait3A_651 = tpu.memref_slice %arg5[%dma_wait3A_649, %dma_wait3A_650] : memref<32x1000000xf32, #tpu.memory_space<hbm>> -> memref<32x128xf32, #tpu.memory_space<hbm>>
      %dma_wait3A_652 = arith.constant 0 : i32
      %dma_wait3A_653 = arith.constant 0 : i32
      %dma_wait3A_654 = tpu.memref_slice %arg5[%dma_wait3A_652, %dma_wait3A_653] : memref<32x1000000xf32, #tpu.memory_space<hbm>> -> memref<32x128xf32, #tpu.memory_space<hbm>>
      tpu.wait_dma2 semaphore(%arg31 : memref<!tpu.dma_semaphore, #tpu.memory_space<semaphore_mem>>) src(%dma_wait3A_654 : memref<32x128xf32, #tpu.memory_space<hbm>>) dst(%arg26 : memref<32x128xf32, #tpu.memory_space<vmem>>)
      %and3A_655 = arith.constant 127 : i32
      %and3A_656 = arith.andi %scan3A_277, %and3A_655 : i32
      %broadcast_in_dim3A_657 = vector.broadcast %and3A_656 : i32 to vector<16xi32>
      %and3A_658 = arith.constant 127 : i32
      %and3A_659 = arith.andi %scan3A_278, %and3A_658 : i32
      %broadcast_in_dim3A_660 = vector.broadcast %and3A_659 : i32 to vector<16xi32>
      %gather3A_661 = tpu.vector_load_idx %arg18[%iota3A, %broadcast_in_dim3A_657] : memref<32x128xf32, #tpu.memory_space<vmem>>[vector<16xi32>, vector<16xi32>], vector<16xf32>,
      %add3A_662 = arith.constant 16 : i32
      %add3A_663 = vector.broadcast %add3A_662 : i32 to vector<16xi32>
      %add3A_664 = arith.addi %iota3A, %add3A_663 : vector<16xi32>
      %gather3A_665 = tpu.vector_load_idx %arg18[%add3A_664, %broadcast_in_dim3A_657] : memref<32x128xf32, #tpu.memory_space<vmem>>[vector<16xi32>, vector<16xi32>], vector<16xf32>,
      %gather3A_666 = tpu.vector_load_idx %arg26[%iota3A, %broadcast_in_dim3A_660] : memref<32x128xf32, #tpu.memory_space<vmem>>[vector<16xi32>, vector<16xi32>], vector<16xf32>,
      %add3A_667 = arith.constant 16 : i32
      %add3A_668 = vector.broadcast %add3A_667 : i32 to vector<16xi32>
      %add3A_669 = arith.addi %iota3A, %add3A_668 : vector<16xi32>
      %gather3A_670 = tpu.vector_load_idx %arg26[%add3A_669, %broadcast_in_dim3A_660] : memref<32x128xf32, #tpu.memory_space<vmem>>[vector<16xi32>, vector<16xi32>], vector<16xf32>,
      %mul3A_671 = arith.mulf %gather3A_661, %gather3A_666 : vector<16xf32>
      %mul3A_672 = arith.mulf %gather3A_665, %gather3A_670 : vector<16xf32>
      %add3A_673 = arith.addf %mul3A_671, %mul3A_672 : vector<16xf32>
      %reduce_sum3A_674 = arith.constant true
      %reduce_sum3A_675 = vector.broadcast %reduce_sum3A_674 : i1 to vector<16xi1>
      %reduce_sum3A_676 = tpu.scan <sum>, %add3A_673 masked %reduce_sum3A_675 : vector<16xf32>, vector<16xi1> -> vector<16xf32>
      %reduce_sum3A_677 = vector.extract %reduce_sum3A_676[15] : f32 from vector<16xf32>
      %eq3A_678 = arith.constant 4 : i32
      %eq3A_679 = vector.broadcast %eq3A_678 : i32 to vector<16xi32>
      %eq3A_680 = arith.cmpi eq, %iota3A, %eq3A_679 : vector<16xi32>
      %broadcast_in_dim3A_681 = vector.broadcast %reduce_sum3A_677 : f32 to vector<16xf32>
      %select_n3A_682 = arith.select %eq3A_680, %broadcast_in_dim3A_681, %select_n3A_602 : vector<16xi1>, vector<16xf32>
      %add3A_683 = arith.constant 5 : i32
      %add3A_684 = arith.addi %mul3A_284, %add3A_683 : i32
      %add3A_685 = arith.constant 8 : i32
      %add3A_686 = arith.addi %add3A_684, %add3A_685 : i32
      %sub3A_687 = arith.constant 1 : i32
      %sub3A_688 = arith.subi %add3A_686, %sub3A_687 : i32
      %min3A_689 = arith.constant 511 : i32
      %min3A_690 = arith.minsi %sub3A_688, %min3A_689 : i32
      %shift_right_arithmetic3A_691 = arith.constant 4 : i32
      %shift_right_arithmetic3A_692 = arith.shrsi %min3A_690, %shift_right_arithmetic3A_691 : i32
      %mul3A_693 = arith.constant 16 : i32
      %mul3A_694 = arith.muli %shift_right_arithmetic3A_692, %mul3A_693 : i32
      %multiple_of3A_695 = tpu.assume_multiple %mul3A_694, 16 : i32
      %and3A_696 = arith.constant 15 : i32
      %and3A_697 = arith.andi %min3A_690, %and3A_696 : i32
      %eq3A_698 = vector.broadcast %and3A_697 : i32 to vector<16xi32>
      %eq3A_699 = arith.cmpi eq, %iota3A, %eq3A_698 : vector<16xi32>
      %get3A_700 = arith.index_cast %multiple_of3A_695 : i32 to index
      %get3A_701 = tpu.vector_load %arg9[%get3A_700] {strides = array<i32>} : memref<512xi32, #tpu.memory_space<vmem>>, vector<16xi32>,
      %get3A_702 = arith.index_cast %multiple_of3A_695 : i32 to index
      %get3A_703 = tpu.vector_load %arg10[%get3A_702] {strides = array<i32>} : memref<512xi32, #tpu.memory_space<vmem>>, vector<16xi32>,
      %select_n3A_704 = arith.select %eq3A_699, %get3A_701, %broadcast_in_dim3A_6 : vector<16xi1>, vector<16xi32>
      %reduce_sum3A_705 = arith.constant true
      %reduce_sum3A_706 = vector.broadcast %reduce_sum3A_705 : i1 to vector<16xi1>
      %reduce_sum3A_707 = tpu.scan <sum>, %select_n3A_704 masked %reduce_sum3A_706 : vector<16xi32>, vector<16xi1> -> vector<16xi32>
      %reduce_sum3A_708 = vector.extract %reduce_sum3A_707[15] : i32 from vector<16xi32>
      %select_n3A_709 = arith.select %eq3A_699, %get3A_703, %broadcast_in_dim3A_6 : vector<16xi1>, vector<16xi32>
      %reduce_sum3A_710 = arith.constant true
      %reduce_sum3A_711 = vector.broadcast %reduce_sum3A_710 : i1 to vector<16xi1>
      %reduce_sum3A_712 = tpu.scan <sum>, %select_n3A_709 masked %reduce_sum3A_711 : vector<16xi32>, vector<16xi1> -> vector<16xi32>
      %reduce_sum3A_713 = vector.extract %reduce_sum3A_712[15] : i32 from vector<16xi32>
      %add3A_714 = arith.constant 8 : i32
      %add3A_715 = arith.addi %add3A_684, %add3A_714 : i32
      %sub3A_716 = arith.constant 1 : i32
      %sub3A_717 = arith.subi %add3A_715, %sub3A_716 : i32
      %lt3A_718 = arith.constant 512 : i32
      %lt3A_719 = arith.cmpi slt, %sub3A_717, %lt3A_718 : i32
      %convert_element_type3A_720 = arith.extui %lt3A_719 : i1 to i32
      %cond3A_721 = arith.constant 0 : i32
      %cond3A_722 = arith.cmpi ne, %convert_element_type3A_720, %cond3A_721 : i32
      scf.if %cond3A_722 {
        %shift_right_arithmetic3A_1564 = arith.constant 7 : i32
        %shift_right_arithmetic3A_1565 = arith.shrsi %reduce_sum3A_708, %shift_right_arithmetic3A_1564 : i32
        %mul3A_1566 = arith.constant 128 : i32
        %mul3A_1567 = arith.muli %shift_right_arithmetic3A_1565, %mul3A_1566 : i32
        %multiple_of3A_1568 = tpu.assume_multiple %mul3A_1567, 128 : i32
        %shift_right_arithmetic3A_1569 = arith.constant 7 : i32
        %shift_right_arithmetic3A_1570 = arith.shrsi %reduce_sum3A_713, %shift_right_arithmetic3A_1569 : i32
        %mul3A_1571 = arith.constant 128 : i32
        %mul3A_1572 = arith.muli %shift_right_arithmetic3A_1570, %mul3A_1571 : i32
        %multiple_of3A_1573 = tpu.assume_multiple %mul3A_1572, 128 : i32
        %dma_start3A_1574 = arith.constant 0 : i32
        %dma_start3A_1575 = tpu.memref_slice %arg4[%dma_start3A_1574, %multiple_of3A_1568] : memref<32x1000000xf32, #tpu.memory_space<hbm>> -> memref<32x128xf32, #tpu.memory_space<hbm>>
        %dma_start3A_1576 = arith.constant 0 : i32
        %dma_start3A_1577 = tpu.memref_slice %arg4[%dma_start3A_1576, %multiple_of3A_1568] : memref<32x1000000xf32, #tpu.memory_space<hbm>> -> memref<32x128xf32, #tpu.memory_space<hbm>>
        tpu.enqueue_dma source(%dma_start3A_1577 : memref<32x128xf32, #tpu.memory_space<hbm>>) target(%arg18 : memref<32x128xf32, #tpu.memory_space<vmem>>) target_semaphore(%arg30 : memref<!tpu.dma_semaphore, #tpu.memory_space<semaphore_mem>>)
        %dma_start3A_1578 = arith.constant 0 : i32
        %dma_start3A_1579 = tpu.memref_slice %arg5[%dma_start3A_1578, %multiple_of3A_1573] : memref<32x1000000xf32, #tpu.memory_space<hbm>> -> memref<32x128xf32, #tpu.memory_space<hbm>>
        %dma_start3A_1580 = arith.constant 0 : i32
        %dma_start3A_1581 = tpu.memref_slice %arg5[%dma_start3A_1580, %multiple_of3A_1573] : memref<32x1000000xf32, #tpu.memory_space<hbm>> -> memref<32x128xf32, #tpu.memory_space<hbm>>
        tpu.enqueue_dma source(%dma_start3A_1581 : memref<32x128xf32, #tpu.memory_space<hbm>>) target(%arg26 : memref<32x128xf32, #tpu.memory_space<vmem>>) target_semaphore(%arg31 : memref<!tpu.dma_semaphore, #tpu.memory_space<semaphore_mem>>)
      } else {
      }
      %dma_wait3A_723 = arith.constant 0 : i32
      %dma_wait3A_724 = arith.constant 0 : i32
      %dma_wait3A_725 = tpu.memref_slice %arg4[%dma_wait3A_723, %dma_wait3A_724] : memref<32x1000000xf32, #tpu.memory_space<hbm>> -> memref<32x128xf32, #tpu.memory_space<hbm>>
      %dma_wait3A_726 = arith.constant 0 : i32
      %dma_wait3A_727 = arith.constant 0 : i32
      %dma_wait3A_728 = tpu.memref_slice %arg4[%dma_wait3A_726, %dma_wait3A_727] : memref<32x1000000xf32, #tpu.memory_space<hbm>> -> memref<32x128xf32, #tpu.memory_space<hbm>>
      tpu.wait_dma2 semaphore(%arg30 : memref<!tpu.dma_semaphore, #tpu.memory_space<semaphore_mem>>) src(%dma_wait3A_728 : memref<32x128xf32, #tpu.memory_space<hbm>>) dst(%arg19 : memref<32x128xf32, #tpu.memory_space<vmem>>)
      %dma_wait3A_729 = arith.constant 0 : i32
      %dma_wait3A_730 = arith.constant 0 : i32
      %dma_wait3A_731 = tpu.memref_slice %arg5[%dma_wait3A_729, %dma_wait3A_730] : memref<32x1000000xf32, #tpu.memory_space<hbm>> -> memref<32x128xf32, #tpu.memory_space<hbm>>
      %dma_wait3A_732 = arith.constant 0 : i32
      %dma_wait3A_733 = arith.constant 0 : i32
      %dma_wait3A_734 = tpu.memref_slice %arg5[%dma_wait3A_732, %dma_wait3A_733] : memref<32x1000000xf32, #tpu.memory_space<hbm>> -> memref<32x128xf32, #tpu.memory_space<hbm>>
      tpu.wait_dma2 semaphore(%arg31 : memref<!tpu.dma_semaphore, #tpu.memory_space<semaphore_mem>>) src(%dma_wait3A_734 : memref<32x128xf32, #tpu.memory_space<hbm>>) dst(%arg27 : memref<32x128xf32, #tpu.memory_space<vmem>>)
      %and3A_735 = arith.constant 127 : i32
      %and3A_736 = arith.andi %scan3A_279, %and3A_735 : i32
      %broadcast_in_dim3A_737 = vector.broadcast %and3A_736 : i32 to vector<16xi32>
      %and3A_738 = arith.constant 127 : i32
      %and3A_739 = arith.andi %scan3A_280, %and3A_738 : i32
      %broadcast_in_dim3A_740 = vector.broadcast %and3A_739 : i32 to vector<16xi32>
      %gather3A_741 = tpu.vector_load_idx %arg19[%iota3A, %broadcast_in_dim3A_737] : memref<32x128xf32, #tpu.memory_space<vmem>>[vector<16xi32>, vector<16xi32>], vector<16xf32>,
      %add3A_742 = arith.constant 16 : i32
      %add3A_743 = vector.broadcast %add3A_742 : i32 to vector<16xi32>
      %add3A_744 = arith.addi %iota3A, %add3A_743 : vector<16xi32>
      %gather3A_745 = tpu.vector_load_idx %arg19[%add3A_744, %broadcast_in_dim3A_737] : memref<32x128xf32, #tpu.memory_space<vmem>>[vector<16xi32>, vector<16xi32>], vector<16xf32>,
      %gather3A_746 = tpu.vector_load_idx %arg27[%iota3A, %broadcast_in_dim3A_740] : memref<32x128xf32, #tpu.memory_space<vmem>>[vector<16xi32>, vector<16xi32>], vector<16xf32>,
      %add3A_747 = arith.constant 16 : i32
      %add3A_748 = vector.broadcast %add3A_747 : i32 to vector<16xi32>
      %add3A_749 = arith.addi %iota3A, %add3A_748 : vector<16xi32>
      %gather3A_750 = tpu.vector_load_idx %arg27[%add3A_749, %broadcast_in_dim3A_740] : memref<32x128xf32, #tpu.memory_space<vmem>>[vector<16xi32>, vector<16xi32>], vector<16xf32>,
      %mul3A_751 = arith.mulf %gather3A_741, %gather3A_746 : vector<16xf32>
      %mul3A_752 = arith.mulf %gather3A_745, %gather3A_750 : vector<16xf32>
      %add3A_753 = arith.addf %mul3A_751, %mul3A_752 : vector<16xf32>
      %reduce_sum3A_754 = arith.constant true
      %reduce_sum3A_755 = vector.broadcast %reduce_sum3A_754 : i1 to vector<16xi1>
      %reduce_sum3A_756 = tpu.scan <sum>, %add3A_753 masked %reduce_sum3A_755 : vector<16xf32>, vector<16xi1> -> vector<16xf32>
      %reduce_sum3A_757 = vector.extract %reduce_sum3A_756[15] : f32 from vector<16xf32>
      %eq3A_758 = arith.constant 5 : i32
      %eq3A_759 = vector.broadcast %eq3A_758 : i32 to vector<16xi32>
      %eq3A_760 = arith.cmpi eq, %iota3A, %eq3A_759 : vector<16xi32>
      %broadcast_in_dim3A_761 = vector.broadcast %reduce_sum3A_757 : f32 to vector<16xf32>
      %select_n3A_762 = arith.select %eq3A_760, %broadcast_in_dim3A_761, %select_n3A_682 : vector<16xi1>, vector<16xf32>
      %add3A_763 = arith.constant 6 : i32
      %add3A_764 = arith.addi %mul3A_284, %add3A_763 : i32
      %add3A_765 = arith.constant 8 : i32
      %add3A_766 = arith.addi %add3A_764, %add3A_765 : i32
      %sub3A_767 = arith.constant 1 : i32
      %sub3A_768 = arith.subi %add3A_766, %sub3A_767 : i32
      %min3A_769 = arith.constant 511 : i32
      %min3A_770 = arith.minsi %sub3A_768, %min3A_769 : i32
      %shift_right_arithmetic3A_771 = arith.constant 4 : i32
      %shift_right_arithmetic3A_772 = arith.shrsi %min3A_770, %shift_right_arithmetic3A_771 : i32
      %mul3A_773 = arith.constant 16 : i32
      %mul3A_774 = arith.muli %shift_right_arithmetic3A_772, %mul3A_773 : i32
      %multiple_of3A_775 = tpu.assume_multiple %mul3A_774, 16 : i32
      %and3A_776 = arith.constant 15 : i32
      %and3A_777 = arith.andi %min3A_770, %and3A_776 : i32
      %eq3A_778 = vector.broadcast %and3A_777 : i32 to vector<16xi32>
      %eq3A_779 = arith.cmpi eq, %iota3A, %eq3A_778 : vector<16xi32>
      %get3A_780 = arith.index_cast %multiple_of3A_775 : i32 to index
      %get3A_781 = tpu.vector_load %arg9[%get3A_780] {strides = array<i32>} : memref<512xi32, #tpu.memory_space<vmem>>, vector<16xi32>,
      %get3A_782 = arith.index_cast %multiple_of3A_775 : i32 to index
      %get3A_783 = tpu.vector_load %arg10[%get3A_782] {strides = array<i32>} : memref<512xi32, #tpu.memory_space<vmem>>, vector<16xi32>,
      %select_n3A_784 = arith.select %eq3A_779, %get3A_781, %broadcast_in_dim3A_6 : vector<16xi1>, vector<16xi32>
      %reduce_sum3A_785 = arith.constant true
      %reduce_sum3A_786 = vector.broadcast %reduce_sum3A_785 : i1 to vector<16xi1>
      %reduce_sum3A_787 = tpu.scan <sum>, %select_n3A_784 masked %reduce_sum3A_786 : vector<16xi32>, vector<16xi1> -> vector<16xi32>
      %reduce_sum3A_788 = vector.extract %reduce_sum3A_787[15] : i32 from vector<16xi32>
      %select_n3A_789 = arith.select %eq3A_779, %get3A_783, %broadcast_in_dim3A_6 : vector<16xi1>, vector<16xi32>
      %reduce_sum3A_790 = arith.constant true
      %reduce_sum3A_791 = vector.broadcast %reduce_sum3A_790 : i1 to vector<16xi1>
      %reduce_sum3A_792 = tpu.scan <sum>, %select_n3A_789 masked %reduce_sum3A_791 : vector<16xi32>, vector<16xi1> -> vector<16xi32>
      %reduce_sum3A_793 = vector.extract %reduce_sum3A_792[15] : i32 from vector<16xi32>
      %add3A_794 = arith.constant 8 : i32
      %add3A_795 = arith.addi %add3A_764, %add3A_794 : i32
      %sub3A_796 = arith.constant 1 : i32
      %sub3A_797 = arith.subi %add3A_795, %sub3A_796 : i32
      %lt3A_798 = arith.constant 512 : i32
      %lt3A_799 = arith.cmpi slt, %sub3A_797, %lt3A_798 : i32
      %convert_element_type3A_800 = arith.extui %lt3A_799 : i1 to i32
      %cond3A_801 = arith.constant 0 : i32
      %cond3A_802 = arith.cmpi ne, %convert_element_type3A_800, %cond3A_801 : i32
      scf.if %cond3A_802 {
        %shift_right_arithmetic3A_1564 = arith.constant 7 : i32
        %shift_right_arithmetic3A_1565 = arith.shrsi %reduce_sum3A_788, %shift_right_arithmetic3A_1564 : i32
        %mul3A_1566 = arith.constant 128 : i32
        %mul3A_1567 = arith.muli %shift_right_arithmetic3A_1565, %mul3A_1566 : i32
        %multiple_of3A_1568 = tpu.assume_multiple %mul3A_1567, 128 : i32
        %shift_right_arithmetic3A_1569 = arith.constant 7 : i32
        %shift_right_arithmetic3A_1570 = arith.shrsi %reduce_sum3A_793, %shift_right_arithmetic3A_1569 : i32
        %mul3A_1571 = arith.constant 128 : i32
        %mul3A_1572 = arith.muli %shift_right_arithmetic3A_1570, %mul3A_1571 : i32
        %multiple_of3A_1573 = tpu.assume_multiple %mul3A_1572, 128 : i32
        %dma_start3A_1574 = arith.constant 0 : i32
        %dma_start3A_1575 = tpu.memref_slice %arg4[%dma_start3A_1574, %multiple_of3A_1568] : memref<32x1000000xf32, #tpu.memory_space<hbm>> -> memref<32x128xf32, #tpu.memory_space<hbm>>
        %dma_start3A_1576 = arith.constant 0 : i32
        %dma_start3A_1577 = tpu.memref_slice %arg4[%dma_start3A_1576, %multiple_of3A_1568] : memref<32x1000000xf32, #tpu.memory_space<hbm>> -> memref<32x128xf32, #tpu.memory_space<hbm>>
        tpu.enqueue_dma source(%dma_start3A_1577 : memref<32x128xf32, #tpu.memory_space<hbm>>) target(%arg19 : memref<32x128xf32, #tpu.memory_space<vmem>>) target_semaphore(%arg30 : memref<!tpu.dma_semaphore, #tpu.memory_space<semaphore_mem>>)
        %dma_start3A_1578 = arith.constant 0 : i32
        %dma_start3A_1579 = tpu.memref_slice %arg5[%dma_start3A_1578, %multiple_of3A_1573] : memref<32x1000000xf32, #tpu.memory_space<hbm>> -> memref<32x128xf32, #tpu.memory_space<hbm>>
        %dma_start3A_1580 = arith.constant 0 : i32
        %dma_start3A_1581 = tpu.memref_slice %arg5[%dma_start3A_1580, %multiple_of3A_1573] : memref<32x1000000xf32, #tpu.memory_space<hbm>> -> memref<32x128xf32, #tpu.memory_space<hbm>>
        tpu.enqueue_dma source(%dma_start3A_1581 : memref<32x128xf32, #tpu.memory_space<hbm>>) target(%arg27 : memref<32x128xf32, #tpu.memory_space<vmem>>) target_semaphore(%arg31 : memref<!tpu.dma_semaphore, #tpu.memory_space<semaphore_mem>>)
      } else {
      }
      %dma_wait3A_803 = arith.constant 0 : i32
      %dma_wait3A_804 = arith.constant 0 : i32
      %dma_wait3A_805 = tpu.memref_slice %arg4[%dma_wait3A_803, %dma_wait3A_804] : memref<32x1000000xf32, #tpu.memory_space<hbm>> -> memref<32x128xf32, #tpu.memory_space<hbm>>
      %dma_wait3A_806 = arith.constant 0 : i32
      %dma_wait3A_807 = arith.constant 0 : i32
      %dma_wait3A_808 = tpu.memref_slice %arg4[%dma_wait3A_806, %dma_wait3A_807] : memref<32x1000000xf32, #tpu.memory_space<hbm>> -> memref<32x128xf32, #tpu.memory_space<hbm>>
      tpu.wait_dma2 semaphore(%arg30 : memref<!tpu.dma_semaphore, #tpu.memory_space<semaphore_mem>>) src(%dma_wait3A_808 : memref<32x128xf32, #tpu.memory_space<hbm>>) dst(%arg20 : memref<32x128xf32, #tpu.memory_space<vmem>>)
      %dma_wait3A_809 = arith.constant 0 : i32
      %dma_wait3A_810 = arith.constant 0 : i32
      %dma_wait3A_811 = tpu.memref_slice %arg5[%dma_wait3A_809, %dma_wait3A_810] : memref<32x1000000xf32, #tpu.memory_space<hbm>> -> memref<32x128xf32, #tpu.memory_space<hbm>>
      %dma_wait3A_812 = arith.constant 0 : i32
      %dma_wait3A_813 = arith.constant 0 : i32
      %dma_wait3A_814 = tpu.memref_slice %arg5[%dma_wait3A_812, %dma_wait3A_813] : memref<32x1000000xf32, #tpu.memory_space<hbm>> -> memref<32x128xf32, #tpu.memory_space<hbm>>
      tpu.wait_dma2 semaphore(%arg31 : memref<!tpu.dma_semaphore, #tpu.memory_space<semaphore_mem>>) src(%dma_wait3A_814 : memref<32x128xf32, #tpu.memory_space<hbm>>) dst(%arg28 : memref<32x128xf32, #tpu.memory_space<vmem>>)
      %and3A_815 = arith.constant 127 : i32
      %and3A_816 = arith.andi %scan3A_281, %and3A_815 : i32
      %broadcast_in_dim3A_817 = vector.broadcast %and3A_816 : i32 to vector<16xi32>
      %and3A_818 = arith.constant 127 : i32
      %and3A_819 = arith.andi %scan3A_282, %and3A_818 : i32
      %broadcast_in_dim3A_820 = vector.broadcast %and3A_819 : i32 to vector<16xi32>
      %gather3A_821 = tpu.vector_load_idx %arg20[%iota3A, %broadcast_in_dim3A_817] : memref<32x128xf32, #tpu.memory_space<vmem>>[vector<16xi32>, vector<16xi32>], vector<16xf32>,
      %add3A_822 = arith.constant 16 : i32
      %add3A_823 = vector.broadcast %add3A_822 : i32 to vector<16xi32>
      %add3A_824 = arith.addi %iota3A, %add3A_823 : vector<16xi32>
      %gather3A_825 = tpu.vector_load_idx %arg20[%add3A_824, %broadcast_in_dim3A_817] : memref<32x128xf32, #tpu.memory_space<vmem>>[vector<16xi32>, vector<16xi32>], vector<16xf32>,
      %gather3A_826 = tpu.vector_load_idx %arg28[%iota3A, %broadcast_in_dim3A_820] : memref<32x128xf32, #tpu.memory_space<vmem>>[vector<16xi32>, vector<16xi32>], vector<16xf32>,
      %add3A_827 = arith.constant 16 : i32
      %add3A_828 = vector.broadcast %add3A_827 : i32 to vector<16xi32>
      %add3A_829 = arith.addi %iota3A, %add3A_828 : vector<16xi32>
      %gather3A_830 = tpu.vector_load_idx %arg28[%add3A_829, %broadcast_in_dim3A_820] : memref<32x128xf32, #tpu.memory_space<vmem>>[vector<16xi32>, vector<16xi32>], vector<16xf32>,
      %mul3A_831 = arith.mulf %gather3A_821, %gather3A_826 : vector<16xf32>
      %mul3A_832 = arith.mulf %gather3A_825, %gather3A_830 : vector<16xf32>
      %add3A_833 = arith.addf %mul3A_831, %mul3A_832 : vector<16xf32>
      %reduce_sum3A_834 = arith.constant true
      %reduce_sum3A_835 = vector.broadcast %reduce_sum3A_834 : i1 to vector<16xi1>
      %reduce_sum3A_836 = tpu.scan <sum>, %add3A_833 masked %reduce_sum3A_835 : vector<16xf32>, vector<16xi1> -> vector<16xf32>
      %reduce_sum3A_837 = vector.extract %reduce_sum3A_836[15] : f32 from vector<16xf32>
      %eq3A_838 = arith.constant 6 : i32
      %eq3A_839 = vector.broadcast %eq3A_838 : i32 to vector<16xi32>
      %eq3A_840 = arith.cmpi eq, %iota3A, %eq3A_839 : vector<16xi32>
      %broadcast_in_dim3A_841 = vector.broadcast %reduce_sum3A_837 : f32 to vector<16xf32>
      %select_n3A_842 = arith.select %eq3A_840, %broadcast_in_dim3A_841, %select_n3A_762 : vector<16xi1>, vector<16xf32>
      %add3A_843 = arith.constant 7 : i32
      %add3A_844 = arith.addi %mul3A_284, %add3A_843 : i32
      %add3A_845 = arith.constant 8 : i32
      %add3A_846 = arith.addi %add3A_844, %add3A_845 : i32
      %sub3A_847 = arith.constant 1 : i32
      %sub3A_848 = arith.subi %add3A_846, %sub3A_847 : i32
      %min3A_849 = arith.constant 511 : i32
      %min3A_850 = arith.minsi %sub3A_848, %min3A_849 : i32
      %shift_right_arithmetic3A_851 = arith.constant 4 : i32
      %shift_right_arithmetic3A_852 = arith.shrsi %min3A_850, %shift_right_arithmetic3A_851 : i32
      %mul3A_853 = arith.constant 16 : i32
      %mul3A_854 = arith.muli %shift_right_arithmetic3A_852, %mul3A_853 : i32
      %multiple_of3A_855 = tpu.assume_multiple %mul3A_854, 16 : i32
      %and3A_856 = arith.constant 15 : i32
      %and3A_857 = arith.andi %min3A_850, %and3A_856 : i32
      %eq3A_858 = vector.broadcast %and3A_857 : i32 to vector<16xi32>
      %eq3A_859 = arith.cmpi eq, %iota3A, %eq3A_858 : vector<16xi32>
      %get3A_860 = arith.index_cast %multiple_of3A_855 : i32 to index
      %get3A_861 = tpu.vector_load %arg9[%get3A_860] {strides = array<i32>} : memref<512xi32, #tpu.memory_space<vmem>>, vector<16xi32>,
      %get3A_862 = arith.index_cast %multiple_of3A_855 : i32 to index
      %get3A_863 = tpu.vector_load %arg10[%get3A_862] {strides = array<i32>} : memref<512xi32, #tpu.memory_space<vmem>>, vector<16xi32>,
      %select_n3A_864 = arith.select %eq3A_859, %get3A_861, %broadcast_in_dim3A_6 : vector<16xi1>, vector<16xi32>
      %reduce_sum3A_865 = arith.constant true
      %reduce_sum3A_866 = vector.broadcast %reduce_sum3A_865 : i1 to vector<16xi1>
      %reduce_sum3A_867 = tpu.scan <sum>, %select_n3A_864 masked %reduce_sum3A_866 : vector<16xi32>, vector<16xi1> -> vector<16xi32>
      %reduce_sum3A_868 = vector.extract %reduce_sum3A_867[15] : i32 from vector<16xi32>
      %select_n3A_869 = arith.select %eq3A_859, %get3A_863, %broadcast_in_dim3A_6 : vector<16xi1>, vector<16xi32>
      %reduce_sum3A_870 = arith.constant true
      %reduce_sum3A_871 = vector.broadcast %reduce_sum3A_870 : i1 to vector<16xi1>
      %reduce_sum3A_872 = tpu.scan <sum>, %select_n3A_869 masked %reduce_sum3A_871 : vector<16xi32>, vector<16xi1> -> vector<16xi32>
      %reduce_sum3A_873 = vector.extract %reduce_sum3A_872[15] : i32 from vector<16xi32>
      %add3A_874 = arith.constant 8 : i32
      %add3A_875 = arith.addi %add3A_844, %add3A_874 : i32
      %sub3A_876 = arith.constant 1 : i32
      %sub3A_877 = arith.subi %add3A_875, %sub3A_876 : i32
      %lt3A_878 = arith.constant 512 : i32
      %lt3A_879 = arith.cmpi slt, %sub3A_877, %lt3A_878 : i32
      %convert_element_type3A_880 = arith.extui %lt3A_879 : i1 to i32
      %cond3A_881 = arith.constant 0 : i32
      %cond3A_882 = arith.cmpi ne, %convert_element_type3A_880, %cond3A_881 : i32
      scf.if %cond3A_882 {
        %shift_right_arithmetic3A_1564 = arith.constant 7 : i32
        %shift_right_arithmetic3A_1565 = arith.shrsi %reduce_sum3A_868, %shift_right_arithmetic3A_1564 : i32
        %mul3A_1566 = arith.constant 128 : i32
        %mul3A_1567 = arith.muli %shift_right_arithmetic3A_1565, %mul3A_1566 : i32
        %multiple_of3A_1568 = tpu.assume_multiple %mul3A_1567, 128 : i32
        %shift_right_arithmetic3A_1569 = arith.constant 7 : i32
        %shift_right_arithmetic3A_1570 = arith.shrsi %reduce_sum3A_873, %shift_right_arithmetic3A_1569 : i32
        %mul3A_1571 = arith.constant 128 : i32
        %mul3A_1572 = arith.muli %shift_right_arithmetic3A_1570, %mul3A_1571 : i32
        %multiple_of3A_1573 = tpu.assume_multiple %mul3A_1572, 128 : i32
        %dma_start3A_1574 = arith.constant 0 : i32
        %dma_start3A_1575 = tpu.memref_slice %arg4[%dma_start3A_1574, %multiple_of3A_1568] : memref<32x1000000xf32, #tpu.memory_space<hbm>> -> memref<32x128xf32, #tpu.memory_space<hbm>>
        %dma_start3A_1576 = arith.constant 0 : i32
        %dma_start3A_1577 = tpu.memref_slice %arg4[%dma_start3A_1576, %multiple_of3A_1568] : memref<32x1000000xf32, #tpu.memory_space<hbm>> -> memref<32x128xf32, #tpu.memory_space<hbm>>
        tpu.enqueue_dma source(%dma_start3A_1577 : memref<32x128xf32, #tpu.memory_space<hbm>>) target(%arg20 : memref<32x128xf32, #tpu.memory_space<vmem>>) target_semaphore(%arg30 : memref<!tpu.dma_semaphore, #tpu.memory_space<semaphore_mem>>)
        %dma_start3A_1578 = arith.constant 0 : i32
        %dma_start3A_1579 = tpu.memref_slice %arg5[%dma_start3A_1578, %multiple_of3A_1573] : memref<32x1000000xf32, #tpu.memory_space<hbm>> -> memref<32x128xf32, #tpu.memory_space<hbm>>
        %dma_start3A_1580 = arith.constant 0 : i32
        %dma_start3A_1581 = tpu.memref_slice %arg5[%dma_start3A_1580, %multiple_of3A_1573] : memref<32x1000000xf32, #tpu.memory_space<hbm>> -> memref<32x128xf32, #tpu.memory_space<hbm>>
        tpu.enqueue_dma source(%dma_start3A_1581 : memref<32x128xf32, #tpu.memory_space<hbm>>) target(%arg28 : memref<32x128xf32, #tpu.memory_space<vmem>>) target_semaphore(%arg31 : memref<!tpu.dma_semaphore, #tpu.memory_space<semaphore_mem>>)
      } else {
      }
      %dma_wait3A_883 = arith.constant 0 : i32
      %dma_wait3A_884 = arith.constant 0 : i32
      %dma_wait3A_885 = tpu.memref_slice %arg4[%dma_wait3A_883, %dma_wait3A_884] : memref<32x1000000xf32, #tpu.memory_space<hbm>> -> memref<32x128xf32, #tpu.memory_space<hbm>>
      %dma_wait3A_886 = arith.constant 0 : i32
      %dma_wait3A_887 = arith.constant 0 : i32
      %dma_wait3A_888 = tpu.memref_slice %arg4[%dma_wait3A_886, %dma_wait3A_887] : memref<32x1000000xf32, #tpu.memory_space<hbm>> -> memref<32x128xf32, #tpu.memory_space<hbm>>
      tpu.wait_dma2 semaphore(%arg30 : memref<!tpu.dma_semaphore, #tpu.memory_space<semaphore_mem>>) src(%dma_wait3A_888 : memref<32x128xf32, #tpu.memory_space<hbm>>) dst(%arg21 : memref<32x128xf32, #tpu.memory_space<vmem>>)
      %dma_wait3A_889 = arith.constant 0 : i32
      %dma_wait3A_890 = arith.constant 0 : i32
      %dma_wait3A_891 = tpu.memref_slice %arg5[%dma_wait3A_889, %dma_wait3A_890] : memref<32x1000000xf32, #tpu.memory_space<hbm>> -> memref<32x128xf32, #tpu.memory_space<hbm>>
      %dma_wait3A_892 = arith.constant 0 : i32
      %dma_wait3A_893 = arith.constant 0 : i32
      %dma_wait3A_894 = tpu.memref_slice %arg5[%dma_wait3A_892, %dma_wait3A_893] : memref<32x1000000xf32, #tpu.memory_space<hbm>> -> memref<32x128xf32, #tpu.memory_space<hbm>>
      tpu.wait_dma2 semaphore(%arg31 : memref<!tpu.dma_semaphore, #tpu.memory_space<semaphore_mem>>) src(%dma_wait3A_894 : memref<32x128xf32, #tpu.memory_space<hbm>>) dst(%arg29 : memref<32x128xf32, #tpu.memory_space<vmem>>)
      %and3A_895 = arith.constant 127 : i32
      %and3A_896 = arith.andi %reduce_sum3A_312, %and3A_895 : i32
      %broadcast_in_dim3A_897 = vector.broadcast %and3A_896 : i32 to vector<16xi32>
      %and3A_898 = arith.constant 127 : i32
      %and3A_899 = arith.andi %reduce_sum3A_317, %and3A_898 : i32
      %broadcast_in_dim3A_900 = vector.broadcast %and3A_899 : i32 to vector<16xi32>
      %gather3A_901 = tpu.vector_load_idx %arg21[%iota3A, %broadcast_in_dim3A_897] : memref<32x128xf32, #tpu.memory_space<vmem>>[vector<16xi32>, vector<16xi32>], vector<16xf32>,
      %add3A_902 = arith.constant 16 : i32
      %add3A_903 = vector.broadcast %add3A_902 : i32 to vector<16xi32>
      %add3A_904 = arith.addi %iota3A, %add3A_903 : vector<16xi32>
      %gather3A_905 = tpu.vector_load_idx %arg21[%add3A_904, %broadcast_in_dim3A_897] : memref<32x128xf32, #tpu.memory_space<vmem>>[vector<16xi32>, vector<16xi32>], vector<16xf32>,
      %gather3A_906 = tpu.vector_load_idx %arg29[%iota3A, %broadcast_in_dim3A_900] : memref<32x128xf32, #tpu.memory_space<vmem>>[vector<16xi32>, vector<16xi32>], vector<16xf32>,
      %add3A_907 = arith.constant 16 : i32
      %add3A_908 = vector.broadcast %add3A_907 : i32 to vector<16xi32>
      %add3A_909 = arith.addi %iota3A, %add3A_908 : vector<16xi32>
      %gather3A_910 = tpu.vector_load_idx %arg29[%add3A_909, %broadcast_in_dim3A_900] : memref<32x128xf32, #tpu.memory_space<vmem>>[vector<16xi32>, vector<16xi32>], vector<16xf32>,
      %mul3A_911 = arith.mulf %gather3A_901, %gather3A_906 : vector<16xf32>
      %mul3A_912 = arith.mulf %gather3A_905, %gather3A_910 : vector<16xf32>
      %add3A_913 = arith.addf %mul3A_911, %mul3A_912 : vector<16xf32>
      %reduce_sum3A_914 = arith.constant true
      %reduce_sum3A_915 = vector.broadcast %reduce_sum3A_914 : i1 to vector<16xi1>
      %reduce_sum3A_916 = tpu.scan <sum>, %add3A_913 masked %reduce_sum3A_915 : vector<16xf32>, vector<16xi1> -> vector<16xf32>
      %reduce_sum3A_917 = vector.extract %reduce_sum3A_916[15] : f32 from vector<16xf32>
      %eq3A_918 = arith.constant 7 : i32
      %eq3A_919 = vector.broadcast %eq3A_918 : i32 to vector<16xi32>
      %eq3A_920 = arith.cmpi eq, %iota3A, %eq3A_919 : vector<16xi32>
      %broadcast_in_dim3A_921 = vector.broadcast %reduce_sum3A_917 : f32 to vector<16xf32>
      %select_n3A_922 = arith.select %eq3A_920, %broadcast_in_dim3A_921, %select_n3A_842 : vector<16xi1>, vector<16xf32>
      %add3A_923 = arith.constant 8 : i32
      %add3A_924 = arith.addi %mul3A_284, %add3A_923 : i32
      %add3A_925 = arith.constant 8 : i32
      %add3A_926 = arith.addi %add3A_924, %add3A_925 : i32
      %sub3A_927 = arith.constant 1 : i32
      %sub3A_928 = arith.subi %add3A_926, %sub3A_927 : i32
      %min3A_929 = arith.constant 511 : i32
      %min3A_930 = arith.minsi %sub3A_928, %min3A_929 : i32
      %shift_right_arithmetic3A_931 = arith.constant 4 : i32
      %shift_right_arithmetic3A_932 = arith.shrsi %min3A_930, %shift_right_arithmetic3A_931 : i32
      %mul3A_933 = arith.constant 16 : i32
      %mul3A_934 = arith.muli %shift_right_arithmetic3A_932, %mul3A_933 : i32
      %multiple_of3A_935 = tpu.assume_multiple %mul3A_934, 16 : i32
      %and3A_936 = arith.constant 15 : i32
      %and3A_937 = arith.andi %min3A_930, %and3A_936 : i32
      %eq3A_938 = vector.broadcast %and3A_937 : i32 to vector<16xi32>
      %eq3A_939 = arith.cmpi eq, %iota3A, %eq3A_938 : vector<16xi32>
      %get3A_940 = arith.index_cast %multiple_of3A_935 : i32 to index
      %get3A_941 = tpu.vector_load %arg9[%get3A_940] {strides = array<i32>} : memref<512xi32, #tpu.memory_space<vmem>>, vector<16xi32>,
      %get3A_942 = arith.index_cast %multiple_of3A_935 : i32 to index
      %get3A_943 = tpu.vector_load %arg10[%get3A_942] {strides = array<i32>} : memref<512xi32, #tpu.memory_space<vmem>>, vector<16xi32>,
      %select_n3A_944 = arith.select %eq3A_939, %get3A_941, %broadcast_in_dim3A_6 : vector<16xi1>, vector<16xi32>
      %reduce_sum3A_945 = arith.constant true
      %reduce_sum3A_946 = vector.broadcast %reduce_sum3A_945 : i1 to vector<16xi1>
      %reduce_sum3A_947 = tpu.scan <sum>, %select_n3A_944 masked %reduce_sum3A_946 : vector<16xi32>, vector<16xi1> -> vector<16xi32>
      %reduce_sum3A_948 = vector.extract %reduce_sum3A_947[15] : i32 from vector<16xi32>
      %select_n3A_949 = arith.select %eq3A_939, %get3A_943, %broadcast_in_dim3A_6 : vector<16xi1>, vector<16xi32>
      %reduce_sum3A_950 = arith.constant true
      %reduce_sum3A_951 = vector.broadcast %reduce_sum3A_950 : i1 to vector<16xi1>
      %reduce_sum3A_952 = tpu.scan <sum>, %select_n3A_949 masked %reduce_sum3A_951 : vector<16xi32>, vector<16xi1> -> vector<16xi32>
      %reduce_sum3A_953 = vector.extract %reduce_sum3A_952[15] : i32 from vector<16xi32>
      %add3A_954 = arith.constant 8 : i32
      %add3A_955 = arith.addi %add3A_924, %add3A_954 : i32
      %sub3A_956 = arith.constant 1 : i32
      %sub3A_957 = arith.subi %add3A_955, %sub3A_956 : i32
      %lt3A_958 = arith.constant 512 : i32
      %lt3A_959 = arith.cmpi slt, %sub3A_957, %lt3A_958 : i32
      %convert_element_type3A_960 = arith.extui %lt3A_959 : i1 to i32
      %cond3A_961 = arith.constant 0 : i32
      %cond3A_962 = arith.cmpi ne, %convert_element_type3A_960, %cond3A_961 : i32
      scf.if %cond3A_962 {
        %shift_right_arithmetic3A_1564 = arith.constant 7 : i32
        %shift_right_arithmetic3A_1565 = arith.shrsi %reduce_sum3A_948, %shift_right_arithmetic3A_1564 : i32
        %mul3A_1566 = arith.constant 128 : i32
        %mul3A_1567 = arith.muli %shift_right_arithmetic3A_1565, %mul3A_1566 : i32
        %multiple_of3A_1568 = tpu.assume_multiple %mul3A_1567, 128 : i32
        %shift_right_arithmetic3A_1569 = arith.constant 7 : i32
        %shift_right_arithmetic3A_1570 = arith.shrsi %reduce_sum3A_953, %shift_right_arithmetic3A_1569 : i32
        %mul3A_1571 = arith.constant 128 : i32
        %mul3A_1572 = arith.muli %shift_right_arithmetic3A_1570, %mul3A_1571 : i32
        %multiple_of3A_1573 = tpu.assume_multiple %mul3A_1572, 128 : i32
        %dma_start3A_1574 = arith.constant 0 : i32
        %dma_start3A_1575 = tpu.memref_slice %arg4[%dma_start3A_1574, %multiple_of3A_1568] : memref<32x1000000xf32, #tpu.memory_space<hbm>> -> memref<32x128xf32, #tpu.memory_space<hbm>>
        %dma_start3A_1576 = arith.constant 0 : i32
        %dma_start3A_1577 = tpu.memref_slice %arg4[%dma_start3A_1576, %multiple_of3A_1568] : memref<32x1000000xf32, #tpu.memory_space<hbm>> -> memref<32x128xf32, #tpu.memory_space<hbm>>
        tpu.enqueue_dma source(%dma_start3A_1577 : memref<32x128xf32, #tpu.memory_space<hbm>>) target(%arg21 : memref<32x128xf32, #tpu.memory_space<vmem>>) target_semaphore(%arg30 : memref<!tpu.dma_semaphore, #tpu.memory_space<semaphore_mem>>)
        %dma_start3A_1578 = arith.constant 0 : i32
        %dma_start3A_1579 = tpu.memref_slice %arg5[%dma_start3A_1578, %multiple_of3A_1573] : memref<32x1000000xf32, #tpu.memory_space<hbm>> -> memref<32x128xf32, #tpu.memory_space<hbm>>
        %dma_start3A_1580 = arith.constant 0 : i32
        %dma_start3A_1581 = tpu.memref_slice %arg5[%dma_start3A_1580, %multiple_of3A_1573] : memref<32x1000000xf32, #tpu.memory_space<hbm>> -> memref<32x128xf32, #tpu.memory_space<hbm>>
        tpu.enqueue_dma source(%dma_start3A_1581 : memref<32x128xf32, #tpu.memory_space<hbm>>) target(%arg29 : memref<32x128xf32, #tpu.memory_space<vmem>>) target_semaphore(%arg31 : memref<!tpu.dma_semaphore, #tpu.memory_space<semaphore_mem>>)
      } else {
      }
      %dma_wait3A_963 = arith.constant 0 : i32
      %dma_wait3A_964 = arith.constant 0 : i32
      %dma_wait3A_965 = tpu.memref_slice %arg4[%dma_wait3A_963, %dma_wait3A_964] : memref<32x1000000xf32, #tpu.memory_space<hbm>> -> memref<32x128xf32, #tpu.memory_space<hbm>>
      %dma_wait3A_966 = arith.constant 0 : i32
      %dma_wait3A_967 = arith.constant 0 : i32
      %dma_wait3A_968 = tpu.memref_slice %arg4[%dma_wait3A_966, %dma_wait3A_967] : memref<32x1000000xf32, #tpu.memory_space<hbm>> -> memref<32x128xf32, #tpu.memory_space<hbm>>
      tpu.wait_dma2 semaphore(%arg30 : memref<!tpu.dma_semaphore, #tpu.memory_space<semaphore_mem>>) src(%dma_wait3A_968 : memref<32x128xf32, #tpu.memory_space<hbm>>) dst(%arg14 : memref<32x128xf32, #tpu.memory_space<vmem>>)
      %dma_wait3A_969 = arith.constant 0 : i32
      %dma_wait3A_970 = arith.constant 0 : i32
      %dma_wait3A_971 = tpu.memref_slice %arg5[%dma_wait3A_969, %dma_wait3A_970] : memref<32x1000000xf32, #tpu.memory_space<hbm>> -> memref<32x128xf32, #tpu.memory_space<hbm>>
      %dma_wait3A_972 = arith.constant 0 : i32
      %dma_wait3A_973 = arith.constant 0 : i32
      %dma_wait3A_974 = tpu.memref_slice %arg5[%dma_wait3A_972, %dma_wait3A_973] : memref<32x1000000xf32, #tpu.memory_space<hbm>> -> memref<32x128xf32, #tpu.memory_space<hbm>>
      tpu.wait_dma2 semaphore(%arg31 : memref<!tpu.dma_semaphore, #tpu.memory_space<semaphore_mem>>) src(%dma_wait3A_974 : memref<32x128xf32, #tpu.memory_space<hbm>>) dst(%arg22 : memref<32x128xf32, #tpu.memory_space<vmem>>)
      %and3A_975 = arith.constant 127 : i32
      %and3A_976 = arith.andi %reduce_sum3A_388, %and3A_975 : i32
      %broadcast_in_dim3A_977 = vector.broadcast %and3A_976 : i32 to vector<16xi32>
      %and3A_978 = arith.constant 127 : i32
      %and3A_979 = arith.andi %reduce_sum3A_393, %and3A_978 : i32
      %broadcast_in_dim3A_980 = vector.broadcast %and3A_979 : i32 to vector<16xi32>
      %gather3A_981 = tpu.vector_load_idx %arg14[%iota3A, %broadcast_in_dim3A_977] : memref<32x128xf32, #tpu.memory_space<vmem>>[vector<16xi32>, vector<16xi32>], vector<16xf32>,
      %add3A_982 = arith.constant 16 : i32
      %add3A_983 = vector.broadcast %add3A_982 : i32 to vector<16xi32>
      %add3A_984 = arith.addi %iota3A, %add3A_983 : vector<16xi32>
      %gather3A_985 = tpu.vector_load_idx %arg14[%add3A_984, %broadcast_in_dim3A_977] : memref<32x128xf32, #tpu.memory_space<vmem>>[vector<16xi32>, vector<16xi32>], vector<16xf32>,
      %gather3A_986 = tpu.vector_load_idx %arg22[%iota3A, %broadcast_in_dim3A_980] : memref<32x128xf32, #tpu.memory_space<vmem>>[vector<16xi32>, vector<16xi32>], vector<16xf32>,
      %add3A_987 = arith.constant 16 : i32
      %add3A_988 = vector.broadcast %add3A_987 : i32 to vector<16xi32>
      %add3A_989 = arith.addi %iota3A, %add3A_988 : vector<16xi32>
      %gather3A_990 = tpu.vector_load_idx %arg22[%add3A_989, %broadcast_in_dim3A_980] : memref<32x128xf32, #tpu.memory_space<vmem>>[vector<16xi32>, vector<16xi32>], vector<16xf32>,
      %mul3A_991 = arith.mulf %gather3A_981, %gather3A_986 : vector<16xf32>
      %mul3A_992 = arith.mulf %gather3A_985, %gather3A_990 : vector<16xf32>
      %add3A_993 = arith.addf %mul3A_991, %mul3A_992 : vector<16xf32>
      %reduce_sum3A_994 = arith.constant true
      %reduce_sum3A_995 = vector.broadcast %reduce_sum3A_994 : i1 to vector<16xi1>
      %reduce_sum3A_996 = tpu.scan <sum>, %add3A_993 masked %reduce_sum3A_995 : vector<16xf32>, vector<16xi1> -> vector<16xf32>
      %reduce_sum3A_997 = vector.extract %reduce_sum3A_996[15] : f32 from vector<16xf32>
      %eq3A_998 = arith.constant 8 : i32
      %eq3A_999 = vector.broadcast %eq3A_998 : i32 to vector<16xi32>
      %eq3A_1000 = arith.cmpi eq, %iota3A, %eq3A_999 : vector<16xi32>
      %broadcast_in_dim3A_1001 = vector.broadcast %reduce_sum3A_997 : f32 to vector<16xf32>
      %select_n3A_1002 = arith.select %eq3A_1000, %broadcast_in_dim3A_1001, %select_n3A_922 : vector<16xi1>, vector<16xf32>
      %add3A_1003 = arith.constant 9 : i32
      %add3A_1004 = arith.addi %mul3A_284, %add3A_1003 : i32
      %add3A_1005 = arith.constant 8 : i32
      %add3A_1006 = arith.addi %add3A_1004, %add3A_1005 : i32
      %sub3A_1007 = arith.constant 1 : i32
      %sub3A_1008 = arith.subi %add3A_1006, %sub3A_1007 : i32
      %min3A_1009 = arith.constant 511 : i32
      %min3A_1010 = arith.minsi %sub3A_1008, %min3A_1009 : i32
      %shift_right_arithmetic3A_1011 = arith.constant 4 : i32
      %shift_right_arithmetic3A_1012 = arith.shrsi %min3A_1010, %shift_right_arithmetic3A_1011 : i32
      %mul3A_1013 = arith.constant 16 : i32
      %mul3A_1014 = arith.muli %shift_right_arithmetic3A_1012, %mul3A_1013 : i32
      %multiple_of3A_1015 = tpu.assume_multiple %mul3A_1014, 16 : i32
      %and3A_1016 = arith.constant 15 : i32
      %and3A_1017 = arith.andi %min3A_1010, %and3A_1016 : i32
      %eq3A_1018 = vector.broadcast %and3A_1017 : i32 to vector<16xi32>
      %eq3A_1019 = arith.cmpi eq, %iota3A, %eq3A_1018 : vector<16xi32>
      %get3A_1020 = arith.index_cast %multiple_of3A_1015 : i32 to index
      %get3A_1021 = tpu.vector_load %arg9[%get3A_1020] {strides = array<i32>} : memref<512xi32, #tpu.memory_space<vmem>>, vector<16xi32>,
      %get3A_1022 = arith.index_cast %multiple_of3A_1015 : i32 to index
      %get3A_1023 = tpu.vector_load %arg10[%get3A_1022] {strides = array<i32>} : memref<512xi32, #tpu.memory_space<vmem>>, vector<16xi32>,
      %select_n3A_1024 = arith.select %eq3A_1019, %get3A_1021, %broadcast_in_dim3A_6 : vector<16xi1>, vector<16xi32>
      %reduce_sum3A_1025 = arith.constant true
      %reduce_sum3A_1026 = vector.broadcast %reduce_sum3A_1025 : i1 to vector<16xi1>
      %reduce_sum3A_1027 = tpu.scan <sum>, %select_n3A_1024 masked %reduce_sum3A_1026 : vector<16xi32>, vector<16xi1> -> vector<16xi32>
      %reduce_sum3A_1028 = vector.extract %reduce_sum3A_1027[15] : i32 from vector<16xi32>
      %select_n3A_1029 = arith.select %eq3A_1019, %get3A_1023, %broadcast_in_dim3A_6 : vector<16xi1>, vector<16xi32>
      %reduce_sum3A_1030 = arith.constant true
      %reduce_sum3A_1031 = vector.broadcast %reduce_sum3A_1030 : i1 to vector<16xi1>
      %reduce_sum3A_1032 = tpu.scan <sum>, %select_n3A_1029 masked %reduce_sum3A_1031 : vector<16xi32>, vector<16xi1> -> vector<16xi32>
      %reduce_sum3A_1033 = vector.extract %reduce_sum3A_1032[15] : i32 from vector<16xi32>
      %add3A_1034 = arith.constant 8 : i32
      %add3A_1035 = arith.addi %add3A_1004, %add3A_1034 : i32
      %sub3A_1036 = arith.constant 1 : i32
      %sub3A_1037 = arith.subi %add3A_1035, %sub3A_1036 : i32
      %lt3A_1038 = arith.constant 512 : i32
      %lt3A_1039 = arith.cmpi slt, %sub3A_1037, %lt3A_1038 : i32
      %convert_element_type3A_1040 = arith.extui %lt3A_1039 : i1 to i32
      %cond3A_1041 = arith.constant 0 : i32
      %cond3A_1042 = arith.cmpi ne, %convert_element_type3A_1040, %cond3A_1041 : i32
      scf.if %cond3A_1042 {
        %shift_right_arithmetic3A_1564 = arith.constant 7 : i32
        %shift_right_arithmetic3A_1565 = arith.shrsi %reduce_sum3A_1028, %shift_right_arithmetic3A_1564 : i32
        %mul3A_1566 = arith.constant 128 : i32
        %mul3A_1567 = arith.muli %shift_right_arithmetic3A_1565, %mul3A_1566 : i32
        %multiple_of3A_1568 = tpu.assume_multiple %mul3A_1567, 128 : i32
        %shift_right_arithmetic3A_1569 = arith.constant 7 : i32
        %shift_right_arithmetic3A_1570 = arith.shrsi %reduce_sum3A_1033, %shift_right_arithmetic3A_1569 : i32
        %mul3A_1571 = arith.constant 128 : i32
        %mul3A_1572 = arith.muli %shift_right_arithmetic3A_1570, %mul3A_1571 : i32
        %multiple_of3A_1573 = tpu.assume_multiple %mul3A_1572, 128 : i32
        %dma_start3A_1574 = arith.constant 0 : i32
        %dma_start3A_1575 = tpu.memref_slice %arg4[%dma_start3A_1574, %multiple_of3A_1568] : memref<32x1000000xf32, #tpu.memory_space<hbm>> -> memref<32x128xf32, #tpu.memory_space<hbm>>
        %dma_start3A_1576 = arith.constant 0 : i32
        %dma_start3A_1577 = tpu.memref_slice %arg4[%dma_start3A_1576, %multiple_of3A_1568] : memref<32x1000000xf32, #tpu.memory_space<hbm>> -> memref<32x128xf32, #tpu.memory_space<hbm>>
        tpu.enqueue_dma source(%dma_start3A_1577 : memref<32x128xf32, #tpu.memory_space<hbm>>) target(%arg14 : memref<32x128xf32, #tpu.memory_space<vmem>>) target_semaphore(%arg30 : memref<!tpu.dma_semaphore, #tpu.memory_space<semaphore_mem>>)
        %dma_start3A_1578 = arith.constant 0 : i32
        %dma_start3A_1579 = tpu.memref_slice %arg5[%dma_start3A_1578, %multiple_of3A_1573] : memref<32x1000000xf32, #tpu.memory_space<hbm>> -> memref<32x128xf32, #tpu.memory_space<hbm>>
        %dma_start3A_1580 = arith.constant 0 : i32
        %dma_start3A_1581 = tpu.memref_slice %arg5[%dma_start3A_1580, %multiple_of3A_1573] : memref<32x1000000xf32, #tpu.memory_space<hbm>> -> memref<32x128xf32, #tpu.memory_space<hbm>>
        tpu.enqueue_dma source(%dma_start3A_1581 : memref<32x128xf32, #tpu.memory_space<hbm>>) target(%arg22 : memref<32x128xf32, #tpu.memory_space<vmem>>) target_semaphore(%arg31 : memref<!tpu.dma_semaphore, #tpu.memory_space<semaphore_mem>>)
      } else {
      }
      %dma_wait3A_1043 = arith.constant 0 : i32
      %dma_wait3A_1044 = arith.constant 0 : i32
      %dma_wait3A_1045 = tpu.memref_slice %arg4[%dma_wait3A_1043, %dma_wait3A_1044] : memref<32x1000000xf32, #tpu.memory_space<hbm>> -> memref<32x128xf32, #tpu.memory_space<hbm>>
      %dma_wait3A_1046 = arith.constant 0 : i32
      %dma_wait3A_1047 = arith.constant 0 : i32
      %dma_wait3A_1048 = tpu.memref_slice %arg4[%dma_wait3A_1046, %dma_wait3A_1047] : memref<32x1000000xf32, #tpu.memory_space<hbm>> -> memref<32x128xf32, #tpu.memory_space<hbm>>
      tpu.wait_dma2 semaphore(%arg30 : memref<!tpu.dma_semaphore, #tpu.memory_space<semaphore_mem>>) src(%dma_wait3A_1048 : memref<32x128xf32, #tpu.memory_space<hbm>>) dst(%arg15 : memref<32x128xf32, #tpu.memory_space<vmem>>)
      %dma_wait3A_1049 = arith.constant 0 : i32
      %dma_wait3A_1050 = arith.constant 0 : i32
      %dma_wait3A_1051 = tpu.memref_slice %arg5[%dma_wait3A_1049, %dma_wait3A_1050] : memref<32x1000000xf32, #tpu.memory_space<hbm>> -> memref<32x128xf32, #tpu.memory_space<hbm>>
      %dma_wait3A_1052 = arith.constant 0 : i32
      %dma_wait3A_1053 = arith.constant 0 : i32
      %dma_wait3A_1054 = tpu.memref_slice %arg5[%dma_wait3A_1052, %dma_wait3A_1053] : memref<32x1000000xf32, #tpu.memory_space<hbm>> -> memref<32x128xf32, #tpu.memory_space<hbm>>
      tpu.wait_dma2 semaphore(%arg31 : memref<!tpu.dma_semaphore, #tpu.memory_space<semaphore_mem>>) src(%dma_wait3A_1054 : memref<32x128xf32, #tpu.memory_space<hbm>>) dst(%arg23 : memref<32x128xf32, #tpu.memory_space<vmem>>)
      %and3A_1055 = arith.constant 127 : i32
      %and3A_1056 = arith.andi %reduce_sum3A_468, %and3A_1055 : i32
      %broadcast_in_dim3A_1057 = vector.broadcast %and3A_1056 : i32 to vector<16xi32>
      %and3A_1058 = arith.constant 127 : i32
      %and3A_1059 = arith.andi %reduce_sum3A_473, %and3A_1058 : i32
      %broadcast_in_dim3A_1060 = vector.broadcast %and3A_1059 : i32 to vector<16xi32>
      %gather3A_1061 = tpu.vector_load_idx %arg15[%iota3A, %broadcast_in_dim3A_1057] : memref<32x128xf32, #tpu.memory_space<vmem>>[vector<16xi32>, vector<16xi32>], vector<16xf32>,
      %add3A_1062 = arith.constant 16 : i32
      %add3A_1063 = vector.broadcast %add3A_1062 : i32 to vector<16xi32>
      %add3A_1064 = arith.addi %iota3A, %add3A_1063 : vector<16xi32>
      %gather3A_1065 = tpu.vector_load_idx %arg15[%add3A_1064, %broadcast_in_dim3A_1057] : memref<32x128xf32, #tpu.memory_space<vmem>>[vector<16xi32>, vector<16xi32>], vector<16xf32>,
      %gather3A_1066 = tpu.vector_load_idx %arg23[%iota3A, %broadcast_in_dim3A_1060] : memref<32x128xf32, #tpu.memory_space<vmem>>[vector<16xi32>, vector<16xi32>], vector<16xf32>,
      %add3A_1067 = arith.constant 16 : i32
      %add3A_1068 = vector.broadcast %add3A_1067 : i32 to vector<16xi32>
      %add3A_1069 = arith.addi %iota3A, %add3A_1068 : vector<16xi32>
      %gather3A_1070 = tpu.vector_load_idx %arg23[%add3A_1069, %broadcast_in_dim3A_1060] : memref<32x128xf32, #tpu.memory_space<vmem>>[vector<16xi32>, vector<16xi32>], vector<16xf32>,
      %mul3A_1071 = arith.mulf %gather3A_1061, %gather3A_1066 : vector<16xf32>
      %mul3A_1072 = arith.mulf %gather3A_1065, %gather3A_1070 : vector<16xf32>
      %add3A_1073 = arith.addf %mul3A_1071, %mul3A_1072 : vector<16xf32>
      %reduce_sum3A_1074 = arith.constant true
      %reduce_sum3A_1075 = vector.broadcast %reduce_sum3A_1074 : i1 to vector<16xi1>
      %reduce_sum3A_1076 = tpu.scan <sum>, %add3A_1073 masked %reduce_sum3A_1075 : vector<16xf32>, vector<16xi1> -> vector<16xf32>
      %reduce_sum3A_1077 = vector.extract %reduce_sum3A_1076[15] : f32 from vector<16xf32>
      %eq3A_1078 = arith.constant 9 : i32
      %eq3A_1079 = vector.broadcast %eq3A_1078 : i32 to vector<16xi32>
      %eq3A_1080 = arith.cmpi eq, %iota3A, %eq3A_1079 : vector<16xi32>
      %broadcast_in_dim3A_1081 = vector.broadcast %reduce_sum3A_1077 : f32 to vector<16xf32>
      %select_n3A_1082 = arith.select %eq3A_1080, %broadcast_in_dim3A_1081, %select_n3A_1002 : vector<16xi1>, vector<16xf32>
      %add3A_1083 = arith.constant 10 : i32
      %add3A_1084 = arith.addi %mul3A_284, %add3A_1083 : i32
      %add3A_1085 = arith.constant 8 : i32
      %add3A_1086 = arith.addi %add3A_1084, %add3A_1085 : i32
      %sub3A_1087 = arith.constant 1 : i32
      %sub3A_1088 = arith.subi %add3A_1086, %sub3A_1087 : i32
      %min3A_1089 = arith.constant 511 : i32
      %min3A_1090 = arith.minsi %sub3A_1088, %min3A_1089 : i32
      %shift_right_arithmetic3A_1091 = arith.constant 4 : i32
      %shift_right_arithmetic3A_1092 = arith.shrsi %min3A_1090, %shift_right_arithmetic3A_1091 : i32
      %mul3A_1093 = arith.constant 16 : i32
      %mul3A_1094 = arith.muli %shift_right_arithmetic3A_1092, %mul3A_1093 : i32
      %multiple_of3A_1095 = tpu.assume_multiple %mul3A_1094, 16 : i32
      %and3A_1096 = arith.constant 15 : i32
      %and3A_1097 = arith.andi %min3A_1090, %and3A_1096 : i32
      %eq3A_1098 = vector.broadcast %and3A_1097 : i32 to vector<16xi32>
      %eq3A_1099 = arith.cmpi eq, %iota3A, %eq3A_1098 : vector<16xi32>
      %get3A_1100 = arith.index_cast %multiple_of3A_1095 : i32 to index
      %get3A_1101 = tpu.vector_load %arg9[%get3A_1100] {strides = array<i32>} : memref<512xi32, #tpu.memory_space<vmem>>, vector<16xi32>,
      %get3A_1102 = arith.index_cast %multiple_of3A_1095 : i32 to index
      %get3A_1103 = tpu.vector_load %arg10[%get3A_1102] {strides = array<i32>} : memref<512xi32, #tpu.memory_space<vmem>>, vector<16xi32>,
      %select_n3A_1104 = arith.select %eq3A_1099, %get3A_1101, %broadcast_in_dim3A_6 : vector<16xi1>, vector<16xi32>
      %reduce_sum3A_1105 = arith.constant true
      %reduce_sum3A_1106 = vector.broadcast %reduce_sum3A_1105 : i1 to vector<16xi1>
      %reduce_sum3A_1107 = tpu.scan <sum>, %select_n3A_1104 masked %reduce_sum3A_1106 : vector<16xi32>, vector<16xi1> -> vector<16xi32>
      %reduce_sum3A_1108 = vector.extract %reduce_sum3A_1107[15] : i32 from vector<16xi32>
      %select_n3A_1109 = arith.select %eq3A_1099, %get3A_1103, %broadcast_in_dim3A_6 : vector<16xi1>, vector<16xi32>
      %reduce_sum3A_1110 = arith.constant true
      %reduce_sum3A_1111 = vector.broadcast %reduce_sum3A_1110 : i1 to vector<16xi1>
      %reduce_sum3A_1112 = tpu.scan <sum>, %select_n3A_1109 masked %reduce_sum3A_1111 : vector<16xi32>, vector<16xi1> -> vector<16xi32>
      %reduce_sum3A_1113 = vector.extract %reduce_sum3A_1112[15] : i32 from vector<16xi32>
      %add3A_1114 = arith.constant 8 : i32
      %add3A_1115 = arith.addi %add3A_1084, %add3A_1114 : i32
      %sub3A_1116 = arith.constant 1 : i32
      %sub3A_1117 = arith.subi %add3A_1115, %sub3A_1116 : i32
      %lt3A_1118 = arith.constant 512 : i32
      %lt3A_1119 = arith.cmpi slt, %sub3A_1117, %lt3A_1118 : i32
      %convert_element_type3A_1120 = arith.extui %lt3A_1119 : i1 to i32
      %cond3A_1121 = arith.constant 0 : i32
      %cond3A_1122 = arith.cmpi ne, %convert_element_type3A_1120, %cond3A_1121 : i32
      scf.if %cond3A_1122 {
        %shift_right_arithmetic3A_1564 = arith.constant 7 : i32
        %shift_right_arithmetic3A_1565 = arith.shrsi %reduce_sum3A_1108, %shift_right_arithmetic3A_1564 : i32
        %mul3A_1566 = arith.constant 128 : i32
        %mul3A_1567 = arith.muli %shift_right_arithmetic3A_1565, %mul3A_1566 : i32
        %multiple_of3A_1568 = tpu.assume_multiple %mul3A_1567, 128 : i32
        %shift_right_arithmetic3A_1569 = arith.constant 7 : i32
        %shift_right_arithmetic3A_1570 = arith.shrsi %reduce_sum3A_1113, %shift_right_arithmetic3A_1569 : i32
        %mul3A_1571 = arith.constant 128 : i32
        %mul3A_1572 = arith.muli %shift_right_arithmetic3A_1570, %mul3A_1571 : i32
        %multiple_of3A_1573 = tpu.assume_multiple %mul3A_1572, 128 : i32
        %dma_start3A_1574 = arith.constant 0 : i32
        %dma_start3A_1575 = tpu.memref_slice %arg4[%dma_start3A_1574, %multiple_of3A_1568] : memref<32x1000000xf32, #tpu.memory_space<hbm>> -> memref<32x128xf32, #tpu.memory_space<hbm>>
        %dma_start3A_1576 = arith.constant 0 : i32
        %dma_start3A_1577 = tpu.memref_slice %arg4[%dma_start3A_1576, %multiple_of3A_1568] : memref<32x1000000xf32, #tpu.memory_space<hbm>> -> memref<32x128xf32, #tpu.memory_space<hbm>>
        tpu.enqueue_dma source(%dma_start3A_1577 : memref<32x128xf32, #tpu.memory_space<hbm>>) target(%arg15 : memref<32x128xf32, #tpu.memory_space<vmem>>) target_semaphore(%arg30 : memref<!tpu.dma_semaphore, #tpu.memory_space<semaphore_mem>>)
        %dma_start3A_1578 = arith.constant 0 : i32
        %dma_start3A_1579 = tpu.memref_slice %arg5[%dma_start3A_1578, %multiple_of3A_1573] : memref<32x1000000xf32, #tpu.memory_space<hbm>> -> memref<32x128xf32, #tpu.memory_space<hbm>>
        %dma_start3A_1580 = arith.constant 0 : i32
        %dma_start3A_1581 = tpu.memref_slice %arg5[%dma_start3A_1580, %multiple_of3A_1573] : memref<32x1000000xf32, #tpu.memory_space<hbm>> -> memref<32x128xf32, #tpu.memory_space<hbm>>
        tpu.enqueue_dma source(%dma_start3A_1581 : memref<32x128xf32, #tpu.memory_space<hbm>>) target(%arg23 : memref<32x128xf32, #tpu.memory_space<vmem>>) target_semaphore(%arg31 : memref<!tpu.dma_semaphore, #tpu.memory_space<semaphore_mem>>)
      } else {
      }
      %dma_wait3A_1123 = arith.constant 0 : i32
      %dma_wait3A_1124 = arith.constant 0 : i32
      %dma_wait3A_1125 = tpu.memref_slice %arg4[%dma_wait3A_1123, %dma_wait3A_1124] : memref<32x1000000xf32, #tpu.memory_space<hbm>> -> memref<32x128xf32, #tpu.memory_space<hbm>>
      %dma_wait3A_1126 = arith.constant 0 : i32
      %dma_wait3A_1127 = arith.constant 0 : i32
      %dma_wait3A_1128 = tpu.memref_slice %arg4[%dma_wait3A_1126, %dma_wait3A_1127] : memref<32x1000000xf32, #tpu.memory_space<hbm>> -> memref<32x128xf32, #tpu.memory_space<hbm>>
      tpu.wait_dma2 semaphore(%arg30 : memref<!tpu.dma_semaphore, #tpu.memory_space<semaphore_mem>>) src(%dma_wait3A_1128 : memref<32x128xf32, #tpu.memory_space<hbm>>) dst(%arg16 : memref<32x128xf32, #tpu.memory_space<vmem>>)
      %dma_wait3A_1129 = arith.constant 0 : i32
      %dma_wait3A_1130 = arith.constant 0 : i32
      %dma_wait3A_1131 = tpu.memref_slice %arg5[%dma_wait3A_1129, %dma_wait3A_1130] : memref<32x1000000xf32, #tpu.memory_space<hbm>> -> memref<32x128xf32, #tpu.memory_space<hbm>>
      %dma_wait3A_1132 = arith.constant 0 : i32
      %dma_wait3A_1133 = arith.constant 0 : i32
      %dma_wait3A_1134 = tpu.memref_slice %arg5[%dma_wait3A_1132, %dma_wait3A_1133] : memref<32x1000000xf32, #tpu.memory_space<hbm>> -> memref<32x128xf32, #tpu.memory_space<hbm>>
      tpu.wait_dma2 semaphore(%arg31 : memref<!tpu.dma_semaphore, #tpu.memory_space<semaphore_mem>>) src(%dma_wait3A_1134 : memref<32x128xf32, #tpu.memory_space<hbm>>) dst(%arg24 : memref<32x128xf32, #tpu.memory_space<vmem>>)
      %and3A_1135 = arith.constant 127 : i32
      %and3A_1136 = arith.andi %reduce_sum3A_548, %and3A_1135 : i32
      %broadcast_in_dim3A_1137 = vector.broadcast %and3A_1136 : i32 to vector<16xi32>
      %and3A_1138 = arith.constant 127 : i32
      %and3A_1139 = arith.andi %reduce_sum3A_553, %and3A_1138 : i32
      %broadcast_in_dim3A_1140 = vector.broadcast %and3A_1139 : i32 to vector<16xi32>
      %gather3A_1141 = tpu.vector_load_idx %arg16[%iota3A, %broadcast_in_dim3A_1137] : memref<32x128xf32, #tpu.memory_space<vmem>>[vector<16xi32>, vector<16xi32>], vector<16xf32>,
      %add3A_1142 = arith.constant 16 : i32
      %add3A_1143 = vector.broadcast %add3A_1142 : i32 to vector<16xi32>
      %add3A_1144 = arith.addi %iota3A, %add3A_1143 : vector<16xi32>
      %gather3A_1145 = tpu.vector_load_idx %arg16[%add3A_1144, %broadcast_in_dim3A_1137] : memref<32x128xf32, #tpu.memory_space<vmem>>[vector<16xi32>, vector<16xi32>], vector<16xf32>,
      %gather3A_1146 = tpu.vector_load_idx %arg24[%iota3A, %broadcast_in_dim3A_1140] : memref<32x128xf32, #tpu.memory_space<vmem>>[vector<16xi32>, vector<16xi32>], vector<16xf32>,
      %add3A_1147 = arith.constant 16 : i32
      %add3A_1148 = vector.broadcast %add3A_1147 : i32 to vector<16xi32>
      %add3A_1149 = arith.addi %iota3A, %add3A_1148 : vector<16xi32>
      %gather3A_1150 = tpu.vector_load_idx %arg24[%add3A_1149, %broadcast_in_dim3A_1140] : memref<32x128xf32, #tpu.memory_space<vmem>>[vector<16xi32>, vector<16xi32>], vector<16xf32>,
      %mul3A_1151 = arith.mulf %gather3A_1141, %gather3A_1146 : vector<16xf32>
      %mul3A_1152 = arith.mulf %gather3A_1145, %gather3A_1150 : vector<16xf32>
      %add3A_1153 = arith.addf %mul3A_1151, %mul3A_1152 : vector<16xf32>
      %reduce_sum3A_1154 = arith.constant true
      %reduce_sum3A_1155 = vector.broadcast %reduce_sum3A_1154 : i1 to vector<16xi1>
      %reduce_sum3A_1156 = tpu.scan <sum>, %add3A_1153 masked %reduce_sum3A_1155 : vector<16xf32>, vector<16xi1> -> vector<16xf32>
      %reduce_sum3A_1157 = vector.extract %reduce_sum3A_1156[15] : f32 from vector<16xf32>
      %eq3A_1158 = arith.constant 10 : i32
      %eq3A_1159 = vector.broadcast %eq3A_1158 : i32 to vector<16xi32>
      %eq3A_1160 = arith.cmpi eq, %iota3A, %eq3A_1159 : vector<16xi32>
      %broadcast_in_dim3A_1161 = vector.broadcast %reduce_sum3A_1157 : f32 to vector<16xf32>
      %select_n3A_1162 = arith.select %eq3A_1160, %broadcast_in_dim3A_1161, %select_n3A_1082 : vector<16xi1>, vector<16xf32>
      %add3A_1163 = arith.constant 11 : i32
      %add3A_1164 = arith.addi %mul3A_284, %add3A_1163 : i32
      %add3A_1165 = arith.constant 8 : i32
      %add3A_1166 = arith.addi %add3A_1164, %add3A_1165 : i32
      %sub3A_1167 = arith.constant 1 : i32
      %sub3A_1168 = arith.subi %add3A_1166, %sub3A_1167 : i32
      %min3A_1169 = arith.constant 511 : i32
      %min3A_1170 = arith.minsi %sub3A_1168, %min3A_1169 : i32
      %shift_right_arithmetic3A_1171 = arith.constant 4 : i32
      %shift_right_arithmetic3A_1172 = arith.shrsi %min3A_1170, %shift_right_arithmetic3A_1171 : i32
      %mul3A_1173 = arith.constant 16 : i32
      %mul3A_1174 = arith.muli %shift_right_arithmetic3A_1172, %mul3A_1173 : i32
      %multiple_of3A_1175 = tpu.assume_multiple %mul3A_1174, 16 : i32
      %and3A_1176 = arith.constant 15 : i32
      %and3A_1177 = arith.andi %min3A_1170, %and3A_1176 : i32
      %eq3A_1178 = vector.broadcast %and3A_1177 : i32 to vector<16xi32>
      %eq3A_1179 = arith.cmpi eq, %iota3A, %eq3A_1178 : vector<16xi32>
      %get3A_1180 = arith.index_cast %multiple_of3A_1175 : i32 to index
      %get3A_1181 = tpu.vector_load %arg9[%get3A_1180] {strides = array<i32>} : memref<512xi32, #tpu.memory_space<vmem>>, vector<16xi32>,
      %get3A_1182 = arith.index_cast %multiple_of3A_1175 : i32 to index
      %get3A_1183 = tpu.vector_load %arg10[%get3A_1182] {strides = array<i32>} : memref<512xi32, #tpu.memory_space<vmem>>, vector<16xi32>,
      %select_n3A_1184 = arith.select %eq3A_1179, %get3A_1181, %broadcast_in_dim3A_6 : vector<16xi1>, vector<16xi32>
      %reduce_sum3A_1185 = arith.constant true
      %reduce_sum3A_1186 = vector.broadcast %reduce_sum3A_1185 : i1 to vector<16xi1>
      %reduce_sum3A_1187 = tpu.scan <sum>, %select_n3A_1184 masked %reduce_sum3A_1186 : vector<16xi32>, vector<16xi1> -> vector<16xi32>
      %reduce_sum3A_1188 = vector.extract %reduce_sum3A_1187[15] : i32 from vector<16xi32>
      %select_n3A_1189 = arith.select %eq3A_1179, %get3A_1183, %broadcast_in_dim3A_6 : vector<16xi1>, vector<16xi32>
      %reduce_sum3A_1190 = arith.constant true
      %reduce_sum3A_1191 = vector.broadcast %reduce_sum3A_1190 : i1 to vector<16xi1>
      %reduce_sum3A_1192 = tpu.scan <sum>, %select_n3A_1189 masked %reduce_sum3A_1191 : vector<16xi32>, vector<16xi1> -> vector<16xi32>
      %reduce_sum3A_1193 = vector.extract %reduce_sum3A_1192[15] : i32 from vector<16xi32>
      %add3A_1194 = arith.constant 8 : i32
      %add3A_1195 = arith.addi %add3A_1164, %add3A_1194 : i32
      %sub3A_1196 = arith.constant 1 : i32
      %sub3A_1197 = arith.subi %add3A_1195, %sub3A_1196 : i32
      %lt3A_1198 = arith.constant 512 : i32
      %lt3A_1199 = arith.cmpi slt, %sub3A_1197, %lt3A_1198 : i32
      %convert_element_type3A_1200 = arith.extui %lt3A_1199 : i1 to i32
      %cond3A_1201 = arith.constant 0 : i32
      %cond3A_1202 = arith.cmpi ne, %convert_element_type3A_1200, %cond3A_1201 : i32
      scf.if %cond3A_1202 {
        %shift_right_arithmetic3A_1564 = arith.constant 7 : i32
        %shift_right_arithmetic3A_1565 = arith.shrsi %reduce_sum3A_1188, %shift_right_arithmetic3A_1564 : i32
        %mul3A_1566 = arith.constant 128 : i32
        %mul3A_1567 = arith.muli %shift_right_arithmetic3A_1565, %mul3A_1566 : i32
        %multiple_of3A_1568 = tpu.assume_multiple %mul3A_1567, 128 : i32
        %shift_right_arithmetic3A_1569 = arith.constant 7 : i32
        %shift_right_arithmetic3A_1570 = arith.shrsi %reduce_sum3A_1193, %shift_right_arithmetic3A_1569 : i32
        %mul3A_1571 = arith.constant 128 : i32
        %mul3A_1572 = arith.muli %shift_right_arithmetic3A_1570, %mul3A_1571 : i32
        %multiple_of3A_1573 = tpu.assume_multiple %mul3A_1572, 128 : i32
        %dma_start3A_1574 = arith.constant 0 : i32
        %dma_start3A_1575 = tpu.memref_slice %arg4[%dma_start3A_1574, %multiple_of3A_1568] : memref<32x1000000xf32, #tpu.memory_space<hbm>> -> memref<32x128xf32, #tpu.memory_space<hbm>>
        %dma_start3A_1576 = arith.constant 0 : i32
        %dma_start3A_1577 = tpu.memref_slice %arg4[%dma_start3A_1576, %multiple_of3A_1568] : memref<32x1000000xf32, #tpu.memory_space<hbm>> -> memref<32x128xf32, #tpu.memory_space<hbm>>
        tpu.enqueue_dma source(%dma_start3A_1577 : memref<32x128xf32, #tpu.memory_space<hbm>>) target(%arg16 : memref<32x128xf32, #tpu.memory_space<vmem>>) target_semaphore(%arg30 : memref<!tpu.dma_semaphore, #tpu.memory_space<semaphore_mem>>)
        %dma_start3A_1578 = arith.constant 0 : i32
        %dma_start3A_1579 = tpu.memref_slice %arg5[%dma_start3A_1578, %multiple_of3A_1573] : memref<32x1000000xf32, #tpu.memory_space<hbm>> -> memref<32x128xf32, #tpu.memory_space<hbm>>
        %dma_start3A_1580 = arith.constant 0 : i32
        %dma_start3A_1581 = tpu.memref_slice %arg5[%dma_start3A_1580, %multiple_of3A_1573] : memref<32x1000000xf32, #tpu.memory_space<hbm>> -> memref<32x128xf32, #tpu.memory_space<hbm>>
        tpu.enqueue_dma source(%dma_start3A_1581 : memref<32x128xf32, #tpu.memory_space<hbm>>) target(%arg24 : memref<32x128xf32, #tpu.memory_space<vmem>>) target_semaphore(%arg31 : memref<!tpu.dma_semaphore, #tpu.memory_space<semaphore_mem>>)
      } else {
      }
      %dma_wait3A_1203 = arith.constant 0 : i32
      %dma_wait3A_1204 = arith.constant 0 : i32
      %dma_wait3A_1205 = tpu.memref_slice %arg4[%dma_wait3A_1203, %dma_wait3A_1204] : memref<32x1000000xf32, #tpu.memory_space<hbm>> -> memref<32x128xf32, #tpu.memory_space<hbm>>
      %dma_wait3A_1206 = arith.constant 0 : i32
      %dma_wait3A_1207 = arith.constant 0 : i32
      %dma_wait3A_1208 = tpu.memref_slice %arg4[%dma_wait3A_1206, %dma_wait3A_1207] : memref<32x1000000xf32, #tpu.memory_space<hbm>> -> memref<32x128xf32, #tpu.memory_space<hbm>>
      tpu.wait_dma2 semaphore(%arg30 : memref<!tpu.dma_semaphore, #tpu.memory_space<semaphore_mem>>) src(%dma_wait3A_1208 : memref<32x128xf32, #tpu.memory_space<hbm>>) dst(%arg17 : memref<32x128xf32, #tpu.memory_space<vmem>>)
      %dma_wait3A_1209 = arith.constant 0 : i32
      %dma_wait3A_1210 = arith.constant 0 : i32
      %dma_wait3A_1211 = tpu.memref_slice %arg5[%dma_wait3A_1209, %dma_wait3A_1210] : memref<32x1000000xf32, #tpu.memory_space<hbm>> -> memref<32x128xf32, #tpu.memory_space<hbm>>
      %dma_wait3A_1212 = arith.constant 0 : i32
      %dma_wait3A_1213 = arith.constant 0 : i32
      %dma_wait3A_1214 = tpu.memref_slice %arg5[%dma_wait3A_1212, %dma_wait3A_1213] : memref<32x1000000xf32, #tpu.memory_space<hbm>> -> memref<32x128xf32, #tpu.memory_space<hbm>>
      tpu.wait_dma2 semaphore(%arg31 : memref<!tpu.dma_semaphore, #tpu.memory_space<semaphore_mem>>) src(%dma_wait3A_1214 : memref<32x128xf32, #tpu.memory_space<hbm>>) dst(%arg25 : memref<32x128xf32, #tpu.memory_space<vmem>>)
      %and3A_1215 = arith.constant 127 : i32
      %and3A_1216 = arith.andi %reduce_sum3A_628, %and3A_1215 : i32
      %broadcast_in_dim3A_1217 = vector.broadcast %and3A_1216 : i32 to vector<16xi32>
      %and3A_1218 = arith.constant 127 : i32
      %and3A_1219 = arith.andi %reduce_sum3A_633, %and3A_1218 : i32
      %broadcast_in_dim3A_1220 = vector.broadcast %and3A_1219 : i32 to vector<16xi32>
      %gather3A_1221 = tpu.vector_load_idx %arg17[%iota3A, %broadcast_in_dim3A_1217] : memref<32x128xf32, #tpu.memory_space<vmem>>[vector<16xi32>, vector<16xi32>], vector<16xf32>,
      %add3A_1222 = arith.constant 16 : i32
      %add3A_1223 = vector.broadcast %add3A_1222 : i32 to vector<16xi32>
      %add3A_1224 = arith.addi %iota3A, %add3A_1223 : vector<16xi32>
      %gather3A_1225 = tpu.vector_load_idx %arg17[%add3A_1224, %broadcast_in_dim3A_1217] : memref<32x128xf32, #tpu.memory_space<vmem>>[vector<16xi32>, vector<16xi32>], vector<16xf32>,
      %gather3A_1226 = tpu.vector_load_idx %arg25[%iota3A, %broadcast_in_dim3A_1220] : memref<32x128xf32, #tpu.memory_space<vmem>>[vector<16xi32>, vector<16xi32>], vector<16xf32>,
      %add3A_1227 = arith.constant 16 : i32
      %add3A_1228 = vector.broadcast %add3A_1227 : i32 to vector<16xi32>
      %add3A_1229 = arith.addi %iota3A, %add3A_1228 : vector<16xi32>
      %gather3A_1230 = tpu.vector_load_idx %arg25[%add3A_1229, %broadcast_in_dim3A_1220] : memref<32x128xf32, #tpu.memory_space<vmem>>[vector<16xi32>, vector<16xi32>], vector<16xf32>,
      %mul3A_1231 = arith.mulf %gather3A_1221, %gather3A_1226 : vector<16xf32>
      %mul3A_1232 = arith.mulf %gather3A_1225, %gather3A_1230 : vector<16xf32>
      %add3A_1233 = arith.addf %mul3A_1231, %mul3A_1232 : vector<16xf32>
      %reduce_sum3A_1234 = arith.constant true
      %reduce_sum3A_1235 = vector.broadcast %reduce_sum3A_1234 : i1 to vector<16xi1>
      %reduce_sum3A_1236 = tpu.scan <sum>, %add3A_1233 masked %reduce_sum3A_1235 : vector<16xf32>, vector<16xi1> -> vector<16xf32>
      %reduce_sum3A_1237 = vector.extract %reduce_sum3A_1236[15] : f32 from vector<16xf32>
      %eq3A_1238 = arith.constant 11 : i32
      %eq3A_1239 = vector.broadcast %eq3A_1238 : i32 to vector<16xi32>
      %eq3A_1240 = arith.cmpi eq, %iota3A, %eq3A_1239 : vector<16xi32>
      %broadcast_in_dim3A_1241 = vector.broadcast %reduce_sum3A_1237 : f32 to vector<16xf32>
      %select_n3A_1242 = arith.select %eq3A_1240, %broadcast_in_dim3A_1241, %select_n3A_1162 : vector<16xi1>, vector<16xf32>
      %add3A_1243 = arith.constant 12 : i32
      %add3A_1244 = arith.addi %mul3A_284, %add3A_1243 : i32
      %add3A_1245 = arith.constant 8 : i32
      %add3A_1246 = arith.addi %add3A_1244, %add3A_1245 : i32
      %sub3A_1247 = arith.constant 1 : i32
      %sub3A_1248 = arith.subi %add3A_1246, %sub3A_1247 : i32
      %min3A_1249 = arith.constant 511 : i32
      %min3A_1250 = arith.minsi %sub3A_1248, %min3A_1249 : i32
      %shift_right_arithmetic3A_1251 = arith.constant 4 : i32
      %shift_right_arithmetic3A_1252 = arith.shrsi %min3A_1250, %shift_right_arithmetic3A_1251 : i32
      %mul3A_1253 = arith.constant 16 : i32
      %mul3A_1254 = arith.muli %shift_right_arithmetic3A_1252, %mul3A_1253 : i32
      %multiple_of3A_1255 = tpu.assume_multiple %mul3A_1254, 16 : i32
      %and3A_1256 = arith.constant 15 : i32
      %and3A_1257 = arith.andi %min3A_1250, %and3A_1256 : i32
      %eq3A_1258 = vector.broadcast %and3A_1257 : i32 to vector<16xi32>
      %eq3A_1259 = arith.cmpi eq, %iota3A, %eq3A_1258 : vector<16xi32>
      %get3A_1260 = arith.index_cast %multiple_of3A_1255 : i32 to index
      %get3A_1261 = tpu.vector_load %arg9[%get3A_1260] {strides = array<i32>} : memref<512xi32, #tpu.memory_space<vmem>>, vector<16xi32>,
      %get3A_1262 = arith.index_cast %multiple_of3A_1255 : i32 to index
      %get3A_1263 = tpu.vector_load %arg10[%get3A_1262] {strides = array<i32>} : memref<512xi32, #tpu.memory_space<vmem>>, vector<16xi32>,
      %select_n3A_1264 = arith.select %eq3A_1259, %get3A_1261, %broadcast_in_dim3A_6 : vector<16xi1>, vector<16xi32>
      %reduce_sum3A_1265 = arith.constant true
      %reduce_sum3A_1266 = vector.broadcast %reduce_sum3A_1265 : i1 to vector<16xi1>
      %reduce_sum3A_1267 = tpu.scan <sum>, %select_n3A_1264 masked %reduce_sum3A_1266 : vector<16xi32>, vector<16xi1> -> vector<16xi32>
      %reduce_sum3A_1268 = vector.extract %reduce_sum3A_1267[15] : i32 from vector<16xi32>
      %select_n3A_1269 = arith.select %eq3A_1259, %get3A_1263, %broadcast_in_dim3A_6 : vector<16xi1>, vector<16xi32>
      %reduce_sum3A_1270 = arith.constant true
      %reduce_sum3A_1271 = vector.broadcast %reduce_sum3A_1270 : i1 to vector<16xi1>
      %reduce_sum3A_1272 = tpu.scan <sum>, %select_n3A_1269 masked %reduce_sum3A_1271 : vector<16xi32>, vector<16xi1> -> vector<16xi32>
      %reduce_sum3A_1273 = vector.extract %reduce_sum3A_1272[15] : i32 from vector<16xi32>
      %add3A_1274 = arith.constant 8 : i32
      %add3A_1275 = arith.addi %add3A_1244, %add3A_1274 : i32
      %sub3A_1276 = arith.constant 1 : i32
      %sub3A_1277 = arith.subi %add3A_1275, %sub3A_1276 : i32
      %lt3A_1278 = arith.constant 512 : i32
      %lt3A_1279 = arith.cmpi slt, %sub3A_1277, %lt3A_1278 : i32
      %convert_element_type3A_1280 = arith.extui %lt3A_1279 : i1 to i32
      %cond3A_1281 = arith.constant 0 : i32
      %cond3A_1282 = arith.cmpi ne, %convert_element_type3A_1280, %cond3A_1281 : i32
      scf.if %cond3A_1282 {
        %shift_right_arithmetic3A_1564 = arith.constant 7 : i32
        %shift_right_arithmetic3A_1565 = arith.shrsi %reduce_sum3A_1268, %shift_right_arithmetic3A_1564 : i32
        %mul3A_1566 = arith.constant 128 : i32
        %mul3A_1567 = arith.muli %shift_right_arithmetic3A_1565, %mul3A_1566 : i32
        %multiple_of3A_1568 = tpu.assume_multiple %mul3A_1567, 128 : i32
        %shift_right_arithmetic3A_1569 = arith.constant 7 : i32
        %shift_right_arithmetic3A_1570 = arith.shrsi %reduce_sum3A_1273, %shift_right_arithmetic3A_1569 : i32
        %mul3A_1571 = arith.constant 128 : i32
        %mul3A_1572 = arith.muli %shift_right_arithmetic3A_1570, %mul3A_1571 : i32
        %multiple_of3A_1573 = tpu.assume_multiple %mul3A_1572, 128 : i32
        %dma_start3A_1574 = arith.constant 0 : i32
        %dma_start3A_1575 = tpu.memref_slice %arg4[%dma_start3A_1574, %multiple_of3A_1568] : memref<32x1000000xf32, #tpu.memory_space<hbm>> -> memref<32x128xf32, #tpu.memory_space<hbm>>
        %dma_start3A_1576 = arith.constant 0 : i32
        %dma_start3A_1577 = tpu.memref_slice %arg4[%dma_start3A_1576, %multiple_of3A_1568] : memref<32x1000000xf32, #tpu.memory_space<hbm>> -> memref<32x128xf32, #tpu.memory_space<hbm>>
        tpu.enqueue_dma source(%dma_start3A_1577 : memref<32x128xf32, #tpu.memory_space<hbm>>) target(%arg17 : memref<32x128xf32, #tpu.memory_space<vmem>>) target_semaphore(%arg30 : memref<!tpu.dma_semaphore, #tpu.memory_space<semaphore_mem>>)
        %dma_start3A_1578 = arith.constant 0 : i32
        %dma_start3A_1579 = tpu.memref_slice %arg5[%dma_start3A_1578, %multiple_of3A_1573] : memref<32x1000000xf32, #tpu.memory_space<hbm>> -> memref<32x128xf32, #tpu.memory_space<hbm>>
        %dma_start3A_1580 = arith.constant 0 : i32
        %dma_start3A_1581 = tpu.memref_slice %arg5[%dma_start3A_1580, %multiple_of3A_1573] : memref<32x1000000xf32, #tpu.memory_space<hbm>> -> memref<32x128xf32, #tpu.memory_space<hbm>>
        tpu.enqueue_dma source(%dma_start3A_1581 : memref<32x128xf32, #tpu.memory_space<hbm>>) target(%arg25 : memref<32x128xf32, #tpu.memory_space<vmem>>) target_semaphore(%arg31 : memref<!tpu.dma_semaphore, #tpu.memory_space<semaphore_mem>>)
      } else {
      }
      %dma_wait3A_1283 = arith.constant 0 : i32
      %dma_wait3A_1284 = arith.constant 0 : i32
      %dma_wait3A_1285 = tpu.memref_slice %arg4[%dma_wait3A_1283, %dma_wait3A_1284] : memref<32x1000000xf32, #tpu.memory_space<hbm>> -> memref<32x128xf32, #tpu.memory_space<hbm>>
      %dma_wait3A_1286 = arith.constant 0 : i32
      %dma_wait3A_1287 = arith.constant 0 : i32
      %dma_wait3A_1288 = tpu.memref_slice %arg4[%dma_wait3A_1286, %dma_wait3A_1287] : memref<32x1000000xf32, #tpu.memory_space<hbm>> -> memref<32x128xf32, #tpu.memory_space<hbm>>
      tpu.wait_dma2 semaphore(%arg30 : memref<!tpu.dma_semaphore, #tpu.memory_space<semaphore_mem>>) src(%dma_wait3A_1288 : memref<32x128xf32, #tpu.memory_space<hbm>>) dst(%arg18 : memref<32x128xf32, #tpu.memory_space<vmem>>)
      %dma_wait3A_1289 = arith.constant 0 : i32
      %dma_wait3A_1290 = arith.constant 0 : i32
      %dma_wait3A_1291 = tpu.memref_slice %arg5[%dma_wait3A_1289, %dma_wait3A_1290] : memref<32x1000000xf32, #tpu.memory_space<hbm>> -> memref<32x128xf32, #tpu.memory_space<hbm>>
      %dma_wait3A_1292 = arith.constant 0 : i32
      %dma_wait3A_1293 = arith.constant 0 : i32
      %dma_wait3A_1294 = tpu.memref_slice %arg5[%dma_wait3A_1292, %dma_wait3A_1293] : memref<32x1000000xf32, #tpu.memory_space<hbm>> -> memref<32x128xf32, #tpu.memory_space<hbm>>
      tpu.wait_dma2 semaphore(%arg31 : memref<!tpu.dma_semaphore, #tpu.memory_space<semaphore_mem>>) src(%dma_wait3A_1294 : memref<32x128xf32, #tpu.memory_space<hbm>>) dst(%arg26 : memref<32x128xf32, #tpu.memory_space<vmem>>)
      %and3A_1295 = arith.constant 127 : i32
      %and3A_1296 = arith.andi %reduce_sum3A_708, %and3A_1295 : i32
      %broadcast_in_dim3A_1297 = vector.broadcast %and3A_1296 : i32 to vector<16xi32>
      %and3A_1298 = arith.constant 127 : i32
      %and3A_1299 = arith.andi %reduce_sum3A_713, %and3A_1298 : i32
      %broadcast_in_dim3A_1300 = vector.broadcast %and3A_1299 : i32 to vector<16xi32>
      %gather3A_1301 = tpu.vector_load_idx %arg18[%iota3A, %broadcast_in_dim3A_1297] : memref<32x128xf32, #tpu.memory_space<vmem>>[vector<16xi32>, vector<16xi32>], vector<16xf32>,
      %add3A_1302 = arith.constant 16 : i32
      %add3A_1303 = vector.broadcast %add3A_1302 : i32 to vector<16xi32>
      %add3A_1304 = arith.addi %iota3A, %add3A_1303 : vector<16xi32>
      %gather3A_1305 = tpu.vector_load_idx %arg18[%add3A_1304, %broadcast_in_dim3A_1297] : memref<32x128xf32, #tpu.memory_space<vmem>>[vector<16xi32>, vector<16xi32>], vector<16xf32>,
      %gather3A_1306 = tpu.vector_load_idx %arg26[%iota3A, %broadcast_in_dim3A_1300] : memref<32x128xf32, #tpu.memory_space<vmem>>[vector<16xi32>, vector<16xi32>], vector<16xf32>,
      %add3A_1307 = arith.constant 16 : i32
      %add3A_1308 = vector.broadcast %add3A_1307 : i32 to vector<16xi32>
      %add3A_1309 = arith.addi %iota3A, %add3A_1308 : vector<16xi32>
      %gather3A_1310 = tpu.vector_load_idx %arg26[%add3A_1309, %broadcast_in_dim3A_1300] : memref<32x128xf32, #tpu.memory_space<vmem>>[vector<16xi32>, vector<16xi32>], vector<16xf32>,
      %mul3A_1311 = arith.mulf %gather3A_1301, %gather3A_1306 : vector<16xf32>
      %mul3A_1312 = arith.mulf %gather3A_1305, %gather3A_1310 : vector<16xf32>
      %add3A_1313 = arith.addf %mul3A_1311, %mul3A_1312 : vector<16xf32>
      %reduce_sum3A_1314 = arith.constant true
      %reduce_sum3A_1315 = vector.broadcast %reduce_sum3A_1314 : i1 to vector<16xi1>
      %reduce_sum3A_1316 = tpu.scan <sum>, %add3A_1313 masked %reduce_sum3A_1315 : vector<16xf32>, vector<16xi1> -> vector<16xf32>
      %reduce_sum3A_1317 = vector.extract %reduce_sum3A_1316[15] : f32 from vector<16xf32>
      %eq3A_1318 = arith.constant 12 : i32
      %eq3A_1319 = vector.broadcast %eq3A_1318 : i32 to vector<16xi32>
      %eq3A_1320 = arith.cmpi eq, %iota3A, %eq3A_1319 : vector<16xi32>
      %broadcast_in_dim3A_1321 = vector.broadcast %reduce_sum3A_1317 : f32 to vector<16xf32>
      %select_n3A_1322 = arith.select %eq3A_1320, %broadcast_in_dim3A_1321, %select_n3A_1242 : vector<16xi1>, vector<16xf32>
      %add3A_1323 = arith.constant 13 : i32
      %add3A_1324 = arith.addi %mul3A_284, %add3A_1323 : i32
      %add3A_1325 = arith.constant 8 : i32
      %add3A_1326 = arith.addi %add3A_1324, %add3A_1325 : i32
      %sub3A_1327 = arith.constant 1 : i32
      %sub3A_1328 = arith.subi %add3A_1326, %sub3A_1327 : i32
      %min3A_1329 = arith.constant 511 : i32
      %min3A_1330 = arith.minsi %sub3A_1328, %min3A_1329 : i32
      %shift_right_arithmetic3A_1331 = arith.constant 4 : i32
      %shift_right_arithmetic3A_1332 = arith.shrsi %min3A_1330, %shift_right_arithmetic3A_1331 : i32
      %mul3A_1333 = arith.constant 16 : i32
      %mul3A_1334 = arith.muli %shift_right_arithmetic3A_1332, %mul3A_1333 : i32
      %multiple_of3A_1335 = tpu.assume_multiple %mul3A_1334, 16 : i32
      %and3A_1336 = arith.constant 15 : i32
      %and3A_1337 = arith.andi %min3A_1330, %and3A_1336 : i32
      %eq3A_1338 = vector.broadcast %and3A_1337 : i32 to vector<16xi32>
      %eq3A_1339 = arith.cmpi eq, %iota3A, %eq3A_1338 : vector<16xi32>
      %get3A_1340 = arith.index_cast %multiple_of3A_1335 : i32 to index
      %get3A_1341 = tpu.vector_load %arg9[%get3A_1340] {strides = array<i32>} : memref<512xi32, #tpu.memory_space<vmem>>, vector<16xi32>,
      %get3A_1342 = arith.index_cast %multiple_of3A_1335 : i32 to index
      %get3A_1343 = tpu.vector_load %arg10[%get3A_1342] {strides = array<i32>} : memref<512xi32, #tpu.memory_space<vmem>>, vector<16xi32>,
      %select_n3A_1344 = arith.select %eq3A_1339, %get3A_1341, %broadcast_in_dim3A_6 : vector<16xi1>, vector<16xi32>
      %reduce_sum3A_1345 = arith.constant true
      %reduce_sum3A_1346 = vector.broadcast %reduce_sum3A_1345 : i1 to vector<16xi1>
      %reduce_sum3A_1347 = tpu.scan <sum>, %select_n3A_1344 masked %reduce_sum3A_1346 : vector<16xi32>, vector<16xi1> -> vector<16xi32>
      %reduce_sum3A_1348 = vector.extract %reduce_sum3A_1347[15] : i32 from vector<16xi32>
      %select_n3A_1349 = arith.select %eq3A_1339, %get3A_1343, %broadcast_in_dim3A_6 : vector<16xi1>, vector<16xi32>
      %reduce_sum3A_1350 = arith.constant true
      %reduce_sum3A_1351 = vector.broadcast %reduce_sum3A_1350 : i1 to vector<16xi1>
      %reduce_sum3A_1352 = tpu.scan <sum>, %select_n3A_1349 masked %reduce_sum3A_1351 : vector<16xi32>, vector<16xi1> -> vector<16xi32>
      %reduce_sum3A_1353 = vector.extract %reduce_sum3A_1352[15] : i32 from vector<16xi32>
      %add3A_1354 = arith.constant 8 : i32
      %add3A_1355 = arith.addi %add3A_1324, %add3A_1354 : i32
      %sub3A_1356 = arith.constant 1 : i32
      %sub3A_1357 = arith.subi %add3A_1355, %sub3A_1356 : i32
      %lt3A_1358 = arith.constant 512 : i32
      %lt3A_1359 = arith.cmpi slt, %sub3A_1357, %lt3A_1358 : i32
      %convert_element_type3A_1360 = arith.extui %lt3A_1359 : i1 to i32
      %cond3A_1361 = arith.constant 0 : i32
      %cond3A_1362 = arith.cmpi ne, %convert_element_type3A_1360, %cond3A_1361 : i32
      scf.if %cond3A_1362 {
        %shift_right_arithmetic3A_1564 = arith.constant 7 : i32
        %shift_right_arithmetic3A_1565 = arith.shrsi %reduce_sum3A_1348, %shift_right_arithmetic3A_1564 : i32
        %mul3A_1566 = arith.constant 128 : i32
        %mul3A_1567 = arith.muli %shift_right_arithmetic3A_1565, %mul3A_1566 : i32
        %multiple_of3A_1568 = tpu.assume_multiple %mul3A_1567, 128 : i32
        %shift_right_arithmetic3A_1569 = arith.constant 7 : i32
        %shift_right_arithmetic3A_1570 = arith.shrsi %reduce_sum3A_1353, %shift_right_arithmetic3A_1569 : i32
        %mul3A_1571 = arith.constant 128 : i32
        %mul3A_1572 = arith.muli %shift_right_arithmetic3A_1570, %mul3A_1571 : i32
        %multiple_of3A_1573 = tpu.assume_multiple %mul3A_1572, 128 : i32
        %dma_start3A_1574 = arith.constant 0 : i32
        %dma_start3A_1575 = tpu.memref_slice %arg4[%dma_start3A_1574, %multiple_of3A_1568] : memref<32x1000000xf32, #tpu.memory_space<hbm>> -> memref<32x128xf32, #tpu.memory_space<hbm>>
        %dma_start3A_1576 = arith.constant 0 : i32
        %dma_start3A_1577 = tpu.memref_slice %arg4[%dma_start3A_1576, %multiple_of3A_1568] : memref<32x1000000xf32, #tpu.memory_space<hbm>> -> memref<32x128xf32, #tpu.memory_space<hbm>>
        tpu.enqueue_dma source(%dma_start3A_1577 : memref<32x128xf32, #tpu.memory_space<hbm>>) target(%arg18 : memref<32x128xf32, #tpu.memory_space<vmem>>) target_semaphore(%arg30 : memref<!tpu.dma_semaphore, #tpu.memory_space<semaphore_mem>>)
        %dma_start3A_1578 = arith.constant 0 : i32
        %dma_start3A_1579 = tpu.memref_slice %arg5[%dma_start3A_1578, %multiple_of3A_1573] : memref<32x1000000xf32, #tpu.memory_space<hbm>> -> memref<32x128xf32, #tpu.memory_space<hbm>>
        %dma_start3A_1580 = arith.constant 0 : i32
        %dma_start3A_1581 = tpu.memref_slice %arg5[%dma_start3A_1580, %multiple_of3A_1573] : memref<32x1000000xf32, #tpu.memory_space<hbm>> -> memref<32x128xf32, #tpu.memory_space<hbm>>
        tpu.enqueue_dma source(%dma_start3A_1581 : memref<32x128xf32, #tpu.memory_space<hbm>>) target(%arg26 : memref<32x128xf32, #tpu.memory_space<vmem>>) target_semaphore(%arg31 : memref<!tpu.dma_semaphore, #tpu.memory_space<semaphore_mem>>)
      } else {
      }
      %dma_wait3A_1363 = arith.constant 0 : i32
      %dma_wait3A_1364 = arith.constant 0 : i32
      %dma_wait3A_1365 = tpu.memref_slice %arg4[%dma_wait3A_1363, %dma_wait3A_1364] : memref<32x1000000xf32, #tpu.memory_space<hbm>> -> memref<32x128xf32, #tpu.memory_space<hbm>>
      %dma_wait3A_1366 = arith.constant 0 : i32
      %dma_wait3A_1367 = arith.constant 0 : i32
      %dma_wait3A_1368 = tpu.memref_slice %arg4[%dma_wait3A_1366, %dma_wait3A_1367] : memref<32x1000000xf32, #tpu.memory_space<hbm>> -> memref<32x128xf32, #tpu.memory_space<hbm>>
      tpu.wait_dma2 semaphore(%arg30 : memref<!tpu.dma_semaphore, #tpu.memory_space<semaphore_mem>>) src(%dma_wait3A_1368 : memref<32x128xf32, #tpu.memory_space<hbm>>) dst(%arg19 : memref<32x128xf32, #tpu.memory_space<vmem>>)
      %dma_wait3A_1369 = arith.constant 0 : i32
      %dma_wait3A_1370 = arith.constant 0 : i32
      %dma_wait3A_1371 = tpu.memref_slice %arg5[%dma_wait3A_1369, %dma_wait3A_1370] : memref<32x1000000xf32, #tpu.memory_space<hbm>> -> memref<32x128xf32, #tpu.memory_space<hbm>>
      %dma_wait3A_1372 = arith.constant 0 : i32
      %dma_wait3A_1373 = arith.constant 0 : i32
      %dma_wait3A_1374 = tpu.memref_slice %arg5[%dma_wait3A_1372, %dma_wait3A_1373] : memref<32x1000000xf32, #tpu.memory_space<hbm>> -> memref<32x128xf32, #tpu.memory_space<hbm>>
      tpu.wait_dma2 semaphore(%arg31 : memref<!tpu.dma_semaphore, #tpu.memory_space<semaphore_mem>>) src(%dma_wait3A_1374 : memref<32x128xf32, #tpu.memory_space<hbm>>) dst(%arg27 : memref<32x128xf32, #tpu.memory_space<vmem>>)
      %and3A_1375 = arith.constant 127 : i32
      %and3A_1376 = arith.andi %reduce_sum3A_788, %and3A_1375 : i32
      %broadcast_in_dim3A_1377 = vector.broadcast %and3A_1376 : i32 to vector<16xi32>
      %and3A_1378 = arith.constant 127 : i32
      %and3A_1379 = arith.andi %reduce_sum3A_793, %and3A_1378 : i32
      %broadcast_in_dim3A_1380 = vector.broadcast %and3A_1379 : i32 to vector<16xi32>
      %gather3A_1381 = tpu.vector_load_idx %arg19[%iota3A, %broadcast_in_dim3A_1377] : memref<32x128xf32, #tpu.memory_space<vmem>>[vector<16xi32>, vector<16xi32>], vector<16xf32>,
      %add3A_1382 = arith.constant 16 : i32
      %add3A_1383 = vector.broadcast %add3A_1382 : i32 to vector<16xi32>
      %add3A_1384 = arith.addi %iota3A, %add3A_1383 : vector<16xi32>
      %gather3A_1385 = tpu.vector_load_idx %arg19[%add3A_1384, %broadcast_in_dim3A_1377] : memref<32x128xf32, #tpu.memory_space<vmem>>[vector<16xi32>, vector<16xi32>], vector<16xf32>,
      %gather3A_1386 = tpu.vector_load_idx %arg27[%iota3A, %broadcast_in_dim3A_1380] : memref<32x128xf32, #tpu.memory_space<vmem>>[vector<16xi32>, vector<16xi32>], vector<16xf32>,
      %add3A_1387 = arith.constant 16 : i32
      %add3A_1388 = vector.broadcast %add3A_1387 : i32 to vector<16xi32>
      %add3A_1389 = arith.addi %iota3A, %add3A_1388 : vector<16xi32>
      %gather3A_1390 = tpu.vector_load_idx %arg27[%add3A_1389, %broadcast_in_dim3A_1380] : memref<32x128xf32, #tpu.memory_space<vmem>>[vector<16xi32>, vector<16xi32>], vector<16xf32>,
      %mul3A_1391 = arith.mulf %gather3A_1381, %gather3A_1386 : vector<16xf32>
      %mul3A_1392 = arith.mulf %gather3A_1385, %gather3A_1390 : vector<16xf32>
      %add3A_1393 = arith.addf %mul3A_1391, %mul3A_1392 : vector<16xf32>
      %reduce_sum3A_1394 = arith.constant true
      %reduce_sum3A_1395 = vector.broadcast %reduce_sum3A_1394 : i1 to vector<16xi1>
      %reduce_sum3A_1396 = tpu.scan <sum>, %add3A_1393 masked %reduce_sum3A_1395 : vector<16xf32>, vector<16xi1> -> vector<16xf32>
      %reduce_sum3A_1397 = vector.extract %reduce_sum3A_1396[15] : f32 from vector<16xf32>
      %eq3A_1398 = arith.constant 13 : i32
      %eq3A_1399 = vector.broadcast %eq3A_1398 : i32 to vector<16xi32>
      %eq3A_1400 = arith.cmpi eq, %iota3A, %eq3A_1399 : vector<16xi32>
      %broadcast_in_dim3A_1401 = vector.broadcast %reduce_sum3A_1397 : f32 to vector<16xf32>
      %select_n3A_1402 = arith.select %eq3A_1400, %broadcast_in_dim3A_1401, %select_n3A_1322 : vector<16xi1>, vector<16xf32>
      %add3A_1403 = arith.constant 14 : i32
      %add3A_1404 = arith.addi %mul3A_284, %add3A_1403 : i32
      %add3A_1405 = arith.constant 8 : i32
      %add3A_1406 = arith.addi %add3A_1404, %add3A_1405 : i32
      %sub3A_1407 = arith.constant 1 : i32
      %sub3A_1408 = arith.subi %add3A_1406, %sub3A_1407 : i32
      %min3A_1409 = arith.constant 511 : i32
      %min3A_1410 = arith.minsi %sub3A_1408, %min3A_1409 : i32
      %shift_right_arithmetic3A_1411 = arith.constant 4 : i32
      %shift_right_arithmetic3A_1412 = arith.shrsi %min3A_1410, %shift_right_arithmetic3A_1411 : i32
      %mul3A_1413 = arith.constant 16 : i32
      %mul3A_1414 = arith.muli %shift_right_arithmetic3A_1412, %mul3A_1413 : i32
      %multiple_of3A_1415 = tpu.assume_multiple %mul3A_1414, 16 : i32
      %and3A_1416 = arith.constant 15 : i32
      %and3A_1417 = arith.andi %min3A_1410, %and3A_1416 : i32
      %eq3A_1418 = vector.broadcast %and3A_1417 : i32 to vector<16xi32>
      %eq3A_1419 = arith.cmpi eq, %iota3A, %eq3A_1418 : vector<16xi32>
      %get3A_1420 = arith.index_cast %multiple_of3A_1415 : i32 to index
      %get3A_1421 = tpu.vector_load %arg9[%get3A_1420] {strides = array<i32>} : memref<512xi32, #tpu.memory_space<vmem>>, vector<16xi32>,
      %get3A_1422 = arith.index_cast %multiple_of3A_1415 : i32 to index
      %get3A_1423 = tpu.vector_load %arg10[%get3A_1422] {strides = array<i32>} : memref<512xi32, #tpu.memory_space<vmem>>, vector<16xi32>,
      %select_n3A_1424 = arith.select %eq3A_1419, %get3A_1421, %broadcast_in_dim3A_6 : vector<16xi1>, vector<16xi32>
      %reduce_sum3A_1425 = arith.constant true
      %reduce_sum3A_1426 = vector.broadcast %reduce_sum3A_1425 : i1 to vector<16xi1>
      %reduce_sum3A_1427 = tpu.scan <sum>, %select_n3A_1424 masked %reduce_sum3A_1426 : vector<16xi32>, vector<16xi1> -> vector<16xi32>
      %reduce_sum3A_1428 = vector.extract %reduce_sum3A_1427[15] : i32 from vector<16xi32>
      %select_n3A_1429 = arith.select %eq3A_1419, %get3A_1423, %broadcast_in_dim3A_6 : vector<16xi1>, vector<16xi32>
      %reduce_sum3A_1430 = arith.constant true
      %reduce_sum3A_1431 = vector.broadcast %reduce_sum3A_1430 : i1 to vector<16xi1>
      %reduce_sum3A_1432 = tpu.scan <sum>, %select_n3A_1429 masked %reduce_sum3A_1431 : vector<16xi32>, vector<16xi1> -> vector<16xi32>
      %reduce_sum3A_1433 = vector.extract %reduce_sum3A_1432[15] : i32 from vector<16xi32>
      %add3A_1434 = arith.constant 8 : i32
      %add3A_1435 = arith.addi %add3A_1404, %add3A_1434 : i32
      %sub3A_1436 = arith.constant 1 : i32
      %sub3A_1437 = arith.subi %add3A_1435, %sub3A_1436 : i32
      %lt3A_1438 = arith.constant 512 : i32
      %lt3A_1439 = arith.cmpi slt, %sub3A_1437, %lt3A_1438 : i32
      %convert_element_type3A_1440 = arith.extui %lt3A_1439 : i1 to i32
      %cond3A_1441 = arith.constant 0 : i32
      %cond3A_1442 = arith.cmpi ne, %convert_element_type3A_1440, %cond3A_1441 : i32
      scf.if %cond3A_1442 {
        %shift_right_arithmetic3A_1564 = arith.constant 7 : i32
        %shift_right_arithmetic3A_1565 = arith.shrsi %reduce_sum3A_1428, %shift_right_arithmetic3A_1564 : i32
        %mul3A_1566 = arith.constant 128 : i32
        %mul3A_1567 = arith.muli %shift_right_arithmetic3A_1565, %mul3A_1566 : i32
        %multiple_of3A_1568 = tpu.assume_multiple %mul3A_1567, 128 : i32
        %shift_right_arithmetic3A_1569 = arith.constant 7 : i32
        %shift_right_arithmetic3A_1570 = arith.shrsi %reduce_sum3A_1433, %shift_right_arithmetic3A_1569 : i32
        %mul3A_1571 = arith.constant 128 : i32
        %mul3A_1572 = arith.muli %shift_right_arithmetic3A_1570, %mul3A_1571 : i32
        %multiple_of3A_1573 = tpu.assume_multiple %mul3A_1572, 128 : i32
        %dma_start3A_1574 = arith.constant 0 : i32
        %dma_start3A_1575 = tpu.memref_slice %arg4[%dma_start3A_1574, %multiple_of3A_1568] : memref<32x1000000xf32, #tpu.memory_space<hbm>> -> memref<32x128xf32, #tpu.memory_space<hbm>>
        %dma_start3A_1576 = arith.constant 0 : i32
        %dma_start3A_1577 = tpu.memref_slice %arg4[%dma_start3A_1576, %multiple_of3A_1568] : memref<32x1000000xf32, #tpu.memory_space<hbm>> -> memref<32x128xf32, #tpu.memory_space<hbm>>
        tpu.enqueue_dma source(%dma_start3A_1577 : memref<32x128xf32, #tpu.memory_space<hbm>>) target(%arg19 : memref<32x128xf32, #tpu.memory_space<vmem>>) target_semaphore(%arg30 : memref<!tpu.dma_semaphore, #tpu.memory_space<semaphore_mem>>)
        %dma_start3A_1578 = arith.constant 0 : i32
        %dma_start3A_1579 = tpu.memref_slice %arg5[%dma_start3A_1578, %multiple_of3A_1573] : memref<32x1000000xf32, #tpu.memory_space<hbm>> -> memref<32x128xf32, #tpu.memory_space<hbm>>
        %dma_start3A_1580 = arith.constant 0 : i32
        %dma_start3A_1581 = tpu.memref_slice %arg5[%dma_start3A_1580, %multiple_of3A_1573] : memref<32x1000000xf32, #tpu.memory_space<hbm>> -> memref<32x128xf32, #tpu.memory_space<hbm>>
        tpu.enqueue_dma source(%dma_start3A_1581 : memref<32x128xf32, #tpu.memory_space<hbm>>) target(%arg27 : memref<32x128xf32, #tpu.memory_space<vmem>>) target_semaphore(%arg31 : memref<!tpu.dma_semaphore, #tpu.memory_space<semaphore_mem>>)
      } else {
      }
      %dma_wait3A_1443 = arith.constant 0 : i32
      %dma_wait3A_1444 = arith.constant 0 : i32
      %dma_wait3A_1445 = tpu.memref_slice %arg4[%dma_wait3A_1443, %dma_wait3A_1444] : memref<32x1000000xf32, #tpu.memory_space<hbm>> -> memref<32x128xf32, #tpu.memory_space<hbm>>
      %dma_wait3A_1446 = arith.constant 0 : i32
      %dma_wait3A_1447 = arith.constant 0 : i32
      %dma_wait3A_1448 = tpu.memref_slice %arg4[%dma_wait3A_1446, %dma_wait3A_1447] : memref<32x1000000xf32, #tpu.memory_space<hbm>> -> memref<32x128xf32, #tpu.memory_space<hbm>>
      tpu.wait_dma2 semaphore(%arg30 : memref<!tpu.dma_semaphore, #tpu.memory_space<semaphore_mem>>) src(%dma_wait3A_1448 : memref<32x128xf32, #tpu.memory_space<hbm>>) dst(%arg20 : memref<32x128xf32, #tpu.memory_space<vmem>>)
      %dma_wait3A_1449 = arith.constant 0 : i32
      %dma_wait3A_1450 = arith.constant 0 : i32
      %dma_wait3A_1451 = tpu.memref_slice %arg5[%dma_wait3A_1449, %dma_wait3A_1450] : memref<32x1000000xf32, #tpu.memory_space<hbm>> -> memref<32x128xf32, #tpu.memory_space<hbm>>
      %dma_wait3A_1452 = arith.constant 0 : i32
      %dma_wait3A_1453 = arith.constant 0 : i32
      %dma_wait3A_1454 = tpu.memref_slice %arg5[%dma_wait3A_1452, %dma_wait3A_1453] : memref<32x1000000xf32, #tpu.memory_space<hbm>> -> memref<32x128xf32, #tpu.memory_space<hbm>>
      tpu.wait_dma2 semaphore(%arg31 : memref<!tpu.dma_semaphore, #tpu.memory_space<semaphore_mem>>) src(%dma_wait3A_1454 : memref<32x128xf32, #tpu.memory_space<hbm>>) dst(%arg28 : memref<32x128xf32, #tpu.memory_space<vmem>>)
      %and3A_1455 = arith.constant 127 : i32
      %and3A_1456 = arith.andi %reduce_sum3A_868, %and3A_1455 : i32
      %broadcast_in_dim3A_1457 = vector.broadcast %and3A_1456 : i32 to vector<16xi32>
      %and3A_1458 = arith.constant 127 : i32
      %and3A_1459 = arith.andi %reduce_sum3A_873, %and3A_1458 : i32
      %broadcast_in_dim3A_1460 = vector.broadcast %and3A_1459 : i32 to vector<16xi32>
      %gather3A_1461 = tpu.vector_load_idx %arg20[%iota3A, %broadcast_in_dim3A_1457] : memref<32x128xf32, #tpu.memory_space<vmem>>[vector<16xi32>, vector<16xi32>], vector<16xf32>,
      %add3A_1462 = arith.constant 16 : i32
      %add3A_1463 = vector.broadcast %add3A_1462 : i32 to vector<16xi32>
      %add3A_1464 = arith.addi %iota3A, %add3A_1463 : vector<16xi32>
      %gather3A_1465 = tpu.vector_load_idx %arg20[%add3A_1464, %broadcast_in_dim3A_1457] : memref<32x128xf32, #tpu.memory_space<vmem>>[vector<16xi32>, vector<16xi32>], vector<16xf32>,
      %gather3A_1466 = tpu.vector_load_idx %arg28[%iota3A, %broadcast_in_dim3A_1460] : memref<32x128xf32, #tpu.memory_space<vmem>>[vector<16xi32>, vector<16xi32>], vector<16xf32>,
      %add3A_1467 = arith.constant 16 : i32
      %add3A_1468 = vector.broadcast %add3A_1467 : i32 to vector<16xi32>
      %add3A_1469 = arith.addi %iota3A, %add3A_1468 : vector<16xi32>
      %gather3A_1470 = tpu.vector_load_idx %arg28[%add3A_1469, %broadcast_in_dim3A_1460] : memref<32x128xf32, #tpu.memory_space<vmem>>[vector<16xi32>, vector<16xi32>], vector<16xf32>,
      %mul3A_1471 = arith.mulf %gather3A_1461, %gather3A_1466 : vector<16xf32>
      %mul3A_1472 = arith.mulf %gather3A_1465, %gather3A_1470 : vector<16xf32>
      %add3A_1473 = arith.addf %mul3A_1471, %mul3A_1472 : vector<16xf32>
      %reduce_sum3A_1474 = arith.constant true
      %reduce_sum3A_1475 = vector.broadcast %reduce_sum3A_1474 : i1 to vector<16xi1>
      %reduce_sum3A_1476 = tpu.scan <sum>, %add3A_1473 masked %reduce_sum3A_1475 : vector<16xf32>, vector<16xi1> -> vector<16xf32>
      %reduce_sum3A_1477 = vector.extract %reduce_sum3A_1476[15] : f32 from vector<16xf32>
      %eq3A_1478 = arith.constant 14 : i32
      %eq3A_1479 = vector.broadcast %eq3A_1478 : i32 to vector<16xi32>
      %eq3A_1480 = arith.cmpi eq, %iota3A, %eq3A_1479 : vector<16xi32>
      %broadcast_in_dim3A_1481 = vector.broadcast %reduce_sum3A_1477 : f32 to vector<16xf32>
      %select_n3A_1482 = arith.select %eq3A_1480, %broadcast_in_dim3A_1481, %select_n3A_1402 : vector<16xi1>, vector<16xf32>
      %add3A_1483 = arith.constant 15 : i32
      %add3A_1484 = arith.addi %mul3A_284, %add3A_1483 : i32
      %add3A_1485 = arith.constant 8 : i32
      %add3A_1486 = arith.addi %add3A_1484, %add3A_1485 : i32
      %sub3A_1487 = arith.constant 1 : i32
      %sub3A_1488 = arith.subi %add3A_1486, %sub3A_1487 : i32
      %min3A_1489 = arith.constant 511 : i32
      %min3A_1490 = arith.minsi %sub3A_1488, %min3A_1489 : i32
      %shift_right_arithmetic3A_1491 = arith.constant 4 : i32
      %shift_right_arithmetic3A_1492 = arith.shrsi %min3A_1490, %shift_right_arithmetic3A_1491 : i32
      %mul3A_1493 = arith.constant 16 : i32
      %mul3A_1494 = arith.muli %shift_right_arithmetic3A_1492, %mul3A_1493 : i32
      %multiple_of3A_1495 = tpu.assume_multiple %mul3A_1494, 16 : i32
      %and3A_1496 = arith.constant 15 : i32
      %and3A_1497 = arith.andi %min3A_1490, %and3A_1496 : i32
      %eq3A_1498 = vector.broadcast %and3A_1497 : i32 to vector<16xi32>
      %eq3A_1499 = arith.cmpi eq, %iota3A, %eq3A_1498 : vector<16xi32>
      %get3A_1500 = arith.index_cast %multiple_of3A_1495 : i32 to index
      %get3A_1501 = tpu.vector_load %arg9[%get3A_1500] {strides = array<i32>} : memref<512xi32, #tpu.memory_space<vmem>>, vector<16xi32>,
      %get3A_1502 = arith.index_cast %multiple_of3A_1495 : i32 to index
      %get3A_1503 = tpu.vector_load %arg10[%get3A_1502] {strides = array<i32>} : memref<512xi32, #tpu.memory_space<vmem>>, vector<16xi32>,
      %select_n3A_1504 = arith.select %eq3A_1499, %get3A_1501, %broadcast_in_dim3A_6 : vector<16xi1>, vector<16xi32>
      %reduce_sum3A_1505 = arith.constant true
      %reduce_sum3A_1506 = vector.broadcast %reduce_sum3A_1505 : i1 to vector<16xi1>
      %reduce_sum3A_1507 = tpu.scan <sum>, %select_n3A_1504 masked %reduce_sum3A_1506 : vector<16xi32>, vector<16xi1> -> vector<16xi32>
      %reduce_sum3A_1508 = vector.extract %reduce_sum3A_1507[15] : i32 from vector<16xi32>
      %select_n3A_1509 = arith.select %eq3A_1499, %get3A_1503, %broadcast_in_dim3A_6 : vector<16xi1>, vector<16xi32>
      %reduce_sum3A_1510 = arith.constant true
      %reduce_sum3A_1511 = vector.broadcast %reduce_sum3A_1510 : i1 to vector<16xi1>
      %reduce_sum3A_1512 = tpu.scan <sum>, %select_n3A_1509 masked %reduce_sum3A_1511 : vector<16xi32>, vector<16xi1> -> vector<16xi32>
      %reduce_sum3A_1513 = vector.extract %reduce_sum3A_1512[15] : i32 from vector<16xi32>
      %add3A_1514 = arith.constant 8 : i32
      %add3A_1515 = arith.addi %add3A_1484, %add3A_1514 : i32
      %sub3A_1516 = arith.constant 1 : i32
      %sub3A_1517 = arith.subi %add3A_1515, %sub3A_1516 : i32
      %lt3A_1518 = arith.constant 512 : i32
      %lt3A_1519 = arith.cmpi slt, %sub3A_1517, %lt3A_1518 : i32
      %convert_element_type3A_1520 = arith.extui %lt3A_1519 : i1 to i32
      %cond3A_1521 = arith.constant 0 : i32
      %cond3A_1522 = arith.cmpi ne, %convert_element_type3A_1520, %cond3A_1521 : i32
      scf.if %cond3A_1522 {
        %shift_right_arithmetic3A_1564 = arith.constant 7 : i32
        %shift_right_arithmetic3A_1565 = arith.shrsi %reduce_sum3A_1508, %shift_right_arithmetic3A_1564 : i32
        %mul3A_1566 = arith.constant 128 : i32
        %mul3A_1567 = arith.muli %shift_right_arithmetic3A_1565, %mul3A_1566 : i32
        %multiple_of3A_1568 = tpu.assume_multiple %mul3A_1567, 128 : i32
        %shift_right_arithmetic3A_1569 = arith.constant 7 : i32
        %shift_right_arithmetic3A_1570 = arith.shrsi %reduce_sum3A_1513, %shift_right_arithmetic3A_1569 : i32
        %mul3A_1571 = arith.constant 128 : i32
        %mul3A_1572 = arith.muli %shift_right_arithmetic3A_1570, %mul3A_1571 : i32
        %multiple_of3A_1573 = tpu.assume_multiple %mul3A_1572, 128 : i32
        %dma_start3A_1574 = arith.constant 0 : i32
        %dma_start3A_1575 = tpu.memref_slice %arg4[%dma_start3A_1574, %multiple_of3A_1568] : memref<32x1000000xf32, #tpu.memory_space<hbm>> -> memref<32x128xf32, #tpu.memory_space<hbm>>
        %dma_start3A_1576 = arith.constant 0 : i32
        %dma_start3A_1577 = tpu.memref_slice %arg4[%dma_start3A_1576, %multiple_of3A_1568] : memref<32x1000000xf32, #tpu.memory_space<hbm>> -> memref<32x128xf32, #tpu.memory_space<hbm>>
        tpu.enqueue_dma source(%dma_start3A_1577 : memref<32x128xf32, #tpu.memory_space<hbm>>) target(%arg20 : memref<32x128xf32, #tpu.memory_space<vmem>>) target_semaphore(%arg30 : memref<!tpu.dma_semaphore, #tpu.memory_space<semaphore_mem>>)
        %dma_start3A_1578 = arith.constant 0 : i32
        %dma_start3A_1579 = tpu.memref_slice %arg5[%dma_start3A_1578, %multiple_of3A_1573] : memref<32x1000000xf32, #tpu.memory_space<hbm>> -> memref<32x128xf32, #tpu.memory_space<hbm>>
        %dma_start3A_1580 = arith.constant 0 : i32
        %dma_start3A_1581 = tpu.memref_slice %arg5[%dma_start3A_1580, %multiple_of3A_1573] : memref<32x1000000xf32, #tpu.memory_space<hbm>> -> memref<32x128xf32, #tpu.memory_space<hbm>>
        tpu.enqueue_dma source(%dma_start3A_1581 : memref<32x128xf32, #tpu.memory_space<hbm>>) target(%arg28 : memref<32x128xf32, #tpu.memory_space<vmem>>) target_semaphore(%arg31 : memref<!tpu.dma_semaphore, #tpu.memory_space<semaphore_mem>>)
      } else {
      }
      %dma_wait3A_1523 = arith.constant 0 : i32
      %dma_wait3A_1524 = arith.constant 0 : i32
      %dma_wait3A_1525 = tpu.memref_slice %arg4[%dma_wait3A_1523, %dma_wait3A_1524] : memref<32x1000000xf32, #tpu.memory_space<hbm>> -> memref<32x128xf32, #tpu.memory_space<hbm>>
      %dma_wait3A_1526 = arith.constant 0 : i32
      %dma_wait3A_1527 = arith.constant 0 : i32
      %dma_wait3A_1528 = tpu.memref_slice %arg4[%dma_wait3A_1526, %dma_wait3A_1527] : memref<32x1000000xf32, #tpu.memory_space<hbm>> -> memref<32x128xf32, #tpu.memory_space<hbm>>
      tpu.wait_dma2 semaphore(%arg30 : memref<!tpu.dma_semaphore, #tpu.memory_space<semaphore_mem>>) src(%dma_wait3A_1528 : memref<32x128xf32, #tpu.memory_space<hbm>>) dst(%arg21 : memref<32x128xf32, #tpu.memory_space<vmem>>)
      %dma_wait3A_1529 = arith.constant 0 : i32
      %dma_wait3A_1530 = arith.constant 0 : i32
      %dma_wait3A_1531 = tpu.memref_slice %arg5[%dma_wait3A_1529, %dma_wait3A_1530] : memref<32x1000000xf32, #tpu.memory_space<hbm>> -> memref<32x128xf32, #tpu.memory_space<hbm>>
      %dma_wait3A_1532 = arith.constant 0 : i32
      %dma_wait3A_1533 = arith.constant 0 : i32
      %dma_wait3A_1534 = tpu.memref_slice %arg5[%dma_wait3A_1532, %dma_wait3A_1533] : memref<32x1000000xf32, #tpu.memory_space<hbm>> -> memref<32x128xf32, #tpu.memory_space<hbm>>
      tpu.wait_dma2 semaphore(%arg31 : memref<!tpu.dma_semaphore, #tpu.memory_space<semaphore_mem>>) src(%dma_wait3A_1534 : memref<32x128xf32, #tpu.memory_space<hbm>>) dst(%arg29 : memref<32x128xf32, #tpu.memory_space<vmem>>)
      %and3A_1535 = arith.constant 127 : i32
      %and3A_1536 = arith.andi %reduce_sum3A_948, %and3A_1535 : i32
      %broadcast_in_dim3A_1537 = vector.broadcast %and3A_1536 : i32 to vector<16xi32>
      %and3A_1538 = arith.constant 127 : i32
      %and3A_1539 = arith.andi %reduce_sum3A_953, %and3A_1538 : i32
      %broadcast_in_dim3A_1540 = vector.broadcast %and3A_1539 : i32 to vector<16xi32>
      %gather3A_1541 = tpu.vector_load_idx %arg21[%iota3A, %broadcast_in_dim3A_1537] : memref<32x128xf32, #tpu.memory_space<vmem>>[vector<16xi32>, vector<16xi32>], vector<16xf32>,
      %add3A_1542 = arith.constant 16 : i32
      %add3A_1543 = vector.broadcast %add3A_1542 : i32 to vector<16xi32>
      %add3A_1544 = arith.addi %iota3A, %add3A_1543 : vector<16xi32>
      %gather3A_1545 = tpu.vector_load_idx %arg21[%add3A_1544, %broadcast_in_dim3A_1537] : memref<32x128xf32, #tpu.memory_space<vmem>>[vector<16xi32>, vector<16xi32>], vector<16xf32>,
      %gather3A_1546 = tpu.vector_load_idx %arg29[%iota3A, %broadcast_in_dim3A_1540] : memref<32x128xf32, #tpu.memory_space<vmem>>[vector<16xi32>, vector<16xi32>], vector<16xf32>,
      %add3A_1547 = arith.constant 16 : i32
      %add3A_1548 = vector.broadcast %add3A_1547 : i32 to vector<16xi32>
      %add3A_1549 = arith.addi %iota3A, %add3A_1548 : vector<16xi32>
      %gather3A_1550 = tpu.vector_load_idx %arg29[%add3A_1549, %broadcast_in_dim3A_1540] : memref<32x128xf32, #tpu.memory_space<vmem>>[vector<16xi32>, vector<16xi32>], vector<16xf32>,
      %mul3A_1551 = arith.mulf %gather3A_1541, %gather3A_1546 : vector<16xf32>
      %mul3A_1552 = arith.mulf %gather3A_1545, %gather3A_1550 : vector<16xf32>
      %add3A_1553 = arith.addf %mul3A_1551, %mul3A_1552 : vector<16xf32>
      %reduce_sum3A_1554 = arith.constant true
      %reduce_sum3A_1555 = vector.broadcast %reduce_sum3A_1554 : i1 to vector<16xi1>
      %reduce_sum3A_1556 = tpu.scan <sum>, %add3A_1553 masked %reduce_sum3A_1555 : vector<16xf32>, vector<16xi1> -> vector<16xf32>
      %reduce_sum3A_1557 = vector.extract %reduce_sum3A_1556[15] : f32 from vector<16xf32>
      %eq3A_1558 = arith.constant 15 : i32
      %eq3A_1559 = vector.broadcast %eq3A_1558 : i32 to vector<16xi32>
      %eq3A_1560 = arith.cmpi eq, %iota3A, %eq3A_1559 : vector<16xi32>
      %broadcast_in_dim3A_1561 = vector.broadcast %reduce_sum3A_1557 : f32 to vector<16xf32>
      %select_n3A_1562 = arith.select %eq3A_1560, %broadcast_in_dim3A_1561, %select_n3A_1482 : vector<16xi1>, vector<16xf32>
      %swap3A = arith.index_cast %mul3A_284 : i32 to index
      %swap3A_1563 = tpu.vector_load %arg13[%swap3A] {strides = array<i32>} : memref<512xf32, #tpu.memory_space<vmem>>, vector<16xf32>,
      tpu.vector_store %arg13[%swap3A], %select_n3A_1562 {strides = array<i32>} : memref<512xf32, #tpu.memory_space<vmem>>, vector<16xf32>,
      scf.yield %reduce_sum3A_1028, %reduce_sum3A_1033, %reduce_sum3A_1108, %reduce_sum3A_1113, %reduce_sum3A_1188, %reduce_sum3A_1193, %reduce_sum3A_1268, %reduce_sum3A_1273, %reduce_sum3A_1348, %reduce_sum3A_1353, %reduce_sum3A_1428, %reduce_sum3A_1433, %reduce_sum3A_1508, %reduce_sum3A_1513 : i32, i32, i32, i32, i32, i32, i32, i32, i32, i32, i32, i32, i32, i32
    }
    %scan3A_267 = arith.constant 32 : i32
    "tpu.region"() ({
      %run_scoped3A = tpu.sem_alloc : memref<!tpu.dma_semaphore, #tpu.memory_space<semaphore_mem>>
      %dma_start3A_268 = tpu.memref_slice %arg8[%mul3A_2] : memref<16384xf32, #tpu.memory_space<hbm>> -> memref<512xf32, #tpu.memory_space<hbm>>
      %dma_start3A_269 = tpu.memref_slice %arg8[%mul3A_2] : memref<16384xf32, #tpu.memory_space<hbm>> -> memref<512xf32, #tpu.memory_space<hbm>>
      tpu.enqueue_dma source(%arg13 : memref<512xf32, #tpu.memory_space<vmem>>) target(%dma_start3A_269 : memref<512xf32, #tpu.memory_space<hbm>>) target_semaphore(%run_scoped3A : memref<!tpu.dma_semaphore, #tpu.memory_space<semaphore_mem>>)
      %dma_wait3A_270 = tpu.memref_slice %arg8[%mul3A_2] : memref<16384xf32, #tpu.memory_space<hbm>> -> memref<512xf32, #tpu.memory_space<hbm>>
      %dma_wait3A_271 = tpu.memref_slice %arg8[%mul3A_2] : memref<16384xf32, #tpu.memory_space<hbm>> -> memref<512xf32, #tpu.memory_space<hbm>>
      tpu.wait_dma2 semaphore(%run_scoped3A : memref<!tpu.dma_semaphore, #tpu.memory_space<semaphore_mem>>) src(%arg13 : memref<512xf32, #tpu.memory_space<vmem>>) dst(%dma_wait3A_271 : memref<512xf32, #tpu.memory_space<hbm>>)
      tpu.yield
    }) : () -> ()
    return
  }
}

</mosaic_0001>

<sc_bundles>
// kernel: kernel.3.cloned.1.call-start
scs
__scs_entry_jumppad:
0x0: {  	(pc) =	sbr.rel $0x88, $3  }
0x1: {  	(tag) =	ssettag $0x0;
	lr =	simm.s32 $0x1  }
0x2: {  	[smem:$0x3F9A] =	sst lr;
	_ =	strace $0xD0000000  }
0x3: {  	_ = 	snop  }
0x4: {  	_ = 	snop  }
0x5: {  	_ = 	snop  }
0x6: {  	_ = 	snop  }
0x7: {  	_ = 	snop  }
__scs_overlays_trampoline_lowered:
0x8: {  	[smem:$0x3FA9] =	sst s0  }
0x9: {  	[smem:$0x3FAA] =	sst s1  }
0xa: {  	[smem:$0x3FAB] =	sst s2  }
0xb: {  	[smem:$0x3FAC] =	sst s3  }
0xc: {  	[smem:$0x3FAD] =	sst s4  }
0xd: {  	[smem:$0x3FAE] =	sst s5  }
0xe: {  	[smem:$0x3FAF] =	sst s6  }
0xf: {  	[smem:$0x3FB0] =	sst s7  }
0x10: {  	[smem:$0x3FB1] =	sst s8  }
0x11: {  	[smem:$0x3FB2] =	sst s9;
	s0 =	simm.s32 @!p0 $0x0  }
0x12: {  	s1 =	sld [smem:$0x3F98];
	s0 =	simm.s32 @p0 $0x1  }
0x13: {  	[smem:$0x3FB3] =	sst s0;
	s0 =	simm.s32 @!p1 $0x0  }
0x14: {  	s2 =	sld [smem:$0x3F97];
	s0 =	simm.s32 @p1 $0x1  }
0x15: {  	[smem:$0x3FB4] =	sst s0;
	s0 =	simm.s32 @!p2 $0x0  }
0x16: {  	s3 =	sld [smem:$0x3FDB];
	s0 =	simm.s32 @p2 $0x1  }
0x17: {  	s4 =	simm.s32 $0x1BF5;
	[smem:$0x3FB6] =	sst s0  }
0x18: {  	s0 =	sld [smem:$0x3F99];
	_ =	swait.ge [sflag:s4], $0x0  }
0x19: {  	s7 =	sld [smem:$0x3F9A]  }
0x1a: {  	s8 =	sadd.s32 $0xFFFFE003, lr  }
0x1b: {  	s9 =	sadd.s32 $0xFFFFFEF7, lr;
	s5 =	simm.s32 $0xFFFFFFFF;
	p2 =	slt.u32 s8, $0xFFFFF086  }
0x1c: {  	p1 =	slt.u32 s9, $0xF7A;
	s5 =	simm.s32 @!p2 $0x0  }
0x1d: {  	s5 =	simm.s32 @p1 $0x1;
	p0 =	seq.s32 s7, s2  }
0x1e: {  	s7 =	smul.u32 @!p0 $0xF7A, s2;
	p2 =	seq.s32 @!p0 s5, $0x0  }
0x1f: {  	s9 =	smul.u32 $0xF7A, s1;
	s8 =	simm.s32 @!p0 $0x1BF5;
	p2 =	por !p2, p0  }
0x20: {  	[sflag:s8] =	ssyncset.s32 @!p0 $0xFFFFF086;
	s6 =	sadd.s32 @!p0 s3, s7;
	s7 =	simm.s32 @!p0 $0x108  }
0x21: {  	s3 =	sadd.s32 s3, s9;
	s6 =	sadd.s32 @!p0 $0x88, s6;
	s7 =	simm.s32 @p2 $0x1082  }
0x22: {  	[simem:s7], [sflag:s8] =	dma.local @!p0 [hbm:s6], $0xF7A  }
0x23: {  	s9 =	sor.u32 $0xD0000000, s2;
	s6 =	simm.s32 $0x108;
	_ =	swait.ge @!p0 [sflag:s8], $0x0  }
0x24: {  	s3 =	sadd.s32 $0x88, s3;
	s6 =	simm.s32 @!p1 $0x1082;
	[sflag:s4] =	ssyncset.s32 $0xFFFFF086  }
0x25: {  	[simem:s6], [sflag:s4] =	dma.local [hbm:s3], $0xF7A  }
0x26: {  	[smem:$0x3F9A] =	sst s1;
	(tag) =	ssettag s2;
	_ =	strace s9  }
0x27: {  	s1 =	sld [smem:$0x3FAA]  }
0x28: {  	s2 =	sld [smem:$0x3FAB]  }
0x29: {  	s4 =	sld [smem:$0x3FAD]  }
0x2a: {  	p0 =	seq.s32 s5, $0x0;
	s5 =	sld [smem:$0x3FAE]  }
0x2b: {  	s6 =	sld [smem:$0x3FAF]  }
0x2c: {  	s7 =	sld [smem:$0x3FB0]  }
0x2d: {  	s3 =	simm.s32 $0x108;
	s8 =	sld [smem:$0x3FB1]  }
0x2e: {  	s3 =	simm.s32 @!p0 $0x1082;
	s9 =	sld [smem:$0x3FB2]  }
0x2f: {  	lr =	sadd.s32 s0, s3;
	s0 =	sld [smem:$0x3FA9]  }
0x30: {  	s3 =	sld [smem:$0x3FAC]  }
0x31: {  	[smem:$0x3FB5] =	sst s10  }
0x32: {  	s10 =	sld [smem:$0x3FB3];
	_ =	sdelay $0x3  }
0x33: {  	p0 =	seq.s32 s10, $0x1;
	s10 =	sld [smem:$0x3FB5];
	_ =	sdelay $0x3  }
0x34: {  	[smem:$0x3FB5] =	sst s10  }
0x35: {  	s10 =	sld [smem:$0x3FB4];
	_ =	sdelay $0x3  }
0x36: {  	p1 =	seq.s32 s10, $0x1;
	s10 =	sld [smem:$0x3FB5];
	_ =	sdelay $0x3  }
0x37: {  	[smem:$0x3FB5] =	sst s10  }
0x38: {  	s10 =	sld [smem:$0x3FB6]  }
0x39: {  	_ = 	snop;
	(pc) =	sbr.ind lr, $3  }
0x3a: {  	_ = 	snop  }
0x3b: {  	_ = 	snop  }
0x3c: {  	p2 =	seq.s32 s10, $0x1;
	s10 =	sld [smem:$0x3FB5]  }
0x3d: {  	_ =	shalt  }
0x3e: {  	_ =	shalt  }
0x3f: {  	_ =	shalt  }
0x40: {  	_ =	shalt  }
0x41: {  	_ =	shalt  }
0x42: {  	_ =	shalt  }
0x43: {  	_ =	shalt  }
0x44: {  	_ =	shalt  }
0x45: {  	_ =	shalt  }
0x46: {  	_ =	shalt  }
0x47: {  	_ =	shalt  }
0x48: {  	_ =	shalt  }
0x49: {  	_ =	shalt  }
0x4a: {  	_ =	shalt  }
0x4b: {  	_ =	shalt  }
0x4c: {  	_ =	shalt  }
0x4d: {  	_ =	shalt  }
0x4e: {  	_ =	shalt  }
0x4f: {  	_ =	shalt  }
0x50: {  	_ =	shalt  }
0x51: {  	_ =	shalt  }
0x52: {  	_ =	shalt  }
0x53: {  	_ =	shalt  }
0x54: {  	_ =	shalt  }
0x55: {  	_ =	shalt  }
0x56: {  	_ =	shalt  }
0x57: {  	_ =	shalt  }
0x58: {  	_ =	shalt  }
0x59: {  	_ =	shalt  }
0x5a: {  	_ =	shalt  }
0x5b: {  	_ =	shalt  }
0x5c: {  	_ =	shalt  }
0x5d: {  	_ =	shalt  }
0x5e: {  	_ =	shalt  }
0x5f: {  	_ =	shalt  }
0x60: {  	_ =	shalt  }
0x61: {  	_ =	shalt  }
0x62: {  	_ =	shalt  }
0x63: {  	_ =	shalt  }
0x64: {  	_ =	shalt  }
0x65: {  	_ =	shalt  }
0x66: {  	_ =	shalt  }
0x67: {  	_ =	shalt  }
0x68: {  	_ =	shalt  }
0x69: {  	_ =	shalt  }
0x6a: {  	_ =	shalt  }
0x6b: {  	_ =	shalt  }
0x6c: {  	_ =	shalt  }
0x6d: {  	_ =	shalt  }
0x6e: {  	_ =	shalt  }
0x6f: {  	_ =	shalt  }
0x70: {  	_ =	shalt  }
0x71: {  	_ =	shalt  }
0x72: {  	_ =	shalt  }
0x73: {  	_ =	shalt  }
0x74: {  	_ =	shalt  }
0x75: {  	_ =	shalt  }
0x76: {  	_ =	shalt  }
0x77: {  	_ =	shalt  }
0x78: {  	_ =	shalt  }
0x79: {  	_ =	shalt  }
0x7a: {  	_ =	shalt  }
0x7b: {  	_ =	shalt  }
0x7c: {  	_ =	shalt  }
0x7d: {  	_ =	shalt  }
0x7e: {  	_ =	shalt  }
0x7f: {  	_ =	shalt  }
0x80: {  	_ =	shalt  }
0x81: {  	_ =	shalt  }
0x82: {  	_ =	shalt  }
0x83: {  	_ =	shalt  }
0x84: {  	_ =	shalt  }
0x85: {  	_ =	shalt  }
0x86: {  	_ =	shalt  }
0x87: {  	_ =	shalt  }
.Lfunc_end0:
.L_simem_size_0:
called_computation_lowered:
.L_overlay_start_0:
0x88: {  	s2 =	sld [smem:$0x3FD9]  }
0x89: {  	s3 =	sld [smem:$0x3FFE];
	_ =	sdelay $0x1  }
0x8a: {  	s1 =	srdreg.scid  }
0x8b: {  	s0 =	sand.u32 $0x1, s1  }
0x8c: {  	s18 =	sshll.u32 s0, $0xA;
	s2 =	sadd.s32 s3, s2  }
0x8d: {  	s2 =	sadd.s32 s2, s18  }
0x8e: {  	[smem:$0x3FC1] =	sst s2  }
0x8f: {  	_ = 	snop  }
0x90: {  	s2 =	sld [smem:$0x3FC9]  }
0x91: {  	s19 =	sld [smem:$0x3FC8]  }
0x92: {  	s4 =	sld [smem:$0x3FC7]  }
0x93: {  	s5 =	sld [smem:$0x3FC6]  }
0x94: {  	s6 =	sld [smem:$0x3FC4]  }
0x95: {  	s7 =	sld [smem:$0x3FC3]  }
0x96: {  	s8 =	sld [smem:$0x3FD0];
	(tm) =	ssettm $0x1  }
0x97: {  	s9 =	sld [smem:$0x3FFB];
	_ =	sdelay $0x3  }
0x98: {  	_ =	strace s9  }
0x99: {  	s9 =	sld [smem:$0x3FFC];
	_ =	sdelay $0x3  }
0x9a: {  	_ =	strace s9  }
0x9b: {  	s9 =	sld [smem:$0x3FFD];
	_ =	sdelay $0x3  }
0x9c: {  	_ =	strace s9  }
0x9d: {  	_ =	strace $0x8FFFFFFF  }
0x9e: {  	s20 =	sld [smem:$0x3FDB];
	_ =	sdelay $0x1  }
0x9f: {  	s10 =	simm.s32 $_scs_section_size  }
0xa0: {  	s11 =	simm.s32 $_size__tile_overlayer_lowered;
	s12 =	simm.s32 $_tile_overlayer_lowered  }
0xa1: {  	s23 =	simm.s32 $0x1BFF;
	s22 =	sshll.u32 s12, $0x1;
	s9 =	sadd.s32 s10, s20  }
0xa2: {  	s13 =	simm.s32 $0x0;
	s21 =	sshll.u32 s11, $0x1;
	s11 =	sadd.s32 s22, s9  }
0xa3: {  	[timem:s13], [sflag:s23] =	dma.local [hbm:s11], s21  }
0xa4: {  	_ =	swait.ge [sflag:s23], s21  }
0xa5: {  	s10 =	ssub.s32 $0x0, s21;
	[sflag:s23] =	ssyncset.done $0x0  }
0xa6: {  	[sflag:s23] =	ssyncadd.s32 s10;
	_ =	sdelay $0x1  }
0xa7: {  	s24 =	simm.s32 $0x1B8B  }
0xa8: {  	_ =	swait.ge [sflag:s24], $0x1  }
0xa9: {  	[sflag:s24] =	ssyncset.done $0x0  }
0xaa: {  	s25 =	simm.s32 $0x1B8E;
	[sflag:s24] =	ssyncadd.s32 $0xFFFFFFFF  }
0xab: {  	s26 =	simm.s32 $execute0_lowered;
	[smem:$0x3FD2] =	sst s25  }
0xac: {  	s10 =	sshll.u32 s26, $0x1;
	_ =	strace $0x80000046;
	[dreg:$0x1] =	wrdreg $0xFFFFFFFF  }
0xad: {  	s28 =	simm.s32 $_size_execute0_lowered;
	s9 =	sadd.s32 s9, s10;
	[dreg:$0x0] =	wrdreg $0x0  }
0xae: {  	s10 =	sshll.u32 s28, $0x1;
	[dreg:$0x2] =	wrdreg s9  }
0xaf: {  	[dreg:$0x3] =	wrdreg s10  }
0xb0: {  	[dreg:$0x4] =	wrdreg $0xC0  }
0xb1: {  	_ =	task [dreg:s13], $0x5FFFF  }
0xb2: {  	[dreg:$0x1] =	wrdreg $0xFFFFFFFF  }
0xb3: {  	[dreg:$0x0] =	wrdreg $0x60  }
0xb4: {  	[dreg:$0x2] =	wrdreg s2  }
0xb5: {  	[dreg:$0x3] =	wrdreg s19  }
0xb6: {  	[dreg:$0x4] =	wrdreg s4  }
0xb7: {  	[dreg:$0x5] =	wrdreg s5  }
0xb8: {  	[dreg:$0x6] =	wrdreg s6  }
0xb9: {  	[dreg:$0x7] =	wrdreg s7  }
0xba: {  	[dreg:$0x8] =	wrdreg s8  }
0xbb: {  	[dreg:$0x9] =	wrdreg $0x9  }
0xbc: {  	_ =	task.clear_ibuf [dreg:s13], $0xAFFFF;
	_ =	strace $0x90000046  }
0xbd: {  	s29 =	simm.s32 $0x9;
	_ =	strace $0x80000048  }
0xbe: {  	_ =	swait.ge [sflag:s29], $0x1  }
0xbf: {  	[sflag:s29] =	ssyncadd.s32 $0xFFFFFFFF  }
0xc0: {  	_ =	strace $0x90000048  }
0xc1: {  	_ =	sfence  }
0xc2: {  	s30 =	sld [smem:$0x0];
	_ =	sdelay $0x2  }
0xc3: {  	s31 =	sshll.u32 s1, $0xD;
	s1 =	sshrl.u32 s1, $0x2  }
0xc4: {  	s3 =	sand.u32 $0x4000, s31;
	s1 =	sadd.s32 s1, s30  }
0xc5: {  	s0 =	sor.u32 s3, s0;
	s1 =	sshll.u32 s1, $0x11  }
0xc6: {  	s0 =	sor.u32 s1, s0  }
0xc7: {  	s0 =	sadd.s32 $0x8F2B, s0  }
0xc8: {  	[sflag:s0] =	ssyncadd.remote.s32 $0x1  }
0xc9: {  	_ =	sfence.sel $0xFFFF  }
0xca: {  	[dreg:$0x0] =	wrdreg $0xFFFFFFFF;
	(pc) =	sbr.abs _section_cstart, $3  }
0xcb: {  	[dreg:$0x1] =	wrdreg $0xFFFFFFFF  }
0xcc: {  	_ =	task.clear_ibuf [dreg:s13], $0x2FFFF;
	_ =	strace $0x9FFFFFFF  }
0xcd: {  	(tm) =	ssettm $0x7FFFFFFF  }
tec
execute0_lowered:
.L_overlay_start_1:
0x0: {  	(tag) =	ssettag $0x1  }
0x1: {  	s0 =	rddreg [dreg:$0x0]  }
0x2: {  	s3 =	rddreg [dreg:$0x1]  }
0x3: {  	s1 =	rddreg [dreg:$0x2]  }
0x4: {  	s2 =	rddreg [dreg:$0x3]  }
0x5: {  	s4 =	rddreg [dreg:$0x6];
	s9 =	simm.s32 $0x0;
	s5 =	srdreg.scid  }
0x6: {  	s7 =	stileid.u32;
	s11 =	simm.s32 $0x400;
	s14 =	simm.s32 $0x7A1400  }
0x7: {  	s29 =	simm.s32 $0xA00;
	s31 =	simm.s32 $0x8A00;
	s16 =	simm.s32 $0x2A00  }
0x8: {  	s17 =	simm.s32 $0xAA00;
	s18 =	simm.s32 $0x3A00;
	s19 =	simm.s32 $0xBA00;
	vm1 =	vmmov $0x3;
	v3 =	vimm.s32 $0x0  }
0x9: {  	vm4 =	vmmov $0x1;
	v0 =	vlaneseq.u32;
	s20 =	simm.s32 $0x4A00;
	s21 =	simm.s32 $0xCA00;
	[smem:$0x7FF] =	sst s9;
	v3 =	vsel vm1, $0xFFFFFFFF, v3  }
0xa: {  	vm7 =	vcmask $0x1B20;
	s22 =	simm.s32 $0x5A00;
	s23 =	simm.s32 $0xDA00;
	vm1 =	vmmov $0x7;
	_ =	strace $0x80000047;
	[tilespmem:$0x1FFB0] =	vst v3;
	v3 =	vimm.s32 $0x0  }
0xb: {  	vm8 =	vcmask $0x1F24;
	vm9 =	vcmask $0x2328;
	s24 =	simm.s32 $0x6A00;
	s28 =	simm.s32 $0x7A00;
	s5 =	sand.u32 $0x1, s5;
	v3 =	vsel vm1, $0xFFFFFFFF, v3  }
0xc: {  	vm10 =	vcmask $0x272C;
	s7 =	sshll.u32 s7, $0x7;
	s6 =	ssub.s32 $0x2, s5;
	s5 =	sshll.u32 s5, $0x6;
	vm1 =	vmmov $0xf;
	[tilespmem:$0x1FFC0] =	vst v3;
	v3 =	vimm.s32 $0x0  }
0xd: {  	vm12 =	vcmask $0x2B30;
	vm14 =	vcmask $0x2F34;
	s8 =	sshrl.u32 s6, $0x1;
	s5 =	sor.u32 s5, s7;
	s7 =	simm.s32 $0x4;
	v3 =	vsel vm1, $0xFFFFFFFF, v3  }
0xe: {  	vm3 =	vcmask $0x373C;
	s6 =	ssub.s32 s6, s8;
	s0 =	sadd.s32 s0, s5;
	s25 =	sadd.s32 s3, s5;
	vm1 =	vmmov $0x1f;
	[tilespmem:$0x1FFD0] =	vst v3;
	v3 =	vimm.s32 $0x0  }
0xf: {  	vm5 =	vcmask $0x2724;
	vm6 =	vcmask $0x2B28;
	s26 =	sadd.s32 s4, s5;
	s8 =	simm.s32 $0x9A00;
	[dreg:$0x8] =	wrdreg s0;
	v3 =	vsel vm1, $0xFFFFFFFF, v3  }
0x10: {  	vm0 =	vcmask $0x2F2C;
	v1 =	vmul.u32 $0x80, v0;
	s5 =	simm.s32 $0x1;
	s3 =	simm.s32 $0x2;
	[dreg:$0x9] =	wrdreg s25;
	[tilespmem:$0x1FFE0] =	vst v3;
	v3 =	vimm.s32 $0x0  }
0x11: {  	vm15 =	vcmask $0x3330;
	vm11 =	vcmask $0x3734;
	[dreg:$0xa] =	wrdreg s26;
	s30 =	smax.u32 s6, $0x1;
	s0 =	simm.s32 $0x1A00;
	v3 =	vsel vm4, $0xFFFFFFFF, v3  }
0x12: {  	vm13 =	vcmask $0x3B38;
	v2 =	vor.u32 $0x800, v1;
	s25 =	simm.s32 $0xEA00;
	s6 =	simm.s32 $0x0;
	[dreg:$0xb] =	wrdreg s30;
	vm1 =	vcmask $0x3338;
	[tilespmem:$0x1FFF0] =	vst v3  }
.LBB2_1:
0x13: {  	[dreg:$0xc] =	wrdreg s6  }
0x14: {  	s4 =	rddreg [dreg:$0x8]  }
0x15: {  	[tilespmem:s9], [sflag:$0x4] =	stream.linear.gather [hbm4b:s4+s9], $0x200, $0x38;
	[tilespmem:$0x10A00] =	vst v63  }
0x16: {  	_ =	swait.ge [sflag:s7], $0x200  }
0x17: {  	[sflag:s7] =	ssyncset.done $0x0  }
0x18: {  	s4 =	simm.s32 $0x200;
	s26 =	rddreg [dreg:$0x9];
	[sflag:s7] =	ssyncadd.s32 $0xFFFFFE00  }
0x19: {  	[tilespmem:s4], [sflag:$0x4] =	stream.linear.gather [hbm4b:s26+s9], $0x200, $0x38;
	[tilespmem:$0x10A00] =	vst v63  }
0x1a: {  	_ =	swait.ge [sflag:s7], $0x200  }
0x1b: {  	[sflag:s7] =	ssyncset.done $0x0  }
0x1c: {  	[sflag:s7] =	ssyncadd.s32 $0xFFFFFE00  }
0x1d: {  	s7 =	rddreg [dreg:$0x4]  }
0x1e: {  	[tilespmem:s11], [sflag:$0x3] =	stream.indirect.gather [hbm4b:s7+s4], $0x1, s9, s4, $0xb8;
	[tilespmem:$0x10A00] =	vst v63  }
0x1f: {  	s12 =	simm.s32 $0x600;
	s10 =	rddreg [dreg:$0x5]  }
0x20: {  	[tilespmem:s12], [sflag:$0x3] =	stream.indirect.gather [hbm4b:s10+s4], $0x1, s4, s4, $0xb8;
	[tilespmem:$0x10A00] =	vst v63  }
0x21: {  	v3 =	vld [tilespmem:$0x0]  }
0x22: {  	v4 =	vld [tilespmem:$0x200];
	_ =	sdelay $0x3  }
0x23: {  	v3 =	vnsel vm4, $0x0, v3  }
0x24: {  	(xrf0) =	vadd.scan.msk.s32 $0xffff, v3;
	v3 =	vnsel vm4, $0x0, v4  }
0x25: {  	(xrf0) =	vadd.scan.msk.s32 $0xffff, v3;
	_ =	sdelay $0x4  }
0x26: {  	v3, _, _ =	vpop (xrf0)  }
0x27: {  	(v2sf) =	vpush v3, $0xF;
	v3, _, _ =	vpop (xrf0)  }
0x28: {  	(v2sf) =	vpush v3, $0xF;
	_ =	sdelay $0xd  }
0x29: {  	s10 =	spop (v2sf)  }
0x2a: {  	s13 =	sand.u32 $0xFFFFF80, s10;
	s6 =	spop (v2sf)  }
0x2b: {  	s7 =	sadd.s32 s1, s13;
	s15 =	sand.u32 $0xFFFFF80, s6  }
0x2c: {  	[tilespmem:s29], [sflag:$0x1] =	stream.strided.gather [hbm4b:s7+s11], $0x1000, s14, s11, $0x38;
	[tilespmem:$0x10A00] =	vst v63  }
0x2d: {  	s7 =	sadd.s32 s2, s15  }
0x2e: {  	[tilespmem:s31], [sflag:$0x2] =	stream.strided.gather [hbm4b:s7+s11], $0x1000, s14, s11, $0x38;
	[tilespmem:$0x10A00] =	vst v63  }
0x2f: {  	v3 =	vld [tilespmem:$0x0];
	_ =	sdelay $0x1  }
0x30: {  	v58 =	vld [tilespmem:$0x200];
	_ =	sdelay $0x1  }
0x31: {  	vm4 =	vcmask $0x308  }
0x32: {  	v3 =	vsel vm4, $0x0, v3  }
0x33: {  	(xrf0) =	vadd.scan.msk.s32 $0xffff, v3  }
0x34: {  	v3 =	vsel vm4, $0x0, v58  }
0x35: {  	(xrf0) =	vadd.scan.msk.s32 $0xffff, v3;
	_ =	sdelay $0x3  }
0x36: {  	v3, _, _ =	vpop (xrf0)  }
0x37: {  	(v2sf) =	vpush v3, $0xF  }
0x38: {  	v3, _, _ =	vpop (xrf0)  }
0x39: {  	(v2sf) =	vpush v3, $0xF;
	_ =	sdelay $0xc  }
0x3a: {  	s12 =	spop (v2sf)  }
0x3b: {  	s26 =	sand.u32 $0xFFFFF80, s12  }
0x3c: {  	s30 =	spop (v2sf);
	s7 =	sadd.s32 s1, s26  }
0x3d: {  	[tilespmem:s0], [sflag:$0x1] =	stream.strided.gather [hbm4b:s7+s11], $0x1000, s14, s11, $0x38;
	[tilespmem:$0x10A00] =	vst v63  }
0x3e: {  	s0 =	sand.u32 $0xFFFFF80, s30  }
0x3f: {  	s7 =	sadd.s32 s2, s0  }
0x40: {  	[tilespmem:s8], [sflag:$0x2] =	stream.strided.gather [hbm4b:s7+s11], $0x1000, s14, s11, $0x38;
	[tilespmem:$0x10A00] =	vst v63  }
0x41: {  	v3 =	vld [tilespmem:$0x0]  }
0x42: {  	v59 =	vld [tilespmem:$0x200];
	_ =	sdelay $0x2  }
0x43: {  	vm4 =	vcmask $0x70C  }
0x44: {  	v3 =	vsel vm4, $0x0, v3  }
0x45: {  	(xrf0) =	vadd.scan.msk.s32 $0xffff, v3;
	v3 =	vsel vm4, $0x0, v59  }
0x46: {  	(xrf0) =	vadd.scan.msk.s32 $0xffff, v3;
	_ =	sdelay $0x4  }
0x47: {  	v3, _, _ =	vpop (xrf0)  }
0x48: {  	(v2sf) =	vpush v3, $0xF;
	v3, _, _ =	vpop (xrf0)  }
0x49: {  	(v2sf) =	vpush v3, $0xF;
	_ =	sdelay $0xd  }
0x4a: {  	s15 =	spop (v2sf)  }
0x4b: {  	s9 =	sand.u32 $0xFFFFF80, s15;
	s13 =	spop (v2sf)  }
0x4c: {  	s7 =	sadd.s32 s1, s9;
	s26 =	sand.u32 $0xFFFFF80, s13  }
0x4d: {  	[tilespmem:s16], [sflag:$0x1] =	stream.strided.gather [hbm4b:s7+s11], $0x1000, s14, s11, $0x38;
	[tilespmem:$0x10A00] =	vst v63  }
0x4e: {  	s7 =	sadd.s32 s2, s26  }
0x4f: {  	[tilespmem:s17], [sflag:$0x2] =	stream.strided.gather [hbm4b:s7+s11], $0x1000, s14, s11, $0x38;
	[tilespmem:$0x10A00] =	vst v63  }
0x50: {  	v3 =	vld [tilespmem:$0x0]  }
0x51: {  	v60 =	vld [tilespmem:$0x200];
	_ =	sdelay $0x2  }
0x52: {  	vm4 =	vcmask $0xB10  }
0x53: {  	v3 =	vsel vm4, $0x0, v3  }
0x54: {  	(xrf0) =	vadd.scan.msk.s32 $0xffff, v3;
	v3 =	vsel vm4, $0x0, v60  }
0x55: {  	(xrf0) =	vadd.scan.msk.s32 $0xffff, v3;
	_ =	sdelay $0x4  }
0x56: {  	v3, _, _ =	vpop (xrf0)  }
0x57: {  	(v2sf) =	vpush v3, $0xF;
	v3, _, _ =	vpop (xrf0)  }
0x58: {  	(v2sf) =	vpush v3, $0xF;
	_ =	sdelay $0xd  }
0x59: {  	s17 =	spop (v2sf)  }
0x5a: {  	s0 =	sand.u32 $0xFFFFF80, s17;
	s16 =	spop (v2sf)  }
0x5b: {  	s7 =	sadd.s32 s1, s0;
	s8 =	sand.u32 $0xFFFFF80, s16  }
0x5c: {  	[tilespmem:s18], [sflag:$0x1] =	stream.strided.gather [hbm4b:s7+s11], $0x1000, s14, s11, $0x38;
	[tilespmem:$0x10A00] =	vst v63  }
0x5d: {  	s7 =	sadd.s32 s2, s8  }
0x5e: {  	[tilespmem:s19], [sflag:$0x2] =	stream.strided.gather [hbm4b:s7+s11], $0x1000, s14, s11, $0x38;
	[tilespmem:$0x10A00] =	vst v63  }
0x5f: {  	v3 =	vld [tilespmem:$0x0]  }
0x60: {  	v61 =	vld [tilespmem:$0x200];
	_ =	sdelay $0x2  }
0x61: {  	vm4 =	vcmask $0xF14  }
0x62: {  	v3 =	vsel vm4, $0x0, v3  }
0x63: {  	(xrf0) =	vadd.scan.msk.s32 $0xffff, v3;
	v3 =	vsel vm4, $0x0, v61  }
0x64: {  	(xrf0) =	vadd.scan.msk.s32 $0xffff, v3;
	_ =	sdelay $0x4  }
0x65: {  	v3, _, _ =	vpop (xrf0)  }
0x66: {  	(v2sf) =	vpush v3, $0xF;
	v3, _, _ =	vpop (xrf0)  }
0x67: {  	(v2sf) =	vpush v3, $0xF;
	_ =	sdelay $0xd  }
0x68: {  	s19 =	spop (v2sf)  }
0x69: {  	s9 =	sand.u32 $0xFFFFF80, s19;
	s18 =	spop (v2sf)  }
0x6a: {  	s7 =	sadd.s32 s1, s9;
	s26 =	sand.u32 $0xFFFFF80, s18  }
0x6b: {  	[tilespmem:s20], [sflag:$0x1] =	stream.strided.gather [hbm4b:s7+s11], $0x1000, s14, s11, $0x38;
	[tilespmem:$0x10A00] =	vst v63  }
0x6c: {  	s7 =	sadd.s32 s2, s26  }
0x6d: {  	[tilespmem:s21], [sflag:$0x2] =	stream.strided.gather [hbm4b:s7+s11], $0x1000, s14, s11, $0x38;
	[tilespmem:$0x10A00] =	vst v63  }
0x6e: {  	v3 =	vld [tilespmem:$0x0]  }
0x6f: {  	v62 =	vld [tilespmem:$0x200];
	_ =	sdelay $0x2  }
0x70: {  	vm4 =	vcmask $0x1318  }
0x71: {  	v3 =	vsel vm4, $0x0, v3  }
0x72: {  	(xrf0) =	vadd.scan.msk.s32 $0xffff, v3;
	v3 =	vsel vm4, $0x0, v62  }
0x73: {  	(xrf0) =	vadd.scan.msk.s32 $0xffff, v3;
	_ =	sdelay $0x4  }
0x74: {  	v3, _, _ =	vpop (xrf0)  }
0x75: {  	(v2sf) =	vpush v3, $0xF;
	v3, _, _ =	vpop (xrf0)  }
0x76: {  	(v2sf) =	vpush v3, $0xF;
	_ =	sdelay $0xd  }
0x77: {  	s21 =	spop (v2sf)  }
0x78: {  	s0 =	sand.u32 $0xFFFFF80, s21;
	s20 =	spop (v2sf)  }
0x79: {  	s7 =	sadd.s32 s1, s0;
	s8 =	sand.u32 $0xFFFFF80, s20  }
0x7a: {  	[tilespmem:s22], [sflag:$0x1] =	stream.strided.gather [hbm4b:s7+s11], $0x1000, s14, s11, $0x38;
	[tilespmem:$0x10A00] =	vst v63  }
0x7b: {  	s7 =	sadd.s32 s2, s8  }
0x7c: {  	[tilespmem:s23], [sflag:$0x2] =	stream.strided.gather [hbm4b:s7+s11], $0x1000, s14, s11, $0x38;
	[tilespmem:$0x10A00] =	vst v63  }
0x7d: {  	v3 =	vld [tilespmem:$0x0];
	_ =	sdelay $0x1  }
0x7e: {  	v63 =	vld [tilespmem:$0x200];
	_ =	sdelay $0x1  }
0x7f: {  	vm4 =	vcmask $0x171C  }
0x80: {  	v3 =	vsel vm4, $0x0, v3  }
0x81: {  	(xrf0) =	vadd.scan.msk.s32 $0xffff, v3  }
0x82: {  	v3 =	vsel vm4, $0x0, v63  }
0x83: {  	(xrf0) =	vadd.scan.msk.s32 $0xffff, v3;
	_ =	sdelay $0x3  }
0x84: {  	v3, _, _ =	vpop (xrf0)  }
0x85: {  	(v2sf) =	vpush v3, $0xF  }
0x86: {  	v3, _, _ =	vpop (xrf0)  }
0x87: {  	(v2sf) =	vpush v3, $0xF;
	_ =	sdelay $0xc  }
0x88: {  	s23 =	spop (v2sf)  }
0x89: {  	s9 =	sand.u32 $0xFFFFF80, s23  }
0x8a: {  	s22 =	spop (v2sf);
	s7 =	sadd.s32 s1, s9  }
0x8b: {  	[tilespmem:s24], [sflag:$0x1] =	stream.strided.gather [hbm4b:s7+s11], $0x1000, s14, s11, $0x38;
	[tilespmem:$0x10A00] =	vst v63  }
0x8c: {  	s24 =	sand.u32 $0xFFFFF80, s22  }
0x8d: {  	s26 =	simm.s32 $0x3;
	s7 =	sadd.s32 s2, s24  }
0x8e: {  	[tilespmem:s25], [sflag:$0x2] =	stream.strided.gather [hbm4b:s7+s11], $0x1000, s14, s11, $0x38;
	[tilespmem:$0x10A00] =	vst v63  }
0x8f: {  	_ =	swait.ge [sflag:s26], $0x200  }
0x90: {  	[sflag:s26] =	ssyncset.done $0x0  }
0x91: {  	[sflag:s26] =	ssyncadd.s32 $0xFFFFFE00  }
0x92: {  	_ =	swait.ge [sflag:s26], $0x200  }
0x93: {  	s0 =	simm.s32 $0x800;
	[sflag:s26] =	ssyncset.done $0x0  }
0x94: {  	s8 =	simm.s32 $0x0;
	s9 =	simm.s32 $0x0;
	[sflag:s26] =	ssyncadd.s32 $0xFFFFFE00  }
.LBB2_2:
0x95: {  	v3 =	vld [tilespmem:s8+$0x0]  }
0x96: {  	v4 =	vld [tilespmem:s4+$0x0];
	_ =	sdelay $0x3  }
0x97: {  	v3 =	vsel vm7, $0x0, v3  }
0x98: {  	(xrf0) =	vadd.scan.msk.s32 $0xffff, v3;
	v3 =	vsel vm7, $0x0, v4  }
0x99: {  	(xrf0) =	vadd.scan.msk.s32 $0xffff, v3;
	_ =	sdelay $0x4  }
0x9a: {  	v3, _, _ =	vpop (xrf0)  }
0x9b: {  	(v2sf) =	vpush v3, $0xF;
	v3, _, _ =	vpop (xrf0)  }
0x9c: {  	(v2sf) =	vpush v3, $0xF;
	_ =	sdelay $0xd  }
0x9d: {  	s25 =	spop (v2sf)  }
0x9e: {  	s26 =	sand.u32 $0xFFFFF80, s25;
	s24 =	spop (v2sf)  }
0x9f: {  	[dreg:$0xd] =	wrdreg s0;
	s26 =	sadd.s32 s1, s26;
	s0 =	sand.u32 $0xFFFFF80, s24  }
0xa0: {  	[tilespmem:s28], [sflag:$0x1] =	stream.strided.gather [hbm4b:s26+s11], $0x1000, s14, s11, $0x38;
	[tilespmem:$0x10A00] =	vst v63  }
0xa1: {  	s7 =	simm.s32 $0xFA00;
	s26 =	sadd.s32 s2, s0  }
0xa2: {  	[tilespmem:s7], [sflag:$0x2] =	stream.strided.gather [hbm4b:s26+s11], $0x1000, s14, s11, $0x38;
	[tilespmem:$0x10A00] =	vst v63  }
0xa3: {  	_ =	swait.ge [sflag:s5], $0x1000  }
0xa4: {  	[sflag:s5] =	ssyncset.done $0x0  }
0xa5: {  	[sflag:s5] =	ssyncadd.s32 $0xFFFFF000  }
0xa6: {  	_ =	swait.ge [sflag:s3], $0x1000  }
0xa7: {  	[sflag:s3] =	ssyncset.done $0x0  }
0xa8: {  	[sflag:s3] =	ssyncadd.s32 $0xFFFFF000  }
0xa9: {  	v3 =	vld [tilespmem:s8+$0x0]  }
0xaa: {  	v8 =	vld [tilespmem:s4+$0x0];
	_ =	sdelay $0x3  }
0xab: {  	s10 =	sand.u32 $0x7F, s10;
	v3 =	vsel vm8, $0x0, v3  }
0xac: {  	s6 =	sand.u32 $0x7F, s6;
	v5 =	vor.u32 s10, v2;
	v4 =	vsel vm8, $0x0, v8;
	(xrf0) =	vadd.scan.msk.s32 $0xffff, v3  }
0xad: {  	v6 =	vor.u32 s6, v2;
	(xrf0) =	vadd.scan.msk.s32 $0xffff, v4  }
0xae: {  	v9 =	vor.u32 s6, v1  }
0xaf: {  	v3 =	vor.u32 s10, v1;
	_ =	sdelay $0x1  }
0xb0: {  	v5 =	vld.idx.msk [tilespmem:v5+s29+$0x0], $0xffff  }
0xb1: {  	v6 =	vld.idx.msk [tilespmem:v6+s31+$0x0], $0xffff;
	v7, _, _ =	vpop (xrf0)  }
0xb2: {  	v4 =	vld.idx.msk [tilespmem:v9+s31+$0x0], $0xffff;
	(v2sf) =	vpush v7, $0xF;
	v10, _, _ =	vpop (xrf0)  }
0xb3: {  	v3 =	vld.idx.msk [tilespmem:v3+s29+$0x0], $0xffff;
	(v2sf) =	vpush v10, $0xF;
	_ =	sdelay $0x4  }
0xb4: {  	v11 =	vmul.f32 v6, v5;
	v3 =	vmul.f32 v4, v3;
	_ =	sdelay $0x1  }
0xb5: {  	v3 =	vadd.f32 v11, v3;
	_ =	sdelay $0x1  }
0xb6: {  	(xrf2) =	vadd.scan.msk.f32 $0xffff, v3;
	_ =	sdelay $0x4  }
0xb7: {  	s10 =	spop (v2sf)  }
0xb8: {  	s7 =	sand.u32 $0xFFFFF80, s10;
	s6 =	spop (v2sf)  }
0xb9: {  	s26 =	sadd.s32 s1, s7;
	s0 =	sand.u32 $0xFFFFF80, s6  }
0xba: {  	[tilespmem:s29], [sflag:$0x1] =	stream.strided.gather [hbm4b:s26+s11], $0x1000, s14, s11, $0x38;
	[tilespmem:$0x10A00] =	vst v63  }
0xbb: {  	s26 =	sadd.s32 s2, s0  }
0xbc: {  	v3, _, _ =	vpop (xrf2);
	[tilespmem:s31], [sflag:$0x2] =	stream.strided.gather [hbm4b:s26+s11], $0x1000, s14, s11, $0x38;
	[tilespmem:$0x10A00] =	vst v63  }
0xbd: {  	_ =	swait.ge [sflag:s5], $0x1000  }
0xbe: {  	[sflag:s5] =	ssyncset.done $0x0  }
0xbf: {  	[sflag:s5] =	ssyncadd.s32 $0xFFFFF000  }
0xc0: {  	_ =	swait.ge [sflag:s3], $0x1000  }
0xc1: {  	[sflag:s3] =	ssyncset.done $0x0  }
0xc2: {  	[sflag:s3] =	ssyncadd.s32 $0xFFFFF000  }
0xc3: {  	v12 =	vld [tilespmem:s8+$0x0];
	_ =	sdelay $0x1  }
0xc4: {  	v13 =	vld [tilespmem:s4+$0x0];
	_ =	sdelay $0x2  }
0xc5: {  	v4 =	vsel vm9, $0x0, v12  }
0xc6: {  	s12 =	sand.u32 $0x7F, s12;
	(xrf0) =	vadd.scan.msk.s32 $0xffff, v4  }
0xc7: {  	v15 =	vor.u32 s12, v2;
	s7 =	sand.u32 $0x7F, s30;
	v5 =	vsel vm9, $0x0, v13  }
0xc8: {  	v17 =	vor.u32 s7, v2;
	(xrf0) =	vadd.scan.msk.s32 $0xffff, v5  }
0xc9: {  	v14 =	vor.u32 s12, v1  }
0xca: {  	v16 =	vor.u32 s7, v1  }
0xcb: {  	s12 =	simm.s32 $0x1A00  }
0xcc: {  	s26 =	simm.s32 $0x9A00;
	v6 =	vld.idx.msk [tilespmem:v15+s12+$0x0], $0xffff;
	v8, _, _ =	vpop (xrf0)  }
0xcd: {  	v7 =	vld.idx.msk [tilespmem:v17+s26+$0x0], $0xffff;
	(v2sf) =	vpush v8, $0xF  }
0xce: {  	v4 =	vld.idx.msk [tilespmem:v14+s12+$0x0], $0xffff;
	v18, _, _ =	vpop (xrf0)  }
0xcf: {  	v5 =	vld.idx.msk [tilespmem:v16+s26+$0x0], $0xffff;
	(v2sf) =	vpush v18, $0xF;
	_ =	sdelay $0x4  }
0xd0: {  	v19 =	vmul.f32 v7, v6;
	v4 =	vmul.f32 v5, v4;
	_ =	sdelay $0x1  }
0xd1: {  	v4 =	vadd.f32 v19, v4;
	_ =	sdelay $0x1  }
0xd2: {  	(xrf2) =	vadd.scan.msk.f32 $0xffff, v4;
	_ =	sdelay $0x3  }
0xd3: {  	s30 =	spop (v2sf)  }
0xd4: {  	s26 =	sand.u32 $0xFFFFF80, s30  }
0xd5: {  	s7 =	simm.s32 $0x1A00;
	s12 =	spop (v2sf);
	s26 =	sadd.s32 s1, s26  }
0xd6: {  	[tilespmem:s7], [sflag:$0x1] =	stream.strided.gather [hbm4b:s26+s11], $0x1000, s14, s11, $0x38;
	[tilespmem:$0x10A00] =	vst v63  }
0xd7: {  	s7 =	sand.u32 $0xFFFFF80, s12  }
0xd8: {  	s0 =	simm.s32 $0x9A00;
	s26 =	sadd.s32 s2, s7  }
0xd9: {  	v4, _, _ =	vpop (xrf2);
	[tilespmem:s0], [sflag:$0x2] =	stream.strided.gather [hbm4b:s26+s11], $0x1000, s14, s11, $0x38;
	[tilespmem:$0x10A00] =	vst v63  }
0xda: {  	_ =	swait.ge [sflag:s5], $0x1000  }
0xdb: {  	[sflag:s5] =	ssyncset.done $0x0  }
0xdc: {  	[sflag:s5] =	ssyncadd.s32 $0xFFFFF000  }
0xdd: {  	_ =	swait.ge [sflag:s3], $0x1000  }
0xde: {  	[sflag:s3] =	ssyncset.done $0x0  }
0xdf: {  	[sflag:s3] =	ssyncadd.s32 $0xFFFFF000  }
0xe0: {  	v20 =	vld [tilespmem:s8+$0x0];
	_ =	sdelay $0x1  }
0xe1: {  	v21 =	vld [tilespmem:s4+$0x0];
	_ =	sdelay $0x2  }
0xe2: {  	v5 =	vsel vm10, $0x0, v20  }
0xe3: {  	s15 =	sand.u32 $0x7F, s15;
	(xrf0) =	vadd.scan.msk.s32 $0xffff, v5  }
0xe4: {  	s13 =	sand.u32 $0x7F, s13;
	v23 =	vor.u32 s15, v2;
	v6 =	vsel vm10, $0x0, v21  }
0xe5: {  	v25 =	vor.u32 s13, v2;
	(xrf0) =	vadd.scan.msk.s32 $0xffff, v6  }
0xe6: {  	v22 =	vor.u32 s15, v1  }
0xe7: {  	v24 =	vor.u32 s13, v1  }
0xe8: {  	s15 =	simm.s32 $0x2A00  }
0xe9: {  	s26 =	simm.s32 $0xAA00;
	v7 =	vld.idx.msk [tilespmem:v23+s15+$0x0], $0xffff;
	v9, _, _ =	vpop (xrf0)  }
0xea: {  	v8 =	vld.idx.msk [tilespmem:v25+s26+$0x0], $0xffff;
	(v2sf) =	vpush v9, $0xF  }
0xeb: {  	v5 =	vld.idx.msk [tilespmem:v22+s15+$0x0], $0xffff;
	v26, _, _ =	vpop (xrf0)  }
0xec: {  	v6 =	vld.idx.msk [tilespmem:v24+s26+$0x0], $0xffff;
	(v2sf) =	vpush v26, $0xF;
	_ =	sdelay $0x4  }
0xed: {  	v27 =	vmul.f32 v8, v7;
	v5 =	vmul.f32 v6, v5;
	_ =	sdelay $0x1  }
0xee: {  	v5 =	vadd.f32 v27, v5;
	_ =	sdelay $0x1  }
0xef: {  	(xrf2) =	vadd.scan.msk.f32 $0xffff, v5;
	_ =	sdelay $0x3  }
0xf0: {  	s15 =	spop (v2sf)  }
0xf1: {  	s26 =	sand.u32 $0xFFFFF80, s15  }
0xf2: {  	s7 =	simm.s32 $0x2A00;
	s13 =	spop (v2sf);
	s26 =	sadd.s32 s1, s26  }
0xf3: {  	[tilespmem:s7], [sflag:$0x1] =	stream.strided.gather [hbm4b:s26+s11], $0x1000, s14, s11, $0x38;
	[tilespmem:$0x10A00] =	vst v63  }
0xf4: {  	s7 =	sand.u32 $0xFFFFF80, s13  }
0xf5: {  	s0 =	simm.s32 $0xAA00;
	s26 =	sadd.s32 s2, s7  }
0xf6: {  	v5, _, _ =	vpop (xrf2);
	[tilespmem:s0], [sflag:$0x2] =	stream.strided.gather [hbm4b:s26+s11], $0x1000, s14, s11, $0x38;
	[tilespmem:$0x10A00] =	vst v63  }
0xf7: {  	_ =	swait.ge [sflag:s5], $0x1000  }
0xf8: {  	[sflag:s5] =	ssyncset.done $0x0  }
0xf9: {  	[sflag:s5] =	ssyncadd.s32 $0xFFFFF000  }
0xfa: {  	_ =	swait.ge [sflag:s3], $0x1000  }
0xfb: {  	[sflag:s3] =	ssyncset.done $0x0  }
0xfc: {  	[sflag:s3] =	ssyncadd.s32 $0xFFFFF000  }
0xfd: {  	v28 =	vld [tilespmem:s8+$0x0];
	_ =	sdelay $0x1  }
0xfe: {  	v29 =	vld [tilespmem:s4+$0x0];
	_ =	sdelay $0x2  }
0xff: {  	v6 =	vsel vm12, $0x0, v28  }
0x100: {  	s17 =	sand.u32 $0x7F, s17;
	(xrf0) =	vadd.scan.msk.s32 $0xffff, v6  }
0x101: {  	s16 =	sand.u32 $0x7F, s16;
	v31 =	vor.u32 s17, v2;
	v7 =	vsel vm12, $0x0, v29  }
0x102: {  	v33 =	vor.u32 s16, v2;
	(xrf0) =	vadd.scan.msk.s32 $0xffff, v7  }
0x103: {  	v30 =	vor.u32 s17, v1  }
0x104: {  	v32 =	vor.u32 s16, v1  }
0x105: {  	s17 =	simm.s32 $0x3A00  }
0x106: {  	s26 =	simm.s32 $0xBA00;
	v8 =	vld.idx.msk [tilespmem:v31+s17+$0x0], $0xffff;
	v10, _, _ =	vpop (xrf0)  }
0x107: {  	v9 =	vld.idx.msk [tilespmem:v33+s26+$0x0], $0xffff;
	(v2sf) =	vpush v10, $0xF  }
0x108: {  	v6 =	vld.idx.msk [tilespmem:v30+s17+$0x0], $0xffff;
	v34, _, _ =	vpop (xrf0)  }
0x109: {  	v7 =	vld.idx.msk [tilespmem:v32+s26+$0x0], $0xffff;
	(v2sf) =	vpush v34, $0xF;
	_ =	sdelay $0x4  }
0x10a: {  	v35 =	vmul.f32 v9, v8;
	v6 =	vmul.f32 v7, v6;
	_ =	sdelay $0x1  }
0x10b: {  	v6 =	vadd.f32 v35, v6;
	_ =	sdelay $0x1  }
0x10c: {  	(xrf2) =	vadd.scan.msk.f32 $0xffff, v6;
	_ =	sdelay $0x3  }
0x10d: {  	s17 =	spop (v2sf)  }
0x10e: {  	s26 =	sand.u32 $0xFFFFF80, s17  }
0x10f: {  	s7 =	simm.s32 $0x3A00;
	s16 =	spop (v2sf);
	s26 =	sadd.s32 s1, s26  }
0x110: {  	[tilespmem:s7], [sflag:$0x1] =	stream.strided.gather [hbm4b:s26+s11], $0x1000, s14, s11, $0x38;
	[tilespmem:$0x10A00] =	vst v63  }
0x111: {  	s7 =	sand.u32 $0xFFFFF80, s16  }
0x112: {  	s0 =	simm.s32 $0xBA00;
	s26 =	sadd.s32 s2, s7  }
0x113: {  	v6, _, _ =	vpop (xrf2);
	[tilespmem:s0], [sflag:$0x2] =	stream.strided.gather [hbm4b:s26+s11], $0x1000, s14, s11, $0x38;
	[tilespmem:$0x10A00] =	vst v63  }
0x114: {  	_ =	swait.ge [sflag:s5], $0x1000  }
0x115: {  	[sflag:s5] =	ssyncset.done $0x0  }
0x116: {  	[sflag:s5] =	ssyncadd.s32 $0xFFFFF000  }
0x117: {  	_ =	swait.ge [sflag:s3], $0x1000  }
0x118: {  	[sflag:s3] =	ssyncset.done $0x0  }
0x119: {  	[sflag:s3] =	ssyncadd.s32 $0xFFFFF000  }
0x11a: {  	v36 =	vld [tilespmem:s8+$0x0];
	_ =	sdelay $0x1  }
0x11b: {  	v37 =	vld [tilespmem:s4+$0x0];
	_ =	sdelay $0x2  }
0x11c: {  	v7 =	vsel vm14, $0x0, v36  }
0x11d: {  	s19 =	sand.u32 $0x7F, s19;
	(xrf0) =	vadd.scan.msk.s32 $0xffff, v7  }
0x11e: {  	s18 =	sand.u32 $0x7F, s18;
	v39 =	vor.u32 s19, v2;
	v8 =	vsel vm14, $0x0, v37  }
0x11f: {  	v41 =	vor.u32 s18, v2;
	(xrf0) =	vadd.scan.msk.s32 $0xffff, v8  }
0x120: {  	v38 =	vor.u32 s19, v1  }
0x121: {  	v40 =	vor.u32 s18, v1  }
0x122: {  	s19 =	simm.s32 $0x4A00  }
0x123: {  	s26 =	simm.s32 $0xCA00;
	v9 =	vld.idx.msk [tilespmem:v39+s19+$0x0], $0xffff;
	v11, _, _ =	vpop (xrf0)  }
0x124: {  	v10 =	vld.idx.msk [tilespmem:v41+s26+$0x0], $0xffff;
	(v2sf) =	vpush v11, $0xF  }
0x125: {  	v7 =	vld.idx.msk [tilespmem:v38+s19+$0x0], $0xffff;
	v42, _, _ =	vpop (xrf0)  }
0x126: {  	v8 =	vld.idx.msk [tilespmem:v40+s26+$0x0], $0xffff;
	(v2sf) =	vpush v42, $0xF;
	_ =	sdelay $0x4  }
0x127: {  	v43 =	vmul.f32 v10, v9;
	v7 =	vmul.f32 v8, v7;
	_ =	sdelay $0x1  }
0x128: {  	v7 =	vadd.f32 v43, v7;
	_ =	sdelay $0x1  }
0x129: {  	(xrf2) =	vadd.scan.msk.f32 $0xffff, v7;
	_ =	sdelay $0x3  }
0x12a: {  	s19 =	spop (v2sf)  }
0x12b: {  	s26 =	sand.u32 $0xFFFFF80, s19  }
0x12c: {  	s7 =	simm.s32 $0x4A00;
	s18 =	spop (v2sf);
	s26 =	sadd.s32 s1, s26  }
0x12d: {  	[tilespmem:s7], [sflag:$0x1] =	stream.strided.gather [hbm4b:s26+s11], $0x1000, s14, s11, $0x38;
	[tilespmem:$0x10A00] =	vst v63  }
0x12e: {  	s7 =	sand.u32 $0xFFFFF80, s18  }
0x12f: {  	s0 =	simm.s32 $0xCA00;
	s26 =	sadd.s32 s2, s7  }
0x130: {  	v7, _, _ =	vpop (xrf2);
	[tilespmem:s0], [sflag:$0x2] =	stream.strided.gather [hbm4b:s26+s11], $0x1000, s14, s11, $0x38;
	[tilespmem:$0x10A00] =	vst v63  }
0x131: {  	_ =	swait.ge [sflag:s5], $0x1000  }
0x132: {  	[sflag:s5] =	ssyncset.done $0x0  }
0x133: {  	[sflag:s5] =	ssyncadd.s32 $0xFFFFF000  }
0x134: {  	_ =	swait.ge [sflag:s3], $0x1000  }
0x135: {  	[sflag:s3] =	ssyncset.done $0x0  }
0x136: {  	[sflag:s3] =	ssyncadd.s32 $0xFFFFF000  }
0x137: {  	v44 =	vld [tilespmem:s8+$0x0];
	_ =	sdelay $0x1  }
0x138: {  	v45 =	vld [tilespmem:s4+$0x0];
	_ =	sdelay $0x2  }
0x139: {  	v8 =	vsel vm1, $0x0, v44  }
0x13a: {  	s21 =	sand.u32 $0x7F, s21;
	(xrf0) =	vadd.scan.msk.s32 $0xffff, v8  }
0x13b: {  	s20 =	sand.u32 $0x7F, s20;
	v47 =	vor.u32 s21, v2;
	v9 =	vsel vm1, $0x0, v45  }
0x13c: {  	v49 =	vor.u32 s20, v2;
	(xrf0) =	vadd.scan.msk.s32 $0xffff, v9  }
0x13d: {  	v46 =	vor.u32 s21, v1  }
0x13e: {  	v48 =	vor.u32 s20, v1  }
0x13f: {  	s21 =	simm.s32 $0x5A00  }
0x140: {  	s26 =	simm.s32 $0xDA00;
	v10 =	vld.idx.msk [tilespmem:v47+s21+$0x0], $0xffff;
	v12, _, _ =	vpop (xrf0)  }
0x141: {  	v11 =	vld.idx.msk [tilespmem:v49+s26+$0x0], $0xffff;
	(v2sf) =	vpush v12, $0xF  }
0x142: {  	v8 =	vld.idx.msk [tilespmem:v46+s21+$0x0], $0xffff;
	v50, _, _ =	vpop (xrf0)  }
0x143: {  	v9 =	vld.idx.msk [tilespmem:v48+s26+$0x0], $0xffff;
	(v2sf) =	vpush v50, $0xF;
	_ =	sdelay $0x4  }
0x144: {  	v51 =	vmul.f32 v11, v10;
	v8 =	vmul.f32 v9, v8;
	_ =	sdelay $0x1  }
0x145: {  	v8 =	vadd.f32 v51, v8;
	_ =	sdelay $0x1  }
0x146: {  	(xrf2) =	vadd.scan.msk.f32 $0xffff, v8;
	_ =	sdelay $0x3  }
0x147: {  	s21 =	spop (v2sf)  }
0x148: {  	s26 =	sand.u32 $0xFFFFF80, s21  }
0x149: {  	s7 =	simm.s32 $0x5A00;
	s20 =	spop (v2sf);
	s26 =	sadd.s32 s1, s26  }
0x14a: {  	[tilespmem:s7], [sflag:$0x1] =	stream.strided.gather [hbm4b:s26+s11], $0x1000, s14, s11, $0x38;
	[tilespmem:$0x10A00] =	vst v63  }
0x14b: {  	s7 =	sand.u32 $0xFFFFF80, s20  }
0x14c: {  	s0 =	simm.s32 $0xDA00;
	s26 =	sadd.s32 s2, s7  }
0x14d: {  	v8, _, _ =	vpop (xrf2);
	[tilespmem:s0], [sflag:$0x2] =	stream.strided.gather [hbm4b:s26+s11], $0x1000, s14, s11, $0x38;
	[tilespmem:$0x10A00] =	vst v63  }
0x14e: {  	_ =	swait.ge [sflag:s5], $0x1000  }
0x14f: {  	[sflag:s5] =	ssyncset.done $0x0  }
0x150: {  	[sflag:s5] =	ssyncadd.s32 $0xFFFFF000  }
0x151: {  	_ =	swait.ge [sflag:s3], $0x1000  }
0x152: {  	[sflag:s3] =	ssyncset.done $0x0  }
0x153: {  	[sflag:s3] =	ssyncadd.s32 $0xFFFFF000  }
0x154: {  	v52 =	vld [tilespmem:s8+$0x0];
	_ =	sdelay $0x1  }
0x155: {  	v53 =	vld [tilespmem:s4+$0x0];
	_ =	sdelay $0x2  }
0x156: {  	v9 =	vsel vm3, $0x0, v52  }
0x157: {  	s23 =	sand.u32 $0x7F, s23;
	(xrf0) =	vadd.scan.msk.s32 $0xffff, v9  }
0x158: {  	s22 =	sand.u32 $0x7F, s22;
	v55 =	vor.u32 s23, v2;
	v10 =	vsel vm3, $0x0, v53  }
0x159: {  	v57 =	vor.u32 s22, v2;
	(xrf0) =	vadd.scan.msk.s32 $0xffff, v10  }
0x15a: {  	v54 =	vor.u32 s23, v1  }
0x15b: {  	v56 =	vor.u32 s22, v1  }
0x15c: {  	s23 =	simm.s32 $0x6A00  }
0x15d: {  	s26 =	simm.s32 $0xEA00;
	v11 =	vld.idx.msk [tilespmem:v55+s23+$0x0], $0xffff;
	v13, _, _ =	vpop (xrf0)  }
0x15e: {  	v12 =	vld.idx.msk [tilespmem:v57+s26+$0x0], $0xffff;
	(v2sf) =	vpush v13, $0xF  }
0x15f: {  	v9 =	vld.idx.msk [tilespmem:v54+s23+$0x0], $0xffff;
	v58, _, _ =	vpop (xrf0)  }
0x160: {  	v10 =	vld.idx.msk [tilespmem:v56+s26+$0x0], $0xffff;
	(v2sf) =	vpush v58, $0xF;
	_ =	sdelay $0x4  }
0x161: {  	v59 =	vmul.f32 v12, v11;
	v9 =	vmul.f32 v10, v9;
	_ =	sdelay $0x1  }
0x162: {  	v9 =	vadd.f32 v59, v9;
	_ =	sdelay $0x1  }
0x163: {  	(xrf2) =	vadd.scan.msk.f32 $0xffff, v9;
	_ =	sdelay $0x3  }
0x164: {  	s23 =	spop (v2sf)  }
0x165: {  	s26 =	sand.u32 $0xFFFFF80, s23  }
0x166: {  	s0 =	simm.s32 $0x6A00;
	s22 =	spop (v2sf);
	s26 =	sadd.s32 s1, s26  }
0x167: {  	[tilespmem:s0], [sflag:$0x1] =	stream.strided.gather [hbm4b:s26+s11], $0x1000, s14, s11, $0x38;
	[tilespmem:$0x10A00] =	vst v63  }
0x168: {  	s0 =	sand.u32 $0xFFFFF80, s22  }
0x169: {  	s7 =	simm.s32 $0xEA00;
	s26 =	sadd.s32 s2, s0  }
0x16a: {  	v9, _, _ =	vpop (xrf2);
	[tilespmem:s7], [sflag:$0x2] =	stream.strided.gather [hbm4b:s26+s11], $0x1000, s14, s11, $0x38;
	[tilespmem:$0x10A00] =	vst v63  }
0x16b: {  	_ =	swait.ge [sflag:s5], $0x1000  }
0x16c: {  	[sflag:s5] =	ssyncset.done $0x0  }
0x16d: {  	[sflag:s5] =	ssyncadd.s32 $0xFFFFF000  }
0x16e: {  	_ =	swait.ge [sflag:s3], $0x1000  }
0x16f: {  	[sflag:s3] =	ssyncset.done $0x0  }
0x170: {  	[sflag:s3] =	ssyncadd.s32 $0xFFFFF000  }
0x171: {  	v60 =	vld [tilespmem:s8+$0x0]  }
0x172: {  	v61 =	vld [tilespmem:s4+$0x0];
	_ =	sdelay $0x2  }
0x173: {  	vm4 =	vmmov $0x7fff  }
0x174: {  	s25 =	sand.u32 $0x7F, s25;
	v10 =	vsel vm4, $0x0, v60  }
0x175: {  	s24 =	sand.u32 $0x7F, s24;
	v63 =	vor.u32 s25, v2;
	v11 =	vsel vm4, $0x0, v61;
	(xrf0) =	vadd.scan.msk.s32 $0xffff, v10  }
0x176: {  	v17 =	vor.u32 s24, v2;
	(xrf0) =	vadd.scan.msk.s32 $0xffff, v11  }
0x177: {  	v62 =	vor.u32 s25, v1  }
0x178: {  	v16 =	vor.u32 s24, v1;
	_ =	sdelay $0x1  }
0x179: {  	s26 =	simm.s32 $0xFA00;
	v12 =	vld.idx.msk [tilespmem:v63+s28+$0x0], $0xffff  }
0x17a: {  	v13 =	vld.idx.msk [tilespmem:v17+s26+$0x0], $0xffff;
	v14, _, _ =	vpop (xrf0)  }
0x17b: {  	s25 =	simm.s32 $0xFA00;
	v10 =	vld.idx.msk [tilespmem:v62+s28+$0x0], $0xffff;
	(v2sf) =	vpush v14, $0xF;
	v18, _, _ =	vpop (xrf0)  }
0x17c: {  	v11 =	vld.idx.msk [tilespmem:v16+s25+$0x0], $0xffff;
	(v2sf) =	vpush v18, $0xF;
	_ =	sdelay $0x4  }
0x17d: {  	v19 =	vmul.f32 v13, v12;
	v10 =	vmul.f32 v11, v10;
	_ =	sdelay $0x1  }
0x17e: {  	v10 =	vadd.f32 v19, v10;
	_ =	sdelay $0x1  }
0x17f: {  	(xrf2) =	vadd.scan.msk.f32 $0xffff, v10;
	_ =	sdelay $0x4  }
0x180: {  	s24 =	spop (v2sf)  }
0x181: {  	s0 =	sand.u32 $0xFFFFF80, s24;
	s25 =	spop (v2sf)  }
0x182: {  	s26 =	sadd.s32 s1, s0;
	s7 =	sand.u32 $0xFFFFF80, s25  }
0x183: {  	[tilespmem:s28], [sflag:$0x1] =	stream.strided.gather [hbm4b:s26+s11], $0x1000, s14, s11, $0x38;
	[tilespmem:$0x10A00] =	vst v63  }
0x184: {  	s26 =	sadd.s32 s2, s7;
	s28 =	simm.s32 $0xFA00  }
0x185: {  	v10, _, _ =	vpop (xrf2);
	[tilespmem:s28], [sflag:$0x2] =	stream.strided.gather [hbm4b:s26+s11], $0x1000, s14, s11, $0x38;
	[tilespmem:$0x10A00] =	vst v63  }
0x186: {  	_ =	swait.ge [sflag:s5], $0x1000  }
0x187: {  	[sflag:s5] =	ssyncset.done $0x0  }
0x188: {  	[sflag:s5] =	ssyncadd.s32 $0xFFFFF000  }
0x189: {  	s0 =	smin.u32 s9, $0x1EF;
	_ =	swait.ge [sflag:s3], $0x1000  }
0x18a: {  	s28 =	sadd.s32 $0x10, s0;
	[sflag:s3] =	ssyncset.done $0x0  }
0x18b: {  	s28 =	sand.u32 $0x1F0, s28;
	[sflag:s3] =	ssyncadd.s32 $0xFFFFF000  }
0x18c: {  	vm2 =	vmmov vm15;
	vm15 =	vmmov vm13;
	vm13 =	vmmov vm0;
	v20 =	vld [tilespmem:s28+$0x0]  }
0x18d: {  	vm0 =	vmmov vm3;
	vm3 =	vmmov vm1;
	vm1 =	vmmov vm14  }
0x18e: {  	vm14 =	vmmov vm12;
	vm12 =	vmmov vm10;
	vm10 =	vmmov vm9;
	s26 =	sand.u32 $0xF, s0;
	v21 =	vld [tilespmem:s28+$0x200]  }
0x18f: {  	vm9 =	vmmov vm8;
	vm8 =	vmmov vm7;
	v22 =	vmov s26  }
0x190: {  	vm7 =	vmmov vm6;
	vm6 =	vmmov vm5;
	vm5 =	veq.s32 v22, v0  }
0x191: {  	v11 =	vnsel vm5, $0x0, v20  }
0x192: {  	s10 =	sand.u32 $0x7F, s10;
	(xrf0) =	vadd.scan.msk.s32 $0xffff, v11  }
0x193: {  	s6 =	sand.u32 $0x7F, s6;
	v24 =	vor.u32 s10, v1;
	v23 =	vnsel vm5, $0x0, v21  }
0x194: {  	v26 =	vor.u32 s6, v1;
	(xrf0) =	vadd.scan.msk.s32 $0xffff, v23  }
0x195: {  	v27 =	vor.u32 s6, v2  }
0x196: {  	v25 =	vor.u32 s10, v2;
	_ =	sdelay $0x1  }
0x197: {  	v12 =	vld.idx.msk [tilespmem:v24+s29+$0x0], $0xffff;
	v15, _, _ =	vpop (xrf0)  }
0x198: {  	v13 =	vld.idx.msk [tilespmem:v26+s31+$0x0], $0xffff;
	(v2sf) =	vpush v15, $0xF  }
0x199: {  	v14 =	vld.idx.msk [tilespmem:v27+s31+$0x0], $0xffff;
	v28, _, _ =	vpop (xrf0)  }
0x19a: {  	v11 =	vld.idx.msk [tilespmem:v25+s29+$0x0], $0xffff;
	(v2sf) =	vpush v28, $0xF;
	_ =	sdelay $0x4  }
0x19b: {  	v12 =	vmul.f32 v13, v12;
	v11 =	vmul.f32 v14, v11;
	_ =	sdelay $0x1  }
0x19c: {  	v11 =	vadd.f32 v11, v12;
	_ =	sdelay $0x1  }
0x19d: {  	(xrf2) =	vadd.scan.msk.f32 $0xffff, v11;
	_ =	sdelay $0x2  }
0x19e: {  	p0 =	seq.s32 s9, $0x1F0  }
0x19f: {  	s28 =	simm.s32 @!p0 $0x7A1400;
	s10 =	spop (v2sf)  }
0x1a0: {  	s31 =	simm.s32 @!p0 $0xA00;
	s26 =	sand.u32 @!p0 $0xFFFFF80, s10  }
0x1a1: {  	s6 =	spop (v2sf);
	s29 =	sadd.s32 @!p0 s1, s26;
	s26 =	simm.s32 @!p0 $0x400  }
0x1a2: {  	[tilespmem:s31], [sflag:$0x1] =	stream.strided.gather @!p0 [hbm4b:s29+s26], $0x1000, s28, s26, $0x38;
	[tilespmem:$0x10A00] =	vst v63  }
0x1a3: {  	s29 =	sand.u32 @!p0 $0xFFFFF80, s6  }
0x1a4: {  	s31 =	simm.s32 @!p0 $0x8A00;
	s29 =	sadd.s32 @!p0 s2, s29  }
0x1a5: {  	v11, _, _ =	vpop (xrf2);
	[tilespmem:s31], [sflag:$0x2] =	stream.strided.gather @!p0 [hbm4b:s29+s26], $0x1000, s28, s26, $0x38;
	[tilespmem:$0x10A00] =	vst v63  }
0x1a6: {  	_ =	swait.ge [sflag:s5], $0x1000  }
0x1a7: {  	[sflag:s5] =	ssyncset.done $0x0  }
0x1a8: {  	[sflag:s5] =	ssyncadd.s32 $0xFFFFF000  }
0x1a9: {  	s29 =	smin.u32 s9, $0x1EE;
	_ =	swait.ge [sflag:s3], $0x1000  }
0x1aa: {  	s29 =	sadd.s32 $0x11, s29;
	[sflag:s3] =	ssyncset.done $0x0  }
0x1ab: {  	s31 =	sand.u32 $0x1F0, s29;
	[sflag:s3] =	ssyncadd.s32 $0xFFFFF000  }
0x1ac: {  	v29 =	vld [tilespmem:s31+$0x0];
	_ =	sdelay $0x1  }
0x1ad: {  	s29 =	sand.u32 $0xF, s29;
	v30 =	vld [tilespmem:s31+$0x200]  }
0x1ae: {  	v31 =	vmov s29  }
0x1af: {  	vm5 =	veq.s32 v31, v0  }
0x1b0: {  	v12 =	vnsel vm5, $0x0, v29  }
0x1b1: {  	s12 =	sand.u32 $0x7F, s12;
	(xrf0) =	vadd.scan.msk.s32 $0xffff, v12  }
0x1b2: {  	v35 =	vor.u32 s12, v2;
	s29 =	sand.u32 $0x7F, s30;
	v13 =	vnsel vm5, $0x0, v30  }
0x1b3: {  	v33 =	vor.u32 s29, v2;
	(xrf0) =	vadd.scan.msk.s32 $0xffff, v13  }
0x1b4: {  	v32 =	vor.u32 s29, v1  }
0x1b5: {  	v34 =	vor.u32 s12, v1  }
0x1b6: {  	s12 =	simm.s32 $0x9A00  }
0x1b7: {  	s7 =	simm.s32 $0x1A00;
	v15 =	vld.idx.msk [tilespmem:v35+s12+$0x0], $0xffff;
	v16, _, _ =	vpop (xrf0)  }
0x1b8: {  	v14 =	vld.idx.msk [tilespmem:v33+s7+$0x0], $0xffff;
	(v2sf) =	vpush v16, $0xF  }
0x1b9: {  	v12 =	vld.idx.msk [tilespmem:v32+s7+$0x0], $0xffff;
	v36, _, _ =	vpop (xrf0)  }
0x1ba: {  	v13 =	vld.idx.msk [tilespmem:v34+s12+$0x0], $0xffff;
	(v2sf) =	vpush v36, $0xF;
	_ =	sdelay $0x4  }
0x1bb: {  	v37 =	vmul.f32 v15, v14;
	v12 =	vmul.f32 v13, v12;
	_ =	sdelay $0x1  }
0x1bc: {  	v12 =	vadd.f32 v37, v12;
	_ =	sdelay $0x1  }
0x1bd: {  	(xrf2) =	vadd.scan.msk.f32 $0xffff, v12;
	_ =	sdelay $0x3  }
0x1be: {  	s12 =	spop (v2sf)  }
0x1bf: {  	s29 =	sand.u32 @!p0 $0xFFFFF80, s12  }
0x1c0: {  	s31 =	simm.s32 @!p0 $0x1A00;
	s30 =	spop (v2sf);
	s29 =	sadd.s32 @!p0 s1, s29  }
0x1c1: {  	[tilespmem:s31], [sflag:$0x1] =	stream.strided.gather @!p0 [hbm4b:s29+s26], $0x1000, s28, s26, $0x38;
	[tilespmem:$0x10A00] =	vst v63  }
0x1c2: {  	s29 =	sand.u32 @!p0 $0xFFFFF80, s30  }
0x1c3: {  	s31 =	simm.s32 @!p0 $0x9A00;
	s29 =	sadd.s32 @!p0 s2, s29  }
0x1c4: {  	v12, _, _ =	vpop (xrf2);
	[tilespmem:s31], [sflag:$0x2] =	stream.strided.gather @!p0 [hbm4b:s29+s26], $0x1000, s28, s26, $0x38;
	[tilespmem:$0x10A00] =	vst v63  }
0x1c5: {  	_ =	swait.ge [sflag:s5], $0x1000  }
0x1c6: {  	[sflag:s5] =	ssyncset.done $0x0  }
0x1c7: {  	[sflag:s5] =	ssyncadd.s32 $0xFFFFF000  }
0x1c8: {  	s29 =	smin.u32 s9, $0x1ED;
	_ =	swait.ge [sflag:s3], $0x1000  }
0x1c9: {  	s29 =	sadd.s32 $0x12, s29;
	[sflag:s3] =	ssyncset.done $0x0  }
0x1ca: {  	s31 =	sand.u32 $0x1F0, s29;
	[sflag:s3] =	ssyncadd.s32 $0xFFFFF000  }
0x1cb: {  	v38 =	vld [tilespmem:s31+$0x0];
	_ =	sdelay $0x1  }
0x1cc: {  	s29 =	sand.u32 $0xF, s29;
	v39 =	vld [tilespmem:s31+$0x200]  }
0x1cd: {  	v40 =	vmov s29  }
0x1ce: {  	vm5 =	veq.s32 v40, v0  }
0x1cf: {  	v13 =	vnsel vm5, $0x0, v38  }
0x1d0: {  	s15 =	sand.u32 $0x7F, s15;
	(xrf0) =	vadd.scan.msk.s32 $0xffff, v13  }
0x1d1: {  	s13 =	sand.u32 $0x7F, s13;
	v42 =	vor.u32 s15, v2;
	v14 =	vnsel vm5, $0x0, v39  }
0x1d2: {  	v44 =	vor.u32 s13, v2;
	(xrf0) =	vadd.scan.msk.s32 $0xffff, v14  }
0x1d3: {  	v41 =	vor.u32 s15, v1  }
0x1d4: {  	v43 =	vor.u32 s13, v1  }
0x1d5: {  	s13 =	simm.s32 $0x2A00  }
0x1d6: {  	s15 =	simm.s32 $0xAA00;
	v15 =	vld.idx.msk [tilespmem:v42+s13+$0x0], $0xffff;
	v17, _, _ =	vpop (xrf0)  }
0x1d7: {  	v16 =	vld.idx.msk [tilespmem:v44+s15+$0x0], $0xffff;
	(v2sf) =	vpush v17, $0xF  }
0x1d8: {  	v13 =	vld.idx.msk [tilespmem:v41+s13+$0x0], $0xffff;
	v45, _, _ =	vpop (xrf0)  }
0x1d9: {  	v14 =	vld.idx.msk [tilespmem:v43+s15+$0x0], $0xffff;
	(v2sf) =	vpush v45, $0xF;
	_ =	sdelay $0x4  }
0x1da: {  	v46 =	vmul.f32 v16, v15;
	v13 =	vmul.f32 v14, v13;
	_ =	sdelay $0x1  }
0x1db: {  	v13 =	vadd.f32 v46, v13;
	_ =	sdelay $0x1  }
0x1dc: {  	(xrf2) =	vadd.scan.msk.f32 $0xffff, v13;
	_ =	sdelay $0x3  }
0x1dd: {  	s15 =	spop (v2sf)  }
0x1de: {  	s29 =	sand.u32 @!p0 $0xFFFFF80, s15  }
0x1df: {  	s31 =	simm.s32 @!p0 $0x2A00;
	s13 =	spop (v2sf);
	s29 =	sadd.s32 @!p0 s1, s29  }
0x1e0: {  	[tilespmem:s31], [sflag:$0x1] =	stream.strided.gather @!p0 [hbm4b:s29+s26], $0x1000, s28, s26, $0x38;
	[tilespmem:$0x10A00] =	vst v63  }
0x1e1: {  	s29 =	sand.u32 @!p0 $0xFFFFF80, s13  }
0x1e2: {  	s31 =	simm.s32 @!p0 $0xAA00;
	s29 =	sadd.s32 @!p0 s2, s29  }
0x1e3: {  	v13, _, _ =	vpop (xrf2);
	[tilespmem:s31], [sflag:$0x2] =	stream.strided.gather @!p0 [hbm4b:s29+s26], $0x1000, s28, s26, $0x38;
	[tilespmem:$0x10A00] =	vst v63  }
0x1e4: {  	_ =	swait.ge [sflag:s5], $0x1000  }
0x1e5: {  	[sflag:s5] =	ssyncset.done $0x0  }
0x1e6: {  	[sflag:s5] =	ssyncadd.s32 $0xFFFFF000  }
0x1e7: {  	s29 =	smin.u32 s9, $0x1EC;
	_ =	swait.ge [sflag:s3], $0x1000  }
0x1e8: {  	s29 =	sadd.s32 $0x13, s29;
	[sflag:s3] =	ssyncset.done $0x0  }
0x1e9: {  	s31 =	sand.u32 $0x1F0, s29;
	[sflag:s3] =	ssyncadd.s32 $0xFFFFF000  }
0x1ea: {  	v47 =	vld [tilespmem:s31+$0x0];
	_ =	sdelay $0x1  }
0x1eb: {  	s29 =	sand.u32 $0xF, s29;
	v48 =	vld [tilespmem:s31+$0x200]  }
0x1ec: {  	v49 =	vmov s29  }
0x1ed: {  	vm5 =	veq.s32 v49, v0  }
0x1ee: {  	v14 =	vnsel vm5, $0x0, v47  }
0x1ef: {  	s17 =	sand.u32 $0x7F, s17;
	(xrf0) =	vadd.scan.msk.s32 $0xffff, v14  }
0x1f0: {  	s16 =	sand.u32 $0x7F, s16;
	v51 =	vor.u32 s17, v2;
	v15 =	vnsel vm5, $0x0, v48  }
0x1f1: {  	v53 =	vor.u32 s16, v2;
	(xrf0) =	vadd.scan.msk.s32 $0xffff, v15  }
0x1f2: {  	v50 =	vor.u32 s17, v1  }
0x1f3: {  	v52 =	vor.u32 s16, v1  }
0x1f4: {  	s16 =	simm.s32 $0x3A00  }
0x1f5: {  	s17 =	simm.s32 $0xBA00;
	v16 =	vld.idx.msk [tilespmem:v51+s16+$0x0], $0xffff;
	v18, _, _ =	vpop (xrf0)  }
0x1f6: {  	v17 =	vld.idx.msk [tilespmem:v53+s17+$0x0], $0xffff;
	(v2sf) =	vpush v18, $0xF  }
0x1f7: {  	v14 =	vld.idx.msk [tilespmem:v50+s16+$0x0], $0xffff;
	v54, _, _ =	vpop (xrf0)  }
0x1f8: {  	v15 =	vld.idx.msk [tilespmem:v52+s17+$0x0], $0xffff;
	(v2sf) =	vpush v54, $0xF;
	_ =	sdelay $0x4  }
0x1f9: {  	v55 =	vmul.f32 v17, v16;
	v14 =	vmul.f32 v15, v14;
	_ =	sdelay $0x1  }
0x1fa: {  	v14 =	vadd.f32 v55, v14;
	_ =	sdelay $0x1  }
0x1fb: {  	(xrf2) =	vadd.scan.msk.f32 $0xffff, v14;
	_ =	sdelay $0x3  }
0x1fc: {  	s17 =	spop (v2sf)  }
0x1fd: {  	s29 =	sand.u32 @!p0 $0xFFFFF80, s17  }
0x1fe: {  	s31 =	simm.s32 @!p0 $0x3A00;
	s16 =	spop (v2sf);
	s29 =	sadd.s32 @!p0 s1, s29  }
0x1ff: {  	[tilespmem:s31], [sflag:$0x1] =	stream.strided.gather @!p0 [hbm4b:s29+s26], $0x1000, s28, s26, $0x38;
	[tilespmem:$0x10A00] =	vst v63  }
0x200: {  	s29 =	sand.u32 @!p0 $0xFFFFF80, s16  }
0x201: {  	s31 =	simm.s32 @!p0 $0xBA00;
	s29 =	sadd.s32 @!p0 s2, s29  }
0x202: {  	v14, _, _ =	vpop (xrf2);
	[tilespmem:s31], [sflag:$0x2] =	stream.strided.gather @!p0 [hbm4b:s29+s26], $0x1000, s28, s26, $0x38;
	[tilespmem:$0x10A00] =	vst v63  }
0x203: {  	_ =	swait.ge [sflag:s5], $0x1000  }
0x204: {  	[sflag:s5] =	ssyncset.done $0x0  }
0x205: {  	[sflag:s5] =	ssyncadd.s32 $0xFFFFF000  }
0x206: {  	s29 =	smin.u32 s9, $0x1EB;
	_ =	swait.ge [sflag:s3], $0x1000  }
0x207: {  	s29 =	sadd.s32 $0x14, s29;
	[sflag:s3] =	ssyncset.done $0x0  }
0x208: {  	s31 =	sand.u32 $0x1F0, s29;
	[sflag:s3] =	ssyncadd.s32 $0xFFFFF000  }
0x209: {  	v56 =	vld [tilespmem:s31+$0x0];
	_ =	sdelay $0x1  }
0x20a: {  	s29 =	sand.u32 $0xF, s29;
	v57 =	vld [tilespmem:s31+$0x200]  }
0x20b: {  	v58 =	vmov s29  }
0x20c: {  	vm5 =	veq.s32 v58, v0  }
0x20d: {  	v15 =	vnsel vm5, $0x0, v56  }
0x20e: {  	s19 =	sand.u32 $0x7F, s19;
	(xrf0) =	vadd.scan.msk.s32 $0xffff, v15  }
0x20f: {  	s18 =	sand.u32 $0x7F, s18;
	v60 =	vor.u32 s19, v2;
	v16 =	vnsel vm5, $0x0, v57  }
0x210: {  	v62 =	vor.u32 s18, v2;
	(xrf0) =	vadd.scan.msk.s32 $0xffff, v16  }
0x211: {  	v59 =	vor.u32 s19, v1  }
0x212: {  	v61 =	vor.u32 s18, v1  }
0x213: {  	s18 =	simm.s32 $0x4A00  }
0x214: {  	s19 =	simm.s32 $0xCA00;
	v17 =	vld.idx.msk [tilespmem:v60+s18+$0x0], $0xffff;
	v19, _, _ =	vpop (xrf0)  }
0x215: {  	v18 =	vld.idx.msk [tilespmem:v62+s19+$0x0], $0xffff;
	(v2sf) =	vpush v19, $0xF  }
0x216: {  	v15 =	vld.idx.msk [tilespmem:v59+s18+$0x0], $0xffff;
	v63, _, _ =	vpop (xrf0)  }
0x217: {  	v16 =	vld.idx.msk [tilespmem:v61+s19+$0x0], $0xffff;
	(v2sf) =	vpush v63, $0xF;
	_ =	sdelay $0x4  }
0x218: {  	v21 =	vmul.f32 v18, v17;
	v15 =	vmul.f32 v16, v15;
	_ =	sdelay $0x1  }
0x219: {  	v15 =	vadd.f32 v21, v15;
	_ =	sdelay $0x1  }
0x21a: {  	(xrf2) =	vadd.scan.msk.f32 $0xffff, v15;
	_ =	sdelay $0x3  }
0x21b: {  	s19 =	spop (v2sf)  }
0x21c: {  	s29 =	sand.u32 @!p0 $0xFFFFF80, s19  }
0x21d: {  	s31 =	simm.s32 @!p0 $0x4A00;
	s18 =	spop (v2sf);
	s29 =	sadd.s32 @!p0 s1, s29  }
0x21e: {  	[tilespmem:s31], [sflag:$0x1] =	stream.strided.gather @!p0 [hbm4b:s29+s26], $0x1000, s28, s26, $0x38;
	[tilespmem:$0x10A00] =	vst v63  }
0x21f: {  	s29 =	sand.u32 @!p0 $0xFFFFF80, s18  }
0x220: {  	s31 =	simm.s32 @!p0 $0xCA00;
	s29 =	sadd.s32 @!p0 s2, s29  }
0x221: {  	v15, _, _ =	vpop (xrf2);
	[tilespmem:s31], [sflag:$0x2] =	stream.strided.gather @!p0 [hbm4b:s29+s26], $0x1000, s28, s26, $0x38;
	[tilespmem:$0x10A00] =	vst v63  }
0x222: {  	_ =	swait.ge [sflag:s5], $0x1000  }
0x223: {  	[sflag:s5] =	ssyncset.done $0x0  }
0x224: {  	[sflag:s5] =	ssyncadd.s32 $0xFFFFF000  }
0x225: {  	s29 =	smin.u32 s9, $0x1EA;
	_ =	swait.ge [sflag:s3], $0x1000  }
0x226: {  	s29 =	sadd.s32 $0x15, s29;
	[sflag:s3] =	ssyncset.done $0x0  }
0x227: {  	s31 =	sand.u32 $0x1F0, s29;
	[sflag:s3] =	ssyncadd.s32 $0xFFFFF000  }
0x228: {  	v22 =	vld [tilespmem:s31+$0x0];
	_ =	sdelay $0x1  }
0x229: {  	s29 =	sand.u32 $0xF, s29;
	v23 =	vld [tilespmem:s31+$0x200]  }
0x22a: {  	v24 =	vmov s29  }
0x22b: {  	vm5 =	veq.s32 v24, v0  }
0x22c: {  	v16 =	vnsel vm5, $0x0, v22  }
0x22d: {  	s21 =	sand.u32 $0x7F, s21;
	(xrf0) =	vadd.scan.msk.s32 $0xffff, v16  }
0x22e: {  	s20 =	sand.u32 $0x7F, s20;
	v26 =	vor.u32 s21, v2;
	v17 =	vnsel vm5, $0x0, v23  }
0x22f: {  	v28 =	vor.u32 s20, v2;
	(xrf0) =	vadd.scan.msk.s32 $0xffff, v17  }
0x230: {  	v25 =	vor.u32 s21, v1  }
0x231: {  	v27 =	vor.u32 s20, v1  }
0x232: {  	s20 =	simm.s32 $0x5A00  }
0x233: {  	s21 =	simm.s32 $0xDA00;
	v18 =	vld.idx.msk [tilespmem:v26+s20+$0x0], $0xffff;
	v20, _, _ =	vpop (xrf0)  }
0x234: {  	v19 =	vld.idx.msk [tilespmem:v28+s21+$0x0], $0xffff;
	(v2sf) =	vpush v20, $0xF  }
0x235: {  	v16 =	vld.idx.msk [tilespmem:v25+s20+$0x0], $0xffff;
	v29, _, _ =	vpop (xrf0)  }
0x236: {  	v17 =	vld.idx.msk [tilespmem:v27+s21+$0x0], $0xffff;
	(v2sf) =	vpush v29, $0xF;
	_ =	sdelay $0x4  }
0x237: {  	v30 =	vmul.f32 v19, v18;
	v16 =	vmul.f32 v17, v16;
	_ =	sdelay $0x1  }
0x238: {  	v16 =	vadd.f32 v30, v16;
	_ =	sdelay $0x1  }
0x239: {  	(xrf2) =	vadd.scan.msk.f32 $0xffff, v16;
	_ =	sdelay $0x3  }
0x23a: {  	s21 =	spop (v2sf)  }
0x23b: {  	s29 =	sand.u32 @!p0 $0xFFFFF80, s21  }
0x23c: {  	s31 =	simm.s32 @!p0 $0x5A00;
	s20 =	spop (v2sf);
	s29 =	sadd.s32 @!p0 s1, s29  }
0x23d: {  	[tilespmem:s31], [sflag:$0x1] =	stream.strided.gather @!p0 [hbm4b:s29+s26], $0x1000, s28, s26, $0x38;
	[tilespmem:$0x10A00] =	vst v63  }
0x23e: {  	s29 =	sand.u32 @!p0 $0xFFFFF80, s20  }
0x23f: {  	s31 =	simm.s32 @!p0 $0xDA00;
	s29 =	sadd.s32 @!p0 s2, s29  }
0x240: {  	v16, _, _ =	vpop (xrf2);
	[tilespmem:s31], [sflag:$0x2] =	stream.strided.gather @!p0 [hbm4b:s29+s26], $0x1000, s28, s26, $0x38;
	[tilespmem:$0x10A00] =	vst v63  }
0x241: {  	_ =	swait.ge [sflag:s5], $0x1000  }
0x242: {  	[sflag:s5] =	ssyncset.done $0x0  }
0x243: {  	[sflag:s5] =	ssyncadd.s32 $0xFFFFF000  }
0x244: {  	s29 =	smin.u32 s9, $0x1E9;
	_ =	swait.ge [sflag:s3], $0x1000  }
0x245: {  	s29 =	sadd.s32 $0x16, s29;
	[sflag:s3] =	ssyncset.done $0x0  }
0x246: {  	s31 =	sand.u32 $0x1F0, s29;
	[sflag:s3] =	ssyncadd.s32 $0xFFFFF000  }
0x247: {  	v31 =	vld [tilespmem:s31+$0x0];
	_ =	sdelay $0x1  }
0x248: {  	s29 =	sand.u32 $0xF, s29;
	v32 =	vld [tilespmem:s31+$0x200]  }
0x249: {  	v33 =	vmov s29  }
0x24a: {  	vm5 =	veq.s32 v33, v0  }
0x24b: {  	v17 =	vnsel vm5, $0x0, v31  }
0x24c: {  	s23 =	sand.u32 $0x7F, s23;
	(xrf0) =	vadd.scan.msk.s32 $0xffff, v17  }
0x24d: {  	s22 =	sand.u32 $0x7F, s22;
	v35 =	vor.u32 s23, v2;
	v18 =	vnsel vm5, $0x0, v32  }
0x24e: {  	v37 =	vor.u32 s22, v2;
	(xrf0) =	vadd.scan.msk.s32 $0xffff, v18  }
0x24f: {  	v34 =	vor.u32 s23, v1  }
0x250: {  	v36 =	vor.u32 s22, v1  }
0x251: {  	s22 =	simm.s32 $0x6A00  }
0x252: {  	s23 =	simm.s32 $0xEA00;
	v19 =	vld.idx.msk [tilespmem:v35+s22+$0x0], $0xffff;
	v21, _, _ =	vpop (xrf0)  }
0x253: {  	v20 =	vld.idx.msk [tilespmem:v37+s23+$0x0], $0xffff;
	(v2sf) =	vpush v21, $0xF  }
0x254: {  	v17 =	vld.idx.msk [tilespmem:v34+s22+$0x0], $0xffff;
	v38, _, _ =	vpop (xrf0)  }
0x255: {  	v18 =	vld.idx.msk [tilespmem:v36+s23+$0x0], $0xffff;
	(v2sf) =	vpush v38, $0xF;
	_ =	sdelay $0x4  }
0x256: {  	v39 =	vmul.f32 v20, v19;
	v17 =	vmul.f32 v18, v17;
	_ =	sdelay $0x1  }
0x257: {  	v17 =	vadd.f32 v39, v17;
	_ =	sdelay $0x1  }
0x258: {  	(xrf2) =	vadd.scan.msk.f32 $0xffff, v17;
	_ =	sdelay $0x3  }
0x259: {  	s23 =	spop (v2sf)  }
0x25a: {  	s29 =	sand.u32 @!p0 $0xFFFFF80, s23  }
0x25b: {  	s31 =	simm.s32 @!p0 $0x6A00;
	s22 =	spop (v2sf);
	s29 =	sadd.s32 @!p0 s1, s29  }
0x25c: {  	[tilespmem:s31], [sflag:$0x1] =	stream.strided.gather @!p0 [hbm4b:s29+s26], $0x1000, s28, s26, $0x38;
	[tilespmem:$0x10A00] =	vst v63  }
0x25d: {  	s29 =	sand.u32 @!p0 $0xFFFFF80, s22  }
0x25e: {  	s31 =	simm.s32 @!p0 $0xEA00;
	s29 =	sadd.s32 @!p0 s2, s29  }
0x25f: {  	v17, _, _ =	vpop (xrf2);
	[tilespmem:s31], [sflag:$0x2] =	stream.strided.gather @!p0 [hbm4b:s29+s26], $0x1000, s28, s26, $0x38;
	[tilespmem:$0x10A00] =	vst v63  }
0x260: {  	_ =	swait.ge [sflag:s5], $0x1000  }
0x261: {  	s24 =	sand.u32 $0x7F, s24;
	[sflag:s5] =	ssyncset.done $0x0  }
0x262: {  	s25 =	sand.u32 $0x7F, s25;
	v40 =	vor.u32 s24, v1;
	[sflag:s5] =	ssyncadd.s32 $0xFFFFF000  }
0x263: {  	v41 =	vor.u32 s25, v1;
	_ =	swait.ge [sflag:s3], $0x1000  }
0x264: {  	v42 =	vor.u32 s24, v2;
	v45 =	vld [tilespmem:$0x1FFF0]  }
0x265: {  	v43 =	vor.u32 s25, v2;
	[sflag:s3] =	ssyncset.done $0x0;
	v47 =	vld [tilespmem:$0x1FFB0]  }
0x266: {  	s28 =	simm.s32 $0x7A00;
	v50 =	vld [tilespmem:$0x1FFC0];
	[sflag:s3] =	ssyncadd.s32 $0xFFFFF000  }
0x267: {  	s7 =	simm.s32 $0xFA00;
	v18 =	vld.idx.msk [tilespmem:v40+s28+$0x0], $0xffff  }
0x268: {  	v19 =	vld.idx.msk [tilespmem:v41+s7+$0x0], $0xffff  }
0x269: {  	v20 =	vld.idx.msk [tilespmem:v42+s28+$0x0], $0xffff  }
0x26a: {  	v3 =	vbroadcast v3, $0xF;
	v4 =	vbroadcast v4, $0xF;
	v21 =	vld.idx.msk [tilespmem:v43+s7+$0x0], $0xffff  }
0x26b: {  	v5 =	vbroadcast v5, $0xF;
	v46 =	vbroadcast v6, $0xF;
	v52 =	vld [tilespmem:$0x1FFD0]  }
0x26c: {  	v49 =	vbroadcast v7, $0xF;
	v51 =	vbroadcast v8, $0xF;
	v54 =	vld [tilespmem:$0x1FFE0]  }
0x26d: {  	v53 =	vbroadcast v9, $0xF;
	v55 =	vbroadcast v10, $0xF;
	vm5 =	vnez.u8 v45  }
0x26e: {  	v3 =	vsel vm5, v3, v4;
	vm5 =	vnez.u8 v47;
	v18 =	vmul.f32 v19, v18  }
0x26f: {  	v44 =	vmul.f32 v21, v20;
	v3 =	vsel vm5, v3, v5;
	vm5 =	vnez.u8 v50  }
0x270: {  	v58 =	vbroadcast v13, $0xF;
	v3 =	vsel vm5, v3, v46;
	vm5 =	vnez.u8 v52  }
0x271: {  	v48 =	vadd.f32 v44, v18;
	v3 =	vsel vm5, v3, v49;
	vm5 =	vnez.u8 v54  }
0x272: {  	v56 =	vbroadcast v11, $0xF;
	v3 =	vsel vm5, v3, v51;
	vm5 =	vmmov $0x3f  }
0x273: {  	v57 =	vbroadcast v12, $0xF;
	(xrf2) =	vadd.scan.msk.f32 $0xffff, v48;
	v3 =	vsel vm5, v3, v53;
	vm5 =	vmmov $0x7f  }
0x274: {  	v59 =	vbroadcast v14, $0xF;
	v3 =	vsel vm5, v3, v55;
	vm5 =	vmmov $0xff  }
0x275: {  	v60 =	vbroadcast v15, $0xF;
	v3 =	vsel vm5, v3, v56;
	vm5 =	vmmov vm6  }
0x276: {  	vm6 =	vmmov vm7;
	vm7 =	vmmov vm8;
	vm8 =	vmmov vm9  }
0x277: {  	vm9 =	vmmov vm10;
	vm10 =	vmmov vm12;
	vm12 =	vmmov vm14  }
0x278: {  	vm14 =	vmmov vm1;
	vm1 =	vmmov vm3;
	v3 =	vsel vm5, v57, v3  }
0x279: {  	s9 =	sadd.s32 $0x10, s9;
	vm3 =	vmmov vm0;
	vm0 =	vmmov vm13;
	v3 =	vsel vm6, v58, v3  }
0x27a: {  	v61 =	vbroadcast v16, $0xF;
	p0 =	sne.s32 s9, $0x200;
	v3 =	vsel vm0, v59, v3  }
.Ltmp0:
0x27b: {  	v62 =	vbroadcast v17, $0xF;
	v3 =	vsel vm2, v60, v3;
	(pc) =	sbr.rel @p0 .LBB2_2-.Ltmp0, $4  }
0x27c: {  	vm13 =	vmmov vm15;
	v3 =	vsel vm11, v61, v3  }
0x27d: {  	v3 =	vsel vm13, v62, v3;
	v63, _, _ =	vpop (xrf2)  }
0x27e: {  	s8 =	sadd.s32 $0x10, s8;
	s4 =	sadd.s32 $0x10, s4;
	s26 =	rddreg [dreg:$0xd];
	v3 =	vsel vm4, v3, v63  }
0x27f: {  	s31 =	simm.s32 $0x8A00;
	s29 =	simm.s32 $0xA00;
	s0 =	sadd.s32 $0x10, s26;
	vm15 =	vmmov vm2;
	[tilespmem:s26+$0x0] =	vst v3  }
0x280: {  	s9 =	simm.s32 $0x0  }
0x281: {  	s4 =	rddreg [dreg:$0xa];
	s0 =	simm.s32 $0x800;
	s7 =	simm.s32 $0x4  }
0x282: {  	[hbm4b:s4+s9] =	stream.linear.scatter [tilespmem:s0], [sflag:$0x4], $0x200, $0x38;
	[tilespmem:$0x10A00] =	vst v63  }
0x283: {  	_ =	swait.ge [sflag:s7], $0x200  }
0x284: {  	s6 =	rddreg [dreg:$0xc]  }
0x285: {  	s30 =	rddreg [dreg:$0xb];
	s6 =	sadd.s32 $0x1, s6  }
0x286: {  	v3 =	vld [tilespmem:$0x1FFF0];
	p0 =	sne.s32 s6, s30  }
.Ltmp1:
0x287: {  	s8 =	simm.s32 $0x9A00;
	s16 =	simm.s32 $0x2A00;
	(pc) =	sbr.rel @p0 .LBB2_1-.Ltmp1, $4  }
0x288: {  	s17 =	simm.s32 $0xAA00;
	s18 =	simm.s32 $0x3A00;
	s19 =	simm.s32 $0xBA00  }
0x289: {  	s20 =	simm.s32 $0x4A00;
	s21 =	simm.s32 $0xCA00;
	s22 =	simm.s32 $0x5A00  }
0x28a: {  	s23 =	simm.s32 $0xDA00;
	s24 =	simm.s32 $0x6A00;
	[sflag:s7] =	ssyncset.done $0x0  }
0x28b: {  	s25 =	simm.s32 $0xEA00;
	s0 =	simm.s32 $0x1A00;
	[sflag:s7] =	ssyncadd.s32 $0xFFFFFE00;
	vm4 =	vnez.u8 v3  }
0x28c: {  	_ =	sfence.sel $0x180000  }
0x28d: {  	[bflag:$0x0] =	sbarrier.arrive $0xFFFF  }
0x28e: {  	_ =	strace $0x90000047  }
0x28f: {  	s0 =	stileid.u32;
	[bflag:$0x2] =	sbarrier.arrive $0xFFFF  }
0x290: {  	p0 =	sne.s32 s0, $0x0;
	s0 =	rddreg [dreg:$0x7]  }
0x291: {  	s0 =	sadd.s32 @!p0 $0x100000, s0  }
0x292: {  	[sflag:s0] =	ssyncadd.tile.s32 @!p0 $0x1;
	_ =	shalt  }
.Lfunc_end2:
_tile_overlayer_lowered:
.L_overlay_start_2:
0x293: {  	(tag) =	ssettag $0x2  }
0x294: {  	s0 =	rddreg [dreg:$0x0];
	s2 =	stileid.u32  }
0x295: {  	s1 =	rddreg [dreg:$0x1];
	p0 =	sne.s32 s2, $0x0  }
0x296: {  	s3 =	rddreg [dreg:$0x2];
	[bflag:$0x3] =	sbarrier.arrive $0xFFFF;
	s2 =	simm.s32 @!p0 $0x1C04  }
0x297: {  	[timem:s3], [sflag:s2] =	dma.local @!p0 [hbm:s0], s1  }
0x298: {  	s0 =	simm.s32 @!p0 $0x4  }
0x299: {  	_ =	swait.ge @!p0 [sflag:s0], s1  }
0x29a: {  	s1 =	ssub.s32 @!p0 $0x0, s1;
	[sflag:s0] =	ssyncset.done @!p0 $0x0  }
0x29b: {  	[sflag:s0] =	ssyncadd.s32 @!p0 s1  }
0x29c: {  	[bflag:$0x3] =	sbarrier.arrive $0xFFFF  }
0x29d: {  	_ =	shalt  }

</sc_bundles>
